<compile_context>
chip_gen: v7x
topology: tpu7x:2x2x1
jax: 0.10.2.dev20260603
libtpu: 0.0.44.dev20260713+nightly
codegen_flags: <defaults>
</compile_context>

<pallas_src>
import functools

import jax
import jax.numpy as jnp
from jax import lax
from jax.experimental import pallas as pl
from jax.experimental.pallas import tpu as pltpu
from jax.experimental.pallas import tpu_sc as plsc

_NC = 2
_NS = 16
_NW = _NC * _NS

_V = 1000000
_D = 32
_LANES = 128
_FULL = _V // _LANES
_TAIL = _V - _FULL * _LANES


@functools.cache
def _make_linearize():
    mesh = plsc.VectorSubcoreMesh(core_axis_name="c", subcore_axis_name="s")
    n_loop = _FULL // _NW
    n_rem = _FULL - n_loop * _NW

    @functools.partial(
        pl.kernel,
        mesh=mesh,
        out_type=jax.ShapeDtypeStruct((_V * _D,), jnp.float32),
        scratch_types=[
            pltpu.VMEM((4, 8, _LANES), jnp.float32),
            pltpu.VMEM((_LANES * _D,), jnp.float32),
            pltpu.VMEM((4, 8, _TAIL), jnp.float32),
            pltpu.VMEM((_TAIL * _D,), jnp.float32),
            pltpu.SemaphoreType.DMA,
        ],
        compiler_params=pltpu.CompilerParams(use_tc_tiling_on_sc=True,
                                             needs_layout_passes=False),
    )
    def linearize(tab_t_hbm, out_hbm, blk_v, out_v, blk_t, out_t, sem):
        wid = lax.axis_index("s") * _NC + lax.axis_index("c")
        iota = lax.iota(jnp.int32, 16)
        sub_lo = [iota >> 3, iota & 7]
        sub_hi = [(iota >> 3) + 2, iota & 7]

        def do_block(c, blk, outb, width):
            handles = [
                pltpu.async_copy(
                    tab_t_hbm.at[pl.ds(r * 8, 8), pl.ds(c * _LANES, width)],
                    blk.at[r], sem)
                for r in range(4)
            ]
            for hd in handles:
                hd.wait()

            @plsc.parallel_loop(0, width, 1, unroll=8)
            def _(t):
                idx_i = ((t >> 4) << 4) + ((iota + t) & 15)
                lo = plsc.load_gather(blk, sub_lo + [idx_i])
                plsc.store_scatter(outb, [idx_i * _D + iota], lo)
                hi = plsc.load_gather(blk, sub_hi + [idx_i])
                plsc.store_scatter(outb, [idx_i * _D + 16 + iota], hi)

            pltpu.sync_copy(outb, out_hbm.at[pl.ds(c * _LANES * _D,
                                                   width * _D)])

        def body(k, carry):
            do_block(wid + k * _NW, blk_v, out_v, _LANES)
            return carry

        lax.fori_loop(0, n_loop, body, 0)

        @pl.when(wid < n_rem)
        def _():
            do_block(n_loop * _NW + wid, blk_v, out_v, _LANES)

        @pl.when(wid == n_rem)
        def _():
            do_block(_FULL, blk_t, out_t, _TAIL)

    return linearize


@functools.cache
def _make_gather(b, h, d, nb):
    b_per_w = b // _NW
    n_chunks = b_per_w // nb
    mesh = plsc.VectorSubcoreMesh(core_axis_name="c", subcore_axis_name="s")

    @functools.partial(
        pl.kernel,
        mesh=mesh,
        out_type=jax.ShapeDtypeStruct((b, h, d), jnp.float32),
        scratch_types=[
            pltpu.VMEM((nb, h), jnp.int32),
            pltpu.VMEM((nb, h, d), jnp.float32),
            pltpu.SemaphoreType.DMA,
        ],
        compiler_params=pltpu.CompilerParams(use_tc_tiling_on_sc=False),
    )
    def gather(table_hbm, idx_hbm, out_hbm, idx_v, rows_v, sem):
        wid = lax.axis_index("s") * _NC + lax.axis_index("c")
        base = wid * b_per_w

        def body(i, carry):
            b0 = base + i * nb
            pltpu.sync_copy(idx_hbm.at[pl.ds(b0, nb)], idx_v)
            handles = [
                pltpu.async_copy(table_hbm.at[idx_v.at[r]], rows_v.at[r], sem)
                for r in range(nb)
            ]
            for hd in handles:
                hd.wait()
            pltpu.sync_copy(rows_v, out_hbm.at[pl.ds(b0, nb)])
            return carry

        lax.fori_loop(0, n_chunks, body, 0)

    return gather


def kernel(input, embedding_matrix):
    b, h = input.shape
    v, d = embedding_matrix.shape
    idx = input.astype(jnp.int32)
    t_lin = _make_linearize()(embedding_matrix.T)
    table_lin = t_lin.reshape(v, d)
    return _make_gather(b, h, d, 16)(table_lin, idx)

# --- scband reference (transcript-rebuilt; emitter-appended) ---
"""Pipeline reference for scband-embedding-31980326486690 (READ-ONLY COPY).

The authoritative reference and input builder live on the scoring server;
editing this copy changes nothing except your own understanding.
"""

import jax, jax.numpy as jnp
import numpy as np

VOCAB_SIZE = 1000000
EMBED_SIZE = 32
BATCH = 16384
HIST = 50


def setup_inputs(seed: int = 0) -> dict:
    key = jax.random.key(seed)
    k_idx, k_tab = jax.random.split(key)
    input = jax.random.randint(k_idx, (BATCH, HIST), 0, VOCAB_SIZE, dtype=jnp.int64 if jax.config.jax_enable_x64 else jnp.int32)
    embedding_matrix = jax.random.normal(k_tab, (VOCAB_SIZE, EMBED_SIZE), dtype=jnp.float32)
    return {"input": input, "embedding_matrix": embedding_matrix}


def reference(input, embedding_matrix):
    # Faithful translation of: return self.embedding_matrix[input]
    return jnp.take(embedding_matrix, input, axis=0)

if __name__ == "__main__":
    import jax
    _d = setup_inputs()
    print(jax.jit(kernel)(*tuple(_d.values())))

</pallas_src>

<mosaic_0001>
#map = affine_map<(d0, d1) -> (0, 0)>
#map1 = affine_map<(d0, d1) -> (0)>
module attributes {stable_mosaic.version = 14 : i64} {
  func.func @linearize(%arg0: i32, %arg1: i32, %arg2: memref<32x1000000xf32, #tpu.memory_space<hbm>>, %arg3: memref<32000000xf32, #tpu.memory_space<hbm>>, %arg4: memref<4x8x128xf32, #tpu.memory_space<vmem>>, %arg5: memref<4096xf32, #tpu.memory_space<vmem>>, %arg6: memref<4x8x64xf32, #tpu.memory_space<vmem>>, %arg7: memref<2048xf32, #tpu.memory_space<vmem>>, %arg8: memref<!tpu.dma_semaphore, #tpu.memory_space<semaphore_mem>>) attributes {dimension_semantics = [#tpu.dimension_semantics<core_parallel>, #tpu.dimension_semantics<subcore_parallel>], iteration_bounds = array<i64: 2, 16>, scalar_prefetch = 0 : i64, scratch_operands = 5 : i64, tpu.core_type = #tpu.core_type<sc_vector_subcore>, window_params = [{transform_indices = #map}, {transform_indices = #map1}]} {
    %mul3A = arith.constant 2 : i32
    %mul3A_0 = arith.muli %arg1, %mul3A : i32
    %add3A = arith.addi %mul3A_0, %arg0 : i32
    %iota3A = tpu.iota {dimensions = array<i32: 0>} : vector<16xi32>
    %shift_right_arithmetic3A = arith.constant 3 : i32
    %shift_right_arithmetic3A_1 = vector.broadcast %shift_right_arithmetic3A : i32 to vector<16xi32>
    %shift_right_arithmetic3A_2 = arith.shrsi %iota3A, %shift_right_arithmetic3A_1 : vector<16xi32>
    %and3A = arith.constant 7 : i32
    %and3A_3 = vector.broadcast %and3A : i32 to vector<16xi32>
    %and3A_4 = arith.andi %iota3A, %and3A_3 : vector<16xi32>
    %shift_right_arithmetic3A_5 = arith.constant 3 : i32
    %shift_right_arithmetic3A_6 = vector.broadcast %shift_right_arithmetic3A_5 : i32 to vector<16xi32>
    %shift_right_arithmetic3A_7 = arith.shrsi %iota3A, %shift_right_arithmetic3A_6 : vector<16xi32>
    %add3A_8 = arith.constant 2 : i32
    %add3A_9 = vector.broadcast %add3A_8 : i32 to vector<16xi32>
    %add3A_10 = arith.addi %shift_right_arithmetic3A_7, %add3A_9 : vector<16xi32>
    %and3A_11 = arith.constant 7 : i32
    %and3A_12 = vector.broadcast %and3A_11 : i32 to vector<16xi32>
    %and3A_13 = arith.andi %iota3A, %and3A_12 : vector<16xi32>
    %scan3A = arith.constant 0 : i32
    %scan3A_14 = arith.constant 0 : i32
    %scan3A_15 = arith.constant 244 : i32
    %scan3A_16 = arith.addi %scan3A_14, %scan3A_15 : i32
    %scan3A_17 = arith.constant 1 : i32
    scf.for %scan3A_25 = %scan3A_14 to %scan3A_16 step %scan3A_17  : i32 {
      %mul3A_26 = arith.constant 32 : i32
      %mul3A_27 = arith.muli %scan3A_25, %mul3A_26 : i32
      %add3A_28 = arith.addi %add3A, %mul3A_27 : i32
      %mul3A_29 = arith.constant 128 : i32
      %mul3A_30 = arith.muli %add3A_28, %mul3A_29 : i32
      %dma_start3A = arith.constant 0 : i32
      %dma_start3A_31 = arith.constant 0 : i32
      %dma_start3A_32 = arith.constant 0 : i32
      %dma_start3A_33 = tpu.memref_slice %arg4[%dma_start3A, %dma_start3A_31, %dma_start3A_32] : memref<4x8x128xf32, #tpu.memory_space<vmem>> -> memref<1x8x128xf32, #tpu.memory_space<vmem>>
      %dma_start3A_34 = tpu.memref_squeeze %dma_start3A_33 : memref<1x8x128xf32, #tpu.memory_space<vmem>> -> memref<8x128xf32, #tpu.memory_space<vmem>>
      %dma_start3A_35 = arith.constant 0 : i32
      %dma_start3A_36 = tpu.memref_slice %arg2[%dma_start3A_35, %mul3A_30] : memref<32x1000000xf32, #tpu.memory_space<hbm>> -> memref<8x128xf32, #tpu.memory_space<hbm>>
      %dma_start3A_37 = arith.constant 0 : i32
      %dma_start3A_38 = arith.constant 0 : i32
      %dma_start3A_39 = tpu.memref_slice %arg4[%dma_start3A, %dma_start3A_37, %dma_start3A_38] : memref<4x8x128xf32, #tpu.memory_space<vmem>> -> memref<1x8x128xf32, #tpu.memory_space<vmem>>
      %dma_start3A_40 = tpu.memref_squeeze %dma_start3A_39 : memref<1x8x128xf32, #tpu.memory_space<vmem>> -> memref<8x128xf32, #tpu.memory_space<vmem>>
      %dma_start3A_41 = arith.constant 0 : i32
      %dma_start3A_42 = tpu.memref_slice %arg2[%dma_start3A_41, %mul3A_30] : memref<32x1000000xf32, #tpu.memory_space<hbm>> -> memref<8x128xf32, #tpu.memory_space<hbm>>
      tpu.enqueue_dma source(%dma_start3A_42 : memref<8x128xf32, #tpu.memory_space<hbm>>) target(%dma_start3A_40 : memref<8x128xf32, #tpu.memory_space<vmem>>) target_semaphore(%arg8 : memref<!tpu.dma_semaphore, #tpu.memory_space<semaphore_mem>>)
      %mul3A_43 = arith.constant 128 : i32
      %mul3A_44 = arith.muli %add3A_28, %mul3A_43 : i32
      %dma_start3A_45 = arith.constant 1 : i32
      %dma_start3A_46 = arith.constant 0 : i32
      %dma_start3A_47 = arith.constant 0 : i32
      %dma_start3A_48 = tpu.memref_slice %arg4[%dma_start3A_45, %dma_start3A_46, %dma_start3A_47] : memref<4x8x128xf32, #tpu.memory_space<vmem>> -> memref<1x8x128xf32, #tpu.memory_space<vmem>>
      %dma_start3A_49 = tpu.memref_squeeze %dma_start3A_48 : memref<1x8x128xf32, #tpu.memory_space<vmem>> -> memref<8x128xf32, #tpu.memory_space<vmem>>
      %dma_start3A_50 = arith.constant 8 : i32
      %dma_start3A_51 = tpu.memref_slice %arg2[%dma_start3A_50, %mul3A_44] : memref<32x1000000xf32, #tpu.memory_space<hbm>> -> memref<8x128xf32, #tpu.memory_space<hbm>>
      %dma_start3A_52 = arith.constant 0 : i32
      %dma_start3A_53 = arith.constant 0 : i32
      %dma_start3A_54 = tpu.memref_slice %arg4[%dma_start3A_45, %dma_start3A_52, %dma_start3A_53] : memref<4x8x128xf32, #tpu.memory_space<vmem>> -> memref<1x8x128xf32, #tpu.memory_space<vmem>>
      %dma_start3A_55 = tpu.memref_squeeze %dma_start3A_54 : memref<1x8x128xf32, #tpu.memory_space<vmem>> -> memref<8x128xf32, #tpu.memory_space<vmem>>
      %dma_start3A_56 = arith.constant 8 : i32
      %dma_start3A_57 = tpu.memref_slice %arg2[%dma_start3A_56, %mul3A_44] : memref<32x1000000xf32, #tpu.memory_space<hbm>> -> memref<8x128xf32, #tpu.memory_space<hbm>>
      tpu.enqueue_dma source(%dma_start3A_57 : memref<8x128xf32, #tpu.memory_space<hbm>>) target(%dma_start3A_55 : memref<8x128xf32, #tpu.memory_space<vmem>>) target_semaphore(%arg8 : memref<!tpu.dma_semaphore, #tpu.memory_space<semaphore_mem>>)
      %mul3A_58 = arith.constant 128 : i32
      %mul3A_59 = arith.muli %add3A_28, %mul3A_58 : i32
      %dma_start3A_60 = arith.constant 2 : i32
      %dma_start3A_61 = arith.constant 0 : i32
      %dma_start3A_62 = arith.constant 0 : i32
      %dma_start3A_63 = tpu.memref_slice %arg4[%dma_start3A_60, %dma_start3A_61, %dma_start3A_62] : memref<4x8x128xf32, #tpu.memory_space<vmem>> -> memref<1x8x128xf32, #tpu.memory_space<vmem>>
      %dma_start3A_64 = tpu.memref_squeeze %dma_start3A_63 : memref<1x8x128xf32, #tpu.memory_space<vmem>> -> memref<8x128xf32, #tpu.memory_space<vmem>>
      %dma_start3A_65 = arith.constant 16 : i32
      %dma_start3A_66 = tpu.memref_slice %arg2[%dma_start3A_65, %mul3A_59] : memref<32x1000000xf32, #tpu.memory_space<hbm>> -> memref<8x128xf32, #tpu.memory_space<hbm>>
      %dma_start3A_67 = arith.constant 0 : i32
      %dma_start3A_68 = arith.constant 0 : i32
      %dma_start3A_69 = tpu.memref_slice %arg4[%dma_start3A_60, %dma_start3A_67, %dma_start3A_68] : memref<4x8x128xf32, #tpu.memory_space<vmem>> -> memref<1x8x128xf32, #tpu.memory_space<vmem>>
      %dma_start3A_70 = tpu.memref_squeeze %dma_start3A_69 : memref<1x8x128xf32, #tpu.memory_space<vmem>> -> memref<8x128xf32, #tpu.memory_space<vmem>>
      %dma_start3A_71 = arith.constant 16 : i32
      %dma_start3A_72 = tpu.memref_slice %arg2[%dma_start3A_71, %mul3A_59] : memref<32x1000000xf32, #tpu.memory_space<hbm>> -> memref<8x128xf32, #tpu.memory_space<hbm>>
      tpu.enqueue_dma source(%dma_start3A_72 : memref<8x128xf32, #tpu.memory_space<hbm>>) target(%dma_start3A_70 : memref<8x128xf32, #tpu.memory_space<vmem>>) target_semaphore(%arg8 : memref<!tpu.dma_semaphore, #tpu.memory_space<semaphore_mem>>)
      %mul3A_73 = arith.constant 128 : i32
      %mul3A_74 = arith.muli %add3A_28, %mul3A_73 : i32
      %dma_start3A_75 = arith.constant 3 : i32
      %dma_start3A_76 = arith.constant 0 : i32
      %dma_start3A_77 = arith.constant 0 : i32
      %dma_start3A_78 = tpu.memref_slice %arg4[%dma_start3A_75, %dma_start3A_76, %dma_start3A_77] : memref<4x8x128xf32, #tpu.memory_space<vmem>> -> memref<1x8x128xf32, #tpu.memory_space<vmem>>
      %dma_start3A_79 = tpu.memref_squeeze %dma_start3A_78 : memref<1x8x128xf32, #tpu.memory_space<vmem>> -> memref<8x128xf32, #tpu.memory_space<vmem>>
      %dma_start3A_80 = arith.constant 24 : i32
      %dma_start3A_81 = tpu.memref_slice %arg2[%dma_start3A_80, %mul3A_74] : memref<32x1000000xf32, #tpu.memory_space<hbm>> -> memref<8x128xf32, #tpu.memory_space<hbm>>
      %dma_start3A_82 = arith.constant 0 : i32
      %dma_start3A_83 = arith.constant 0 : i32
      %dma_start3A_84 = tpu.memref_slice %arg4[%dma_start3A_75, %dma_start3A_82, %dma_start3A_83] : memref<4x8x128xf32, #tpu.memory_space<vmem>> -> memref<1x8x128xf32, #tpu.memory_space<vmem>>
      %dma_start3A_85 = tpu.memref_squeeze %dma_start3A_84 : memref<1x8x128xf32, #tpu.memory_space<vmem>> -> memref<8x128xf32, #tpu.memory_space<vmem>>
      %dma_start3A_86 = arith.constant 24 : i32
      %dma_start3A_87 = tpu.memref_slice %arg2[%dma_start3A_86, %mul3A_74] : memref<32x1000000xf32, #tpu.memory_space<hbm>> -> memref<8x128xf32, #tpu.memory_space<hbm>>
      tpu.enqueue_dma source(%dma_start3A_87 : memref<8x128xf32, #tpu.memory_space<hbm>>) target(%dma_start3A_85 : memref<8x128xf32, #tpu.memory_space<vmem>>) target_semaphore(%arg8 : memref<!tpu.dma_semaphore, #tpu.memory_space<semaphore_mem>>)
      %dma_wait3A = arith.constant 0 : i32
      %dma_wait3A_88 = arith.constant 0 : i32
      %dma_wait3A_89 = arith.constant 0 : i32
      %dma_wait3A_90 = tpu.memref_slice %arg4[%dma_wait3A, %dma_wait3A_88, %dma_wait3A_89] : memref<4x8x128xf32, #tpu.memory_space<vmem>> -> memref<1x8x128xf32, #tpu.memory_space<vmem>>
      %dma_wait3A_91 = tpu.memref_squeeze %dma_wait3A_90 : memref<1x8x128xf32, #tpu.memory_space<vmem>> -> memref<8x128xf32, #tpu.memory_space<vmem>>
      %dma_wait3A_92 = arith.constant 0 : i32
      %dma_wait3A_93 = tpu.memref_slice %arg2[%dma_wait3A_92, %mul3A_30] : memref<32x1000000xf32, #tpu.memory_space<hbm>> -> memref<8x128xf32, #tpu.memory_space<hbm>>
      %dma_wait3A_94 = arith.constant 0 : i32
      %dma_wait3A_95 = arith.constant 0 : i32
      %dma_wait3A_96 = tpu.memref_slice %arg4[%dma_wait3A, %dma_wait3A_94, %dma_wait3A_95] : memref<4x8x128xf32, #tpu.memory_space<vmem>> -> memref<1x8x128xf32, #tpu.memory_space<vmem>>
      %dma_wait3A_97 = tpu.memref_squeeze %dma_wait3A_96 : memref<1x8x128xf32, #tpu.memory_space<vmem>> -> memref<8x128xf32, #tpu.memory_space<vmem>>
      %dma_wait3A_98 = arith.constant 0 : i32
      %dma_wait3A_99 = tpu.memref_slice %arg2[%dma_wait3A_98, %mul3A_30] : memref<32x1000000xf32, #tpu.memory_space<hbm>> -> memref<8x128xf32, #tpu.memory_space<hbm>>
      tpu.wait_dma2 semaphore(%arg8 : memref<!tpu.dma_semaphore, #tpu.memory_space<semaphore_mem>>) src(%dma_wait3A_99 : memref<8x128xf32, #tpu.memory_space<hbm>>) dst(%dma_wait3A_97 : memref<8x128xf32, #tpu.memory_space<vmem>>)
      %dma_wait3A_100 = arith.constant 1 : i32
      %dma_wait3A_101 = arith.constant 0 : i32
      %dma_wait3A_102 = arith.constant 0 : i32
      %dma_wait3A_103 = tpu.memref_slice %arg4[%dma_wait3A_100, %dma_wait3A_101, %dma_wait3A_102] : memref<4x8x128xf32, #tpu.memory_space<vmem>> -> memref<1x8x128xf32, #tpu.memory_space<vmem>>
      %dma_wait3A_104 = tpu.memref_squeeze %dma_wait3A_103 : memref<1x8x128xf32, #tpu.memory_space<vmem>> -> memref<8x128xf32, #tpu.memory_space<vmem>>
      %dma_wait3A_105 = arith.constant 8 : i32
      %dma_wait3A_106 = tpu.memref_slice %arg2[%dma_wait3A_105, %mul3A_44] : memref<32x1000000xf32, #tpu.memory_space<hbm>> -> memref<8x128xf32, #tpu.memory_space<hbm>>
      %dma_wait3A_107 = arith.constant 0 : i32
      %dma_wait3A_108 = arith.constant 0 : i32
      %dma_wait3A_109 = tpu.memref_slice %arg4[%dma_wait3A_100, %dma_wait3A_107, %dma_wait3A_108] : memref<4x8x128xf32, #tpu.memory_space<vmem>> -> memref<1x8x128xf32, #tpu.memory_space<vmem>>
      %dma_wait3A_110 = tpu.memref_squeeze %dma_wait3A_109 : memref<1x8x128xf32, #tpu.memory_space<vmem>> -> memref<8x128xf32, #tpu.memory_space<vmem>>
      %dma_wait3A_111 = arith.constant 8 : i32
      %dma_wait3A_112 = tpu.memref_slice %arg2[%dma_wait3A_111, %mul3A_44] : memref<32x1000000xf32, #tpu.memory_space<hbm>> -> memref<8x128xf32, #tpu.memory_space<hbm>>
      tpu.wait_dma2 semaphore(%arg8 : memref<!tpu.dma_semaphore, #tpu.memory_space<semaphore_mem>>) src(%dma_wait3A_112 : memref<8x128xf32, #tpu.memory_space<hbm>>) dst(%dma_wait3A_110 : memref<8x128xf32, #tpu.memory_space<vmem>>)
      %dma_wait3A_113 = arith.constant 2 : i32
      %dma_wait3A_114 = arith.constant 0 : i32
      %dma_wait3A_115 = arith.constant 0 : i32
      %dma_wait3A_116 = tpu.memref_slice %arg4[%dma_wait3A_113, %dma_wait3A_114, %dma_wait3A_115] : memref<4x8x128xf32, #tpu.memory_space<vmem>> -> memref<1x8x128xf32, #tpu.memory_space<vmem>>
      %dma_wait3A_117 = tpu.memref_squeeze %dma_wait3A_116 : memref<1x8x128xf32, #tpu.memory_space<vmem>> -> memref<8x128xf32, #tpu.memory_space<vmem>>
      %dma_wait3A_118 = arith.constant 16 : i32
      %dma_wait3A_119 = tpu.memref_slice %arg2[%dma_wait3A_118, %mul3A_59] : memref<32x1000000xf32, #tpu.memory_space<hbm>> -> memref<8x128xf32, #tpu.memory_space<hbm>>
      %dma_wait3A_120 = arith.constant 0 : i32
      %dma_wait3A_121 = arith.constant 0 : i32
      %dma_wait3A_122 = tpu.memref_slice %arg4[%dma_wait3A_113, %dma_wait3A_120, %dma_wait3A_121] : memref<4x8x128xf32, #tpu.memory_space<vmem>> -> memref<1x8x128xf32, #tpu.memory_space<vmem>>
      %dma_wait3A_123 = tpu.memref_squeeze %dma_wait3A_122 : memref<1x8x128xf32, #tpu.memory_space<vmem>> -> memref<8x128xf32, #tpu.memory_space<vmem>>
      %dma_wait3A_124 = arith.constant 16 : i32
      %dma_wait3A_125 = tpu.memref_slice %arg2[%dma_wait3A_124, %mul3A_59] : memref<32x1000000xf32, #tpu.memory_space<hbm>> -> memref<8x128xf32, #tpu.memory_space<hbm>>
      tpu.wait_dma2 semaphore(%arg8 : memref<!tpu.dma_semaphore, #tpu.memory_space<semaphore_mem>>) src(%dma_wait3A_125 : memref<8x128xf32, #tpu.memory_space<hbm>>) dst(%dma_wait3A_123 : memref<8x128xf32, #tpu.memory_space<vmem>>)
      %dma_wait3A_126 = arith.constant 3 : i32
      %dma_wait3A_127 = arith.constant 0 : i32
      %dma_wait3A_128 = arith.constant 0 : i32
      %dma_wait3A_129 = tpu.memref_slice %arg4[%dma_wait3A_126, %dma_wait3A_127, %dma_wait3A_128] : memref<4x8x128xf32, #tpu.memory_space<vmem>> -> memref<1x8x128xf32, #tpu.memory_space<vmem>>
      %dma_wait3A_130 = tpu.memref_squeeze %dma_wait3A_129 : memref<1x8x128xf32, #tpu.memory_space<vmem>> -> memref<8x128xf32, #tpu.memory_space<vmem>>
      %dma_wait3A_131 = arith.constant 24 : i32
      %dma_wait3A_132 = tpu.memref_slice %arg2[%dma_wait3A_131, %mul3A_74] : memref<32x1000000xf32, #tpu.memory_space<hbm>> -> memref<8x128xf32, #tpu.memory_space<hbm>>
      %dma_wait3A_133 = arith.constant 0 : i32
      %dma_wait3A_134 = arith.constant 0 : i32
      %dma_wait3A_135 = tpu.memref_slice %arg4[%dma_wait3A_126, %dma_wait3A_133, %dma_wait3A_134] : memref<4x8x128xf32, #tpu.memory_space<vmem>> -> memref<1x8x128xf32, #tpu.memory_space<vmem>>
      %dma_wait3A_136 = tpu.memref_squeeze %dma_wait3A_135 : memref<1x8x128xf32, #tpu.memory_space<vmem>> -> memref<8x128xf32, #tpu.memory_space<vmem>>
      %dma_wait3A_137 = arith.constant 24 : i32
      %dma_wait3A_138 = tpu.memref_slice %arg2[%dma_wait3A_137, %mul3A_74] : memref<32x1000000xf32, #tpu.memory_space<hbm>> -> memref<8x128xf32, #tpu.memory_space<hbm>>
      tpu.wait_dma2 semaphore(%arg8 : memref<!tpu.dma_semaphore, #tpu.memory_space<semaphore_mem>>) src(%dma_wait3A_138 : memref<8x128xf32, #tpu.memory_space<hbm>>) dst(%dma_wait3A_136 : memref<8x128xf32, #tpu.memory_space<vmem>>)
      %parallel_loop3A = arith.constant 0 : i32
      %parallel_loop3A_139 = arith.constant 128 : i32
      %parallel_loop3A_140 = arith.constant 1 : i32
      scf.for %parallel_loop3A_145 = %parallel_loop3A to %parallel_loop3A_139 step %parallel_loop3A_140  : i32 {
        %parallel_loop3A_146 = arith.constant 4 : i32
        %parallel_loop3A_147 = arith.shrsi %parallel_loop3A_145, %parallel_loop3A_146 : i32
        %parallel_loop3A_148 = arith.constant 4 : i32
        %parallel_loop3A_149 = arith.shli %parallel_loop3A_147, %parallel_loop3A_148 : i32
        %parallel_loop3A_150 = vector.broadcast %parallel_loop3A_145 : i32 to vector<16xi32>
        %parallel_loop3A_151 = arith.addi %iota3A, %parallel_loop3A_150 : vector<16xi32>
        %parallel_loop3A_152 = arith.constant 15 : i32
        %parallel_loop3A_153 = vector.broadcast %parallel_loop3A_152 : i32 to vector<16xi32>
        %parallel_loop3A_154 = arith.andi %parallel_loop3A_151, %parallel_loop3A_153 : vector<16xi32>
        %parallel_loop3A_155 = vector.broadcast %parallel_loop3A_149 : i32 to vector<16xi32>
        %parallel_loop3A_156 = arith.addi %parallel_loop3A_155, %parallel_loop3A_154 : vector<16xi32>
        %parallel_loop3A_157 = tpu.vector_load_idx %arg4[%shift_right_arithmetic3A_2, %and3A_4, %parallel_loop3A_156] : memref<4x8x128xf32, #tpu.memory_space<vmem>>[vector<16xi32>, vector<16xi32>, vector<16xi32>], vector<16xf32>,
        %parallel_loop3A_158 = arith.constant 32 : i32
        %parallel_loop3A_159 = vector.broadcast %parallel_loop3A_158 : i32 to vector<16xi32>
        %parallel_loop3A_160 = arith.muli %parallel_loop3A_156, %parallel_loop3A_159 : vector<16xi32>
        %parallel_loop3A_161 = arith.addi %parallel_loop3A_160, %iota3A : vector<16xi32>
        tpu.vector_store_idx %arg5[%parallel_loop3A_161], %parallel_loop3A_157 : memref<4096xf32, #tpu.memory_space<vmem>>[vector<16xi32>], vector<16xf32>,
        %parallel_loop3A_162 = tpu.vector_load_idx %arg4[%add3A_10, %and3A_13, %parallel_loop3A_156] : memref<4x8x128xf32, #tpu.memory_space<vmem>>[vector<16xi32>, vector<16xi32>, vector<16xi32>], vector<16xf32>,
        %parallel_loop3A_163 = arith.constant 32 : i32
        %parallel_loop3A_164 = vector.broadcast %parallel_loop3A_163 : i32 to vector<16xi32>
        %parallel_loop3A_165 = arith.muli %parallel_loop3A_156, %parallel_loop3A_164 : vector<16xi32>
        %parallel_loop3A_166 = arith.constant 16 : i32
        %parallel_loop3A_167 = vector.broadcast %parallel_loop3A_166 : i32 to vector<16xi32>
        %parallel_loop3A_168 = arith.addi %parallel_loop3A_165, %parallel_loop3A_167 : vector<16xi32>
        %parallel_loop3A_169 = arith.addi %parallel_loop3A_168, %iota3A : vector<16xi32>
        tpu.vector_store_idx %arg5[%parallel_loop3A_169], %parallel_loop3A_162 : memref<4096xf32, #tpu.memory_space<vmem>>[vector<16xi32>], vector<16xf32>,
      } {sc.loop_unroll_factor = 8 : i64, sc.parallel_access}
      %mul3A_141 = arith.constant 128 : i32
      %mul3A_142 = arith.muli %add3A_28, %mul3A_141 : i32
      %mul3A_143 = arith.constant 32 : i32
      %mul3A_144 = arith.muli %mul3A_142, %mul3A_143 : i32
      "tpu.region"() ({
        %run_scoped3A = tpu.sem_alloc : memref<!tpu.dma_semaphore, #tpu.memory_space<semaphore_mem>>
        %dma_start3A_145 = tpu.memref_slice %arg3[%mul3A_144] : memref<32000000xf32, #tpu.memory_space<hbm>> -> memref<4096xf32, #tpu.memory_space<hbm>>
        %dma_start3A_146 = tpu.memref_slice %arg3[%mul3A_144] : memref<32000000xf32, #tpu.memory_space<hbm>> -> memref<4096xf32, #tpu.memory_space<hbm>>
        tpu.enqueue_dma source(%arg5 : memref<4096xf32, #tpu.memory_space<vmem>>) target(%dma_start3A_146 : memref<4096xf32, #tpu.memory_space<hbm>>) target_semaphore(%run_scoped3A : memref<!tpu.dma_semaphore, #tpu.memory_space<semaphore_mem>>)
        %dma_wait3A_147 = tpu.memref_slice %arg3[%mul3A_144] : memref<32000000xf32, #tpu.memory_space<hbm>> -> memref<4096xf32, #tpu.memory_space<hbm>>
        %dma_wait3A_148 = tpu.memref_slice %arg3[%mul3A_144] : memref<32000000xf32, #tpu.memory_space<hbm>> -> memref<4096xf32, #tpu.memory_space<hbm>>
        tpu.wait_dma2 semaphore(%run_scoped3A : memref<!tpu.dma_semaphore, #tpu.memory_space<semaphore_mem>>) src(%arg5 : memref<4096xf32, #tpu.memory_space<vmem>>) dst(%dma_wait3A_148 : memref<4096xf32, #tpu.memory_space<hbm>>)
        tpu.yield
      }) : () -> ()
    }
    %scan3A_18 = arith.constant 244 : i32
    %lt3A = arith.constant 4 : i32
    %lt3A_19 = arith.cmpi slt, %add3A, %lt3A : i32
    %convert_element_type3A = arith.extui %lt3A_19 : i1 to i32
    %cond3A = arith.constant 0 : i32
    %cond3A_20 = arith.cmpi ne, %convert_element_type3A, %cond3A : i32
    scf.if %cond3A_20 {
      %add3A_25 = arith.constant 7808 : i32
      %add3A_26 = arith.addi %add3A_25, %add3A : i32
      %mul3A_27 = arith.constant 128 : i32
      %mul3A_28 = arith.muli %add3A_26, %mul3A_27 : i32
      %dma_start3A = arith.constant 0 : i32
      %dma_start3A_29 = arith.constant 0 : i32
      %dma_start3A_30 = arith.constant 0 : i32
      %dma_start3A_31 = tpu.memref_slice %arg4[%dma_start3A, %dma_start3A_29, %dma_start3A_30] : memref<4x8x128xf32, #tpu.memory_space<vmem>> -> memref<1x8x128xf32, #tpu.memory_space<vmem>>
      %dma_start3A_32 = tpu.memref_squeeze %dma_start3A_31 : memref<1x8x128xf32, #tpu.memory_space<vmem>> -> memref<8x128xf32, #tpu.memory_space<vmem>>
      %dma_start3A_33 = arith.constant 0 : i32
      %dma_start3A_34 = tpu.memref_slice %arg2[%dma_start3A_33, %mul3A_28] : memref<32x1000000xf32, #tpu.memory_space<hbm>> -> memref<8x128xf32, #tpu.memory_space<hbm>>
      %dma_start3A_35 = arith.constant 0 : i32
      %dma_start3A_36 = arith.constant 0 : i32
      %dma_start3A_37 = tpu.memref_slice %arg4[%dma_start3A, %dma_start3A_35, %dma_start3A_36] : memref<4x8x128xf32, #tpu.memory_space<vmem>> -> memref<1x8x128xf32, #tpu.memory_space<vmem>>
      %dma_start3A_38 = tpu.memref_squeeze %dma_start3A_37 : memref<1x8x128xf32, #tpu.memory_space<vmem>> -> memref<8x128xf32, #tpu.memory_space<vmem>>
      %dma_start3A_39 = arith.constant 0 : i32
      %dma_start3A_40 = tpu.memref_slice %arg2[%dma_start3A_39, %mul3A_28] : memref<32x1000000xf32, #tpu.memory_space<hbm>> -> memref<8x128xf32, #tpu.memory_space<hbm>>
      tpu.enqueue_dma source(%dma_start3A_40 : memref<8x128xf32, #tpu.memory_space<hbm>>) target(%dma_start3A_38 : memref<8x128xf32, #tpu.memory_space<vmem>>) target_semaphore(%arg8 : memref<!tpu.dma_semaphore, #tpu.memory_space<semaphore_mem>>)
      %mul3A_41 = arith.constant 128 : i32
      %mul3A_42 = arith.muli %add3A_26, %mul3A_41 : i32
      %dma_start3A_43 = arith.constant 1 : i32
      %dma_start3A_44 = arith.constant 0 : i32
      %dma_start3A_45 = arith.constant 0 : i32
      %dma_start3A_46 = tpu.memref_slice %arg4[%dma_start3A_43, %dma_start3A_44, %dma_start3A_45] : memref<4x8x128xf32, #tpu.memory_space<vmem>> -> memref<1x8x128xf32, #tpu.memory_space<vmem>>
      %dma_start3A_47 = tpu.memref_squeeze %dma_start3A_46 : memref<1x8x128xf32, #tpu.memory_space<vmem>> -> memref<8x128xf32, #tpu.memory_space<vmem>>
      %dma_start3A_48 = arith.constant 8 : i32
      %dma_start3A_49 = tpu.memref_slice %arg2[%dma_start3A_48, %mul3A_42] : memref<32x1000000xf32, #tpu.memory_space<hbm>> -> memref<8x128xf32, #tpu.memory_space<hbm>>
      %dma_start3A_50 = arith.constant 0 : i32
      %dma_start3A_51 = arith.constant 0 : i32
      %dma_start3A_52 = tpu.memref_slice %arg4[%dma_start3A_43, %dma_start3A_50, %dma_start3A_51] : memref<4x8x128xf32, #tpu.memory_space<vmem>> -> memref<1x8x128xf32, #tpu.memory_space<vmem>>
      %dma_start3A_53 = tpu.memref_squeeze %dma_start3A_52 : memref<1x8x128xf32, #tpu.memory_space<vmem>> -> memref<8x128xf32, #tpu.memory_space<vmem>>
      %dma_start3A_54 = arith.constant 8 : i32
      %dma_start3A_55 = tpu.memref_slice %arg2[%dma_start3A_54, %mul3A_42] : memref<32x1000000xf32, #tpu.memory_space<hbm>> -> memref<8x128xf32, #tpu.memory_space<hbm>>
      tpu.enqueue_dma source(%dma_start3A_55 : memref<8x128xf32, #tpu.memory_space<hbm>>) target(%dma_start3A_53 : memref<8x128xf32, #tpu.memory_space<vmem>>) target_semaphore(%arg8 : memref<!tpu.dma_semaphore, #tpu.memory_space<semaphore_mem>>)
      %mul3A_56 = arith.constant 128 : i32
      %mul3A_57 = arith.muli %add3A_26, %mul3A_56 : i32
      %dma_start3A_58 = arith.constant 2 : i32
      %dma_start3A_59 = arith.constant 0 : i32
      %dma_start3A_60 = arith.constant 0 : i32
      %dma_start3A_61 = tpu.memref_slice %arg4[%dma_start3A_58, %dma_start3A_59, %dma_start3A_60] : memref<4x8x128xf32, #tpu.memory_space<vmem>> -> memref<1x8x128xf32, #tpu.memory_space<vmem>>
      %dma_start3A_62 = tpu.memref_squeeze %dma_start3A_61 : memref<1x8x128xf32, #tpu.memory_space<vmem>> -> memref<8x128xf32, #tpu.memory_space<vmem>>
      %dma_start3A_63 = arith.constant 16 : i32
      %dma_start3A_64 = tpu.memref_slice %arg2[%dma_start3A_63, %mul3A_57] : memref<32x1000000xf32, #tpu.memory_space<hbm>> -> memref<8x128xf32, #tpu.memory_space<hbm>>
      %dma_start3A_65 = arith.constant 0 : i32
      %dma_start3A_66 = arith.constant 0 : i32
      %dma_start3A_67 = tpu.memref_slice %arg4[%dma_start3A_58, %dma_start3A_65, %dma_start3A_66] : memref<4x8x128xf32, #tpu.memory_space<vmem>> -> memref<1x8x128xf32, #tpu.memory_space<vmem>>
      %dma_start3A_68 = tpu.memref_squeeze %dma_start3A_67 : memref<1x8x128xf32, #tpu.memory_space<vmem>> -> memref<8x128xf32, #tpu.memory_space<vmem>>
      %dma_start3A_69 = arith.constant 16 : i32
      %dma_start3A_70 = tpu.memref_slice %arg2[%dma_start3A_69, %mul3A_57] : memref<32x1000000xf32, #tpu.memory_space<hbm>> -> memref<8x128xf32, #tpu.memory_space<hbm>>
      tpu.enqueue_dma source(%dma_start3A_70 : memref<8x128xf32, #tpu.memory_space<hbm>>) target(%dma_start3A_68 : memref<8x128xf32, #tpu.memory_space<vmem>>) target_semaphore(%arg8 : memref<!tpu.dma_semaphore, #tpu.memory_space<semaphore_mem>>)
      %mul3A_71 = arith.constant 128 : i32
      %mul3A_72 = arith.muli %add3A_26, %mul3A_71 : i32
      %dma_start3A_73 = arith.constant 3 : i32
      %dma_start3A_74 = arith.constant 0 : i32
      %dma_start3A_75 = arith.constant 0 : i32
      %dma_start3A_76 = tpu.memref_slice %arg4[%dma_start3A_73, %dma_start3A_74, %dma_start3A_75] : memref<4x8x128xf32, #tpu.memory_space<vmem>> -> memref<1x8x128xf32, #tpu.memory_space<vmem>>
      %dma_start3A_77 = tpu.memref_squeeze %dma_start3A_76 : memref<1x8x128xf32, #tpu.memory_space<vmem>> -> memref<8x128xf32, #tpu.memory_space<vmem>>
      %dma_start3A_78 = arith.constant 24 : i32
      %dma_start3A_79 = tpu.memref_slice %arg2[%dma_start3A_78, %mul3A_72] : memref<32x1000000xf32, #tpu.memory_space<hbm>> -> memref<8x128xf32, #tpu.memory_space<hbm>>
      %dma_start3A_80 = arith.constant 0 : i32
      %dma_start3A_81 = arith.constant 0 : i32
      %dma_start3A_82 = tpu.memref_slice %arg4[%dma_start3A_73, %dma_start3A_80, %dma_start3A_81] : memref<4x8x128xf32, #tpu.memory_space<vmem>> -> memref<1x8x128xf32, #tpu.memory_space<vmem>>
      %dma_start3A_83 = tpu.memref_squeeze %dma_start3A_82 : memref<1x8x128xf32, #tpu.memory_space<vmem>> -> memref<8x128xf32, #tpu.memory_space<vmem>>
      %dma_start3A_84 = arith.constant 24 : i32
      %dma_start3A_85 = tpu.memref_slice %arg2[%dma_start3A_84, %mul3A_72] : memref<32x1000000xf32, #tpu.memory_space<hbm>> -> memref<8x128xf32, #tpu.memory_space<hbm>>
      tpu.enqueue_dma source(%dma_start3A_85 : memref<8x128xf32, #tpu.memory_space<hbm>>) target(%dma_start3A_83 : memref<8x128xf32, #tpu.memory_space<vmem>>) target_semaphore(%arg8 : memref<!tpu.dma_semaphore, #tpu.memory_space<semaphore_mem>>)
      %dma_wait3A = arith.constant 0 : i32
      %dma_wait3A_86 = arith.constant 0 : i32
      %dma_wait3A_87 = arith.constant 0 : i32
      %dma_wait3A_88 = tpu.memref_slice %arg4[%dma_wait3A, %dma_wait3A_86, %dma_wait3A_87] : memref<4x8x128xf32, #tpu.memory_space<vmem>> -> memref<1x8x128xf32, #tpu.memory_space<vmem>>
      %dma_wait3A_89 = tpu.memref_squeeze %dma_wait3A_88 : memref<1x8x128xf32, #tpu.memory_space<vmem>> -> memref<8x128xf32, #tpu.memory_space<vmem>>
      %dma_wait3A_90 = arith.constant 0 : i32
      %dma_wait3A_91 = tpu.memref_slice %arg2[%dma_wait3A_90, %mul3A_28] : memref<32x1000000xf32, #tpu.memory_space<hbm>> -> memref<8x128xf32, #tpu.memory_space<hbm>>
      %dma_wait3A_92 = arith.constant 0 : i32
      %dma_wait3A_93 = arith.constant 0 : i32
      %dma_wait3A_94 = tpu.memref_slice %arg4[%dma_wait3A, %dma_wait3A_92, %dma_wait3A_93] : memref<4x8x128xf32, #tpu.memory_space<vmem>> -> memref<1x8x128xf32, #tpu.memory_space<vmem>>
      %dma_wait3A_95 = tpu.memref_squeeze %dma_wait3A_94 : memref<1x8x128xf32, #tpu.memory_space<vmem>> -> memref<8x128xf32, #tpu.memory_space<vmem>>
      %dma_wait3A_96 = arith.constant 0 : i32
      %dma_wait3A_97 = tpu.memref_slice %arg2[%dma_wait3A_96, %mul3A_28] : memref<32x1000000xf32, #tpu.memory_space<hbm>> -> memref<8x128xf32, #tpu.memory_space<hbm>>
      tpu.wait_dma2 semaphore(%arg8 : memref<!tpu.dma_semaphore, #tpu.memory_space<semaphore_mem>>) src(%dma_wait3A_97 : memref<8x128xf32, #tpu.memory_space<hbm>>) dst(%dma_wait3A_95 : memref<8x128xf32, #tpu.memory_space<vmem>>)
      %dma_wait3A_98 = arith.constant 1 : i32
      %dma_wait3A_99 = arith.constant 0 : i32
      %dma_wait3A_100 = arith.constant 0 : i32
      %dma_wait3A_101 = tpu.memref_slice %arg4[%dma_wait3A_98, %dma_wait3A_99, %dma_wait3A_100] : memref<4x8x128xf32, #tpu.memory_space<vmem>> -> memref<1x8x128xf32, #tpu.memory_space<vmem>>
      %dma_wait3A_102 = tpu.memref_squeeze %dma_wait3A_101 : memref<1x8x128xf32, #tpu.memory_space<vmem>> -> memref<8x128xf32, #tpu.memory_space<vmem>>
      %dma_wait3A_103 = arith.constant 8 : i32
      %dma_wait3A_104 = tpu.memref_slice %arg2[%dma_wait3A_103, %mul3A_42] : memref<32x1000000xf32, #tpu.memory_space<hbm>> -> memref<8x128xf32, #tpu.memory_space<hbm>>
      %dma_wait3A_105 = arith.constant 0 : i32
      %dma_wait3A_106 = arith.constant 0 : i32
      %dma_wait3A_107 = tpu.memref_slice %arg4[%dma_wait3A_98, %dma_wait3A_105, %dma_wait3A_106] : memref<4x8x128xf32, #tpu.memory_space<vmem>> -> memref<1x8x128xf32, #tpu.memory_space<vmem>>
      %dma_wait3A_108 = tpu.memref_squeeze %dma_wait3A_107 : memref<1x8x128xf32, #tpu.memory_space<vmem>> -> memref<8x128xf32, #tpu.memory_space<vmem>>
      %dma_wait3A_109 = arith.constant 8 : i32
      %dma_wait3A_110 = tpu.memref_slice %arg2[%dma_wait3A_109, %mul3A_42] : memref<32x1000000xf32, #tpu.memory_space<hbm>> -> memref<8x128xf32, #tpu.memory_space<hbm>>
      tpu.wait_dma2 semaphore(%arg8 : memref<!tpu.dma_semaphore, #tpu.memory_space<semaphore_mem>>) src(%dma_wait3A_110 : memref<8x128xf32, #tpu.memory_space<hbm>>) dst(%dma_wait3A_108 : memref<8x128xf32, #tpu.memory_space<vmem>>)
      %dma_wait3A_111 = arith.constant 2 : i32
      %dma_wait3A_112 = arith.constant 0 : i32
      %dma_wait3A_113 = arith.constant 0 : i32
      %dma_wait3A_114 = tpu.memref_slice %arg4[%dma_wait3A_111, %dma_wait3A_112, %dma_wait3A_113] : memref<4x8x128xf32, #tpu.memory_space<vmem>> -> memref<1x8x128xf32, #tpu.memory_space<vmem>>
      %dma_wait3A_115 = tpu.memref_squeeze %dma_wait3A_114 : memref<1x8x128xf32, #tpu.memory_space<vmem>> -> memref<8x128xf32, #tpu.memory_space<vmem>>
      %dma_wait3A_116 = arith.constant 16 : i32
      %dma_wait3A_117 = tpu.memref_slice %arg2[%dma_wait3A_116, %mul3A_57] : memref<32x1000000xf32, #tpu.memory_space<hbm>> -> memref<8x128xf32, #tpu.memory_space<hbm>>
      %dma_wait3A_118 = arith.constant 0 : i32
      %dma_wait3A_119 = arith.constant 0 : i32
      %dma_wait3A_120 = tpu.memref_slice %arg4[%dma_wait3A_111, %dma_wait3A_118, %dma_wait3A_119] : memref<4x8x128xf32, #tpu.memory_space<vmem>> -> memref<1x8x128xf32, #tpu.memory_space<vmem>>
      %dma_wait3A_121 = tpu.memref_squeeze %dma_wait3A_120 : memref<1x8x128xf32, #tpu.memory_space<vmem>> -> memref<8x128xf32, #tpu.memory_space<vmem>>
      %dma_wait3A_122 = arith.constant 16 : i32
      %dma_wait3A_123 = tpu.memref_slice %arg2[%dma_wait3A_122, %mul3A_57] : memref<32x1000000xf32, #tpu.memory_space<hbm>> -> memref<8x128xf32, #tpu.memory_space<hbm>>
      tpu.wait_dma2 semaphore(%arg8 : memref<!tpu.dma_semaphore, #tpu.memory_space<semaphore_mem>>) src(%dma_wait3A_123 : memref<8x128xf32, #tpu.memory_space<hbm>>) dst(%dma_wait3A_121 : memref<8x128xf32, #tpu.memory_space<vmem>>)
      %dma_wait3A_124 = arith.constant 3 : i32
      %dma_wait3A_125 = arith.constant 0 : i32
      %dma_wait3A_126 = arith.constant 0 : i32
      %dma_wait3A_127 = tpu.memref_slice %arg4[%dma_wait3A_124, %dma_wait3A_125, %dma_wait3A_126] : memref<4x8x128xf32, #tpu.memory_space<vmem>> -> memref<1x8x128xf32, #tpu.memory_space<vmem>>
      %dma_wait3A_128 = tpu.memref_squeeze %dma_wait3A_127 : memref<1x8x128xf32, #tpu.memory_space<vmem>> -> memref<8x128xf32, #tpu.memory_space<vmem>>
      %dma_wait3A_129 = arith.constant 24 : i32
      %dma_wait3A_130 = tpu.memref_slice %arg2[%dma_wait3A_129, %mul3A_72] : memref<32x1000000xf32, #tpu.memory_space<hbm>> -> memref<8x128xf32, #tpu.memory_space<hbm>>
      %dma_wait3A_131 = arith.constant 0 : i32
      %dma_wait3A_132 = arith.constant 0 : i32
      %dma_wait3A_133 = tpu.memref_slice %arg4[%dma_wait3A_124, %dma_wait3A_131, %dma_wait3A_132] : memref<4x8x128xf32, #tpu.memory_space<vmem>> -> memref<1x8x128xf32, #tpu.memory_space<vmem>>
      %dma_wait3A_134 = tpu.memref_squeeze %dma_wait3A_133 : memref<1x8x128xf32, #tpu.memory_space<vmem>> -> memref<8x128xf32, #tpu.memory_space<vmem>>
      %dma_wait3A_135 = arith.constant 24 : i32
      %dma_wait3A_136 = tpu.memref_slice %arg2[%dma_wait3A_135, %mul3A_72] : memref<32x1000000xf32, #tpu.memory_space<hbm>> -> memref<8x128xf32, #tpu.memory_space<hbm>>
      tpu.wait_dma2 semaphore(%arg8 : memref<!tpu.dma_semaphore, #tpu.memory_space<semaphore_mem>>) src(%dma_wait3A_136 : memref<8x128xf32, #tpu.memory_space<hbm>>) dst(%dma_wait3A_134 : memref<8x128xf32, #tpu.memory_space<vmem>>)
      %parallel_loop3A = arith.constant 0 : i32
      %parallel_loop3A_137 = arith.constant 128 : i32
      %parallel_loop3A_138 = arith.constant 1 : i32
      scf.for %parallel_loop3A_143 = %parallel_loop3A to %parallel_loop3A_137 step %parallel_loop3A_138  : i32 {
        %parallel_loop3A_144 = arith.constant 4 : i32
        %parallel_loop3A_145 = arith.shrsi %parallel_loop3A_143, %parallel_loop3A_144 : i32
        %parallel_loop3A_146 = arith.constant 4 : i32
        %parallel_loop3A_147 = arith.shli %parallel_loop3A_145, %parallel_loop3A_146 : i32
        %parallel_loop3A_148 = vector.broadcast %parallel_loop3A_143 : i32 to vector<16xi32>
        %parallel_loop3A_149 = arith.addi %iota3A, %parallel_loop3A_148 : vector<16xi32>
        %parallel_loop3A_150 = arith.constant 15 : i32
        %parallel_loop3A_151 = vector.broadcast %parallel_loop3A_150 : i32 to vector<16xi32>
        %parallel_loop3A_152 = arith.andi %parallel_loop3A_149, %parallel_loop3A_151 : vector<16xi32>
        %parallel_loop3A_153 = vector.broadcast %parallel_loop3A_147 : i32 to vector<16xi32>
        %parallel_loop3A_154 = arith.addi %parallel_loop3A_153, %parallel_loop3A_152 : vector<16xi32>
        %parallel_loop3A_155 = tpu.vector_load_idx %arg4[%shift_right_arithmetic3A_2, %and3A_4, %parallel_loop3A_154] : memref<4x8x128xf32, #tpu.memory_space<vmem>>[vector<16xi32>, vector<16xi32>, vector<16xi32>], vector<16xf32>,
        %parallel_loop3A_156 = arith.constant 32 : i32
        %parallel_loop3A_157 = vector.broadcast %parallel_loop3A_156 : i32 to vector<16xi32>
        %parallel_loop3A_158 = arith.muli %parallel_loop3A_154, %parallel_loop3A_157 : vector<16xi32>
        %parallel_loop3A_159 = arith.addi %parallel_loop3A_158, %iota3A : vector<16xi32>
        tpu.vector_store_idx %arg5[%parallel_loop3A_159], %parallel_loop3A_155 : memref<4096xf32, #tpu.memory_space<vmem>>[vector<16xi32>], vector<16xf32>,
        %parallel_loop3A_160 = tpu.vector_load_idx %arg4[%add3A_10, %and3A_13, %parallel_loop3A_154] : memref<4x8x128xf32, #tpu.memory_space<vmem>>[vector<16xi32>, vector<16xi32>, vector<16xi32>], vector<16xf32>,
        %parallel_loop3A_161 = arith.constant 32 : i32
        %parallel_loop3A_162 = vector.broadcast %parallel_loop3A_161 : i32 to vector<16xi32>
        %parallel_loop3A_163 = arith.muli %parallel_loop3A_154, %parallel_loop3A_162 : vector<16xi32>
        %parallel_loop3A_164 = arith.constant 16 : i32
        %parallel_loop3A_165 = vector.broadcast %parallel_loop3A_164 : i32 to vector<16xi32>
        %parallel_loop3A_166 = arith.addi %parallel_loop3A_163, %parallel_loop3A_165 : vector<16xi32>
        %parallel_loop3A_167 = arith.addi %parallel_loop3A_166, %iota3A : vector<16xi32>
        tpu.vector_store_idx %arg5[%parallel_loop3A_167], %parallel_loop3A_160 : memref<4096xf32, #tpu.memory_space<vmem>>[vector<16xi32>], vector<16xf32>,
      } {sc.loop_unroll_factor = 8 : i64, sc.parallel_access}
      %mul3A_139 = arith.constant 128 : i32
      %mul3A_140 = arith.muli %add3A_26, %mul3A_139 : i32
      %mul3A_141 = arith.constant 32 : i32
      %mul3A_142 = arith.muli %mul3A_140, %mul3A_141 : i32
      "tpu.region"() ({
        %run_scoped3A = tpu.sem_alloc : memref<!tpu.dma_semaphore, #tpu.memory_space<semaphore_mem>>
        %dma_start3A_143 = tpu.memref_slice %arg3[%mul3A_142] : memref<32000000xf32, #tpu.memory_space<hbm>> -> memref<4096xf32, #tpu.memory_space<hbm>>
        %dma_start3A_144 = tpu.memref_slice %arg3[%mul3A_142] : memref<32000000xf32, #tpu.memory_space<hbm>> -> memref<4096xf32, #tpu.memory_space<hbm>>
        tpu.enqueue_dma source(%arg5 : memref<4096xf32, #tpu.memory_space<vmem>>) target(%dma_start3A_144 : memref<4096xf32, #tpu.memory_space<hbm>>) target_semaphore(%run_scoped3A : memref<!tpu.dma_semaphore, #tpu.memory_space<semaphore_mem>>)
        %dma_wait3A_145 = tpu.memref_slice %arg3[%mul3A_142] : memref<32000000xf32, #tpu.memory_space<hbm>> -> memref<4096xf32, #tpu.memory_space<hbm>>
        %dma_wait3A_146 = tpu.memref_slice %arg3[%mul3A_142] : memref<32000000xf32, #tpu.memory_space<hbm>> -> memref<4096xf32, #tpu.memory_space<hbm>>
        tpu.wait_dma2 semaphore(%run_scoped3A : memref<!tpu.dma_semaphore, #tpu.memory_space<semaphore_mem>>) src(%arg5 : memref<4096xf32, #tpu.memory_space<vmem>>) dst(%dma_wait3A_146 : memref<4096xf32, #tpu.memory_space<hbm>>)
        tpu.yield
      }) : () -> ()
    } else {
    }
    %eq3A = arith.constant 4 : i32
    %eq3A_21 = arith.cmpi eq, %add3A, %eq3A : i32
    %convert_element_type3A_22 = arith.extui %eq3A_21 : i1 to i32
    %cond3A_23 = arith.constant 0 : i32
    %cond3A_24 = arith.cmpi ne, %convert_element_type3A_22, %cond3A_23 : i32
    scf.if %cond3A_24 {
      %dma_start3A = arith.constant 0 : i32
      %dma_start3A_25 = arith.constant 0 : i32
      %dma_start3A_26 = arith.constant 0 : i32
      %dma_start3A_27 = tpu.memref_slice %arg6[%dma_start3A, %dma_start3A_25, %dma_start3A_26] : memref<4x8x64xf32, #tpu.memory_space<vmem>> -> memref<1x8x64xf32, #tpu.memory_space<vmem>>
      %dma_start3A_28 = tpu.memref_squeeze %dma_start3A_27 : memref<1x8x64xf32, #tpu.memory_space<vmem>> -> memref<8x64xf32, #tpu.memory_space<vmem>>
      %dma_start3A_29 = arith.constant 0 : i32
      %dma_start3A_30 = arith.constant 999936 : i32
      %dma_start3A_31 = tpu.memref_slice %arg2[%dma_start3A_29, %dma_start3A_30] : memref<32x1000000xf32, #tpu.memory_space<hbm>> -> memref<8x64xf32, #tpu.memory_space<hbm>>
      %dma_start3A_32 = arith.constant 0 : i32
      %dma_start3A_33 = arith.constant 0 : i32
      %dma_start3A_34 = tpu.memref_slice %arg6[%dma_start3A, %dma_start3A_32, %dma_start3A_33] : memref<4x8x64xf32, #tpu.memory_space<vmem>> -> memref<1x8x64xf32, #tpu.memory_space<vmem>>
      %dma_start3A_35 = tpu.memref_squeeze %dma_start3A_34 : memref<1x8x64xf32, #tpu.memory_space<vmem>> -> memref<8x64xf32, #tpu.memory_space<vmem>>
      %dma_start3A_36 = arith.constant 0 : i32
      %dma_start3A_37 = arith.constant 999936 : i32
      %dma_start3A_38 = tpu.memref_slice %arg2[%dma_start3A_36, %dma_start3A_37] : memref<32x1000000xf32, #tpu.memory_space<hbm>> -> memref<8x64xf32, #tpu.memory_space<hbm>>
      tpu.enqueue_dma source(%dma_start3A_38 : memref<8x64xf32, #tpu.memory_space<hbm>>) target(%dma_start3A_35 : memref<8x64xf32, #tpu.memory_space<vmem>>) target_semaphore(%arg8 : memref<!tpu.dma_semaphore, #tpu.memory_space<semaphore_mem>>)
      %dma_start3A_39 = arith.constant 1 : i32
      %dma_start3A_40 = arith.constant 0 : i32
      %dma_start3A_41 = arith.constant 0 : i32
      %dma_start3A_42 = tpu.memref_slice %arg6[%dma_start3A_39, %dma_start3A_40, %dma_start3A_41] : memref<4x8x64xf32, #tpu.memory_space<vmem>> -> memref<1x8x64xf32, #tpu.memory_space<vmem>>
      %dma_start3A_43 = tpu.memref_squeeze %dma_start3A_42 : memref<1x8x64xf32, #tpu.memory_space<vmem>> -> memref<8x64xf32, #tpu.memory_space<vmem>>
      %dma_start3A_44 = arith.constant 8 : i32
      %dma_start3A_45 = arith.constant 999936 : i32
      %dma_start3A_46 = tpu.memref_slice %arg2[%dma_start3A_44, %dma_start3A_45] : memref<32x1000000xf32, #tpu.memory_space<hbm>> -> memref<8x64xf32, #tpu.memory_space<hbm>>
      %dma_start3A_47 = arith.constant 0 : i32
      %dma_start3A_48 = arith.constant 0 : i32
      %dma_start3A_49 = tpu.memref_slice %arg6[%dma_start3A_39, %dma_start3A_47, %dma_start3A_48] : memref<4x8x64xf32, #tpu.memory_space<vmem>> -> memref<1x8x64xf32, #tpu.memory_space<vmem>>
      %dma_start3A_50 = tpu.memref_squeeze %dma_start3A_49 : memref<1x8x64xf32, #tpu.memory_space<vmem>> -> memref<8x64xf32, #tpu.memory_space<vmem>>
      %dma_start3A_51 = arith.constant 8 : i32
      %dma_start3A_52 = arith.constant 999936 : i32
      %dma_start3A_53 = tpu.memref_slice %arg2[%dma_start3A_51, %dma_start3A_52] : memref<32x1000000xf32, #tpu.memory_space<hbm>> -> memref<8x64xf32, #tpu.memory_space<hbm>>
      tpu.enqueue_dma source(%dma_start3A_53 : memref<8x64xf32, #tpu.memory_space<hbm>>) target(%dma_start3A_50 : memref<8x64xf32, #tpu.memory_space<vmem>>) target_semaphore(%arg8 : memref<!tpu.dma_semaphore, #tpu.memory_space<semaphore_mem>>)
      %dma_start3A_54 = arith.constant 2 : i32
      %dma_start3A_55 = arith.constant 0 : i32
      %dma_start3A_56 = arith.constant 0 : i32
      %dma_start3A_57 = tpu.memref_slice %arg6[%dma_start3A_54, %dma_start3A_55, %dma_start3A_56] : memref<4x8x64xf32, #tpu.memory_space<vmem>> -> memref<1x8x64xf32, #tpu.memory_space<vmem>>
      %dma_start3A_58 = tpu.memref_squeeze %dma_start3A_57 : memref<1x8x64xf32, #tpu.memory_space<vmem>> -> memref<8x64xf32, #tpu.memory_space<vmem>>
      %dma_start3A_59 = arith.constant 16 : i32
      %dma_start3A_60 = arith.constant 999936 : i32
      %dma_start3A_61 = tpu.memref_slice %arg2[%dma_start3A_59, %dma_start3A_60] : memref<32x1000000xf32, #tpu.memory_space<hbm>> -> memref<8x64xf32, #tpu.memory_space<hbm>>
      %dma_start3A_62 = arith.constant 0 : i32
      %dma_start3A_63 = arith.constant 0 : i32
      %dma_start3A_64 = tpu.memref_slice %arg6[%dma_start3A_54, %dma_start3A_62, %dma_start3A_63] : memref<4x8x64xf32, #tpu.memory_space<vmem>> -> memref<1x8x64xf32, #tpu.memory_space<vmem>>
      %dma_start3A_65 = tpu.memref_squeeze %dma_start3A_64 : memref<1x8x64xf32, #tpu.memory_space<vmem>> -> memref<8x64xf32, #tpu.memory_space<vmem>>
      %dma_start3A_66 = arith.constant 16 : i32
      %dma_start3A_67 = arith.constant 999936 : i32
      %dma_start3A_68 = tpu.memref_slice %arg2[%dma_start3A_66, %dma_start3A_67] : memref<32x1000000xf32, #tpu.memory_space<hbm>> -> memref<8x64xf32, #tpu.memory_space<hbm>>
      tpu.enqueue_dma source(%dma_start3A_68 : memref<8x64xf32, #tpu.memory_space<hbm>>) target(%dma_start3A_65 : memref<8x64xf32, #tpu.memory_space<vmem>>) target_semaphore(%arg8 : memref<!tpu.dma_semaphore, #tpu.memory_space<semaphore_mem>>)
      %dma_start3A_69 = arith.constant 3 : i32
      %dma_start3A_70 = arith.constant 0 : i32
      %dma_start3A_71 = arith.constant 0 : i32
      %dma_start3A_72 = tpu.memref_slice %arg6[%dma_start3A_69, %dma_start3A_70, %dma_start3A_71] : memref<4x8x64xf32, #tpu.memory_space<vmem>> -> memref<1x8x64xf32, #tpu.memory_space<vmem>>
      %dma_start3A_73 = tpu.memref_squeeze %dma_start3A_72 : memref<1x8x64xf32, #tpu.memory_space<vmem>> -> memref<8x64xf32, #tpu.memory_space<vmem>>
      %dma_start3A_74 = arith.constant 24 : i32
      %dma_start3A_75 = arith.constant 999936 : i32
      %dma_start3A_76 = tpu.memref_slice %arg2[%dma_start3A_74, %dma_start3A_75] : memref<32x1000000xf32, #tpu.memory_space<hbm>> -> memref<8x64xf32, #tpu.memory_space<hbm>>
      %dma_start3A_77 = arith.constant 0 : i32
      %dma_start3A_78 = arith.constant 0 : i32
      %dma_start3A_79 = tpu.memref_slice %arg6[%dma_start3A_69, %dma_start3A_77, %dma_start3A_78] : memref<4x8x64xf32, #tpu.memory_space<vmem>> -> memref<1x8x64xf32, #tpu.memory_space<vmem>>
      %dma_start3A_80 = tpu.memref_squeeze %dma_start3A_79 : memref<1x8x64xf32, #tpu.memory_space<vmem>> -> memref<8x64xf32, #tpu.memory_space<vmem>>
      %dma_start3A_81 = arith.constant 24 : i32
      %dma_start3A_82 = arith.constant 999936 : i32
      %dma_start3A_83 = tpu.memref_slice %arg2[%dma_start3A_81, %dma_start3A_82] : memref<32x1000000xf32, #tpu.memory_space<hbm>> -> memref<8x64xf32, #tpu.memory_space<hbm>>
      tpu.enqueue_dma source(%dma_start3A_83 : memref<8x64xf32, #tpu.memory_space<hbm>>) target(%dma_start3A_80 : memref<8x64xf32, #tpu.memory_space<vmem>>) target_semaphore(%arg8 : memref<!tpu.dma_semaphore, #tpu.memory_space<semaphore_mem>>)
      %dma_wait3A = arith.constant 0 : i32
      %dma_wait3A_84 = arith.constant 0 : i32
      %dma_wait3A_85 = arith.constant 0 : i32
      %dma_wait3A_86 = tpu.memref_slice %arg6[%dma_wait3A, %dma_wait3A_84, %dma_wait3A_85] : memref<4x8x64xf32, #tpu.memory_space<vmem>> -> memref<1x8x64xf32, #tpu.memory_space<vmem>>
      %dma_wait3A_87 = tpu.memref_squeeze %dma_wait3A_86 : memref<1x8x64xf32, #tpu.memory_space<vmem>> -> memref<8x64xf32, #tpu.memory_space<vmem>>
      %dma_wait3A_88 = arith.constant 0 : i32
      %dma_wait3A_89 = arith.constant 999936 : i32
      %dma_wait3A_90 = tpu.memref_slice %arg2[%dma_wait3A_88, %dma_wait3A_89] : memref<32x1000000xf32, #tpu.memory_space<hbm>> -> memref<8x64xf32, #tpu.memory_space<hbm>>
      %dma_wait3A_91 = arith.constant 0 : i32
      %dma_wait3A_92 = arith.constant 0 : i32
      %dma_wait3A_93 = tpu.memref_slice %arg6[%dma_wait3A, %dma_wait3A_91, %dma_wait3A_92] : memref<4x8x64xf32, #tpu.memory_space<vmem>> -> memref<1x8x64xf32, #tpu.memory_space<vmem>>
      %dma_wait3A_94 = tpu.memref_squeeze %dma_wait3A_93 : memref<1x8x64xf32, #tpu.memory_space<vmem>> -> memref<8x64xf32, #tpu.memory_space<vmem>>
      %dma_wait3A_95 = arith.constant 0 : i32
      %dma_wait3A_96 = arith.constant 999936 : i32
      %dma_wait3A_97 = tpu.memref_slice %arg2[%dma_wait3A_95, %dma_wait3A_96] : memref<32x1000000xf32, #tpu.memory_space<hbm>> -> memref<8x64xf32, #tpu.memory_space<hbm>>
      tpu.wait_dma2 semaphore(%arg8 : memref<!tpu.dma_semaphore, #tpu.memory_space<semaphore_mem>>) src(%dma_wait3A_97 : memref<8x64xf32, #tpu.memory_space<hbm>>) dst(%dma_wait3A_94 : memref<8x64xf32, #tpu.memory_space<vmem>>)
      %dma_wait3A_98 = arith.constant 1 : i32
      %dma_wait3A_99 = arith.constant 0 : i32
      %dma_wait3A_100 = arith.constant 0 : i32
      %dma_wait3A_101 = tpu.memref_slice %arg6[%dma_wait3A_98, %dma_wait3A_99, %dma_wait3A_100] : memref<4x8x64xf32, #tpu.memory_space<vmem>> -> memref<1x8x64xf32, #tpu.memory_space<vmem>>
      %dma_wait3A_102 = tpu.memref_squeeze %dma_wait3A_101 : memref<1x8x64xf32, #tpu.memory_space<vmem>> -> memref<8x64xf32, #tpu.memory_space<vmem>>
      %dma_wait3A_103 = arith.constant 8 : i32
      %dma_wait3A_104 = arith.constant 999936 : i32
      %dma_wait3A_105 = tpu.memref_slice %arg2[%dma_wait3A_103, %dma_wait3A_104] : memref<32x1000000xf32, #tpu.memory_space<hbm>> -> memref<8x64xf32, #tpu.memory_space<hbm>>
      %dma_wait3A_106 = arith.constant 0 : i32
      %dma_wait3A_107 = arith.constant 0 : i32
      %dma_wait3A_108 = tpu.memref_slice %arg6[%dma_wait3A_98, %dma_wait3A_106, %dma_wait3A_107] : memref<4x8x64xf32, #tpu.memory_space<vmem>> -> memref<1x8x64xf32, #tpu.memory_space<vmem>>
      %dma_wait3A_109 = tpu.memref_squeeze %dma_wait3A_108 : memref<1x8x64xf32, #tpu.memory_space<vmem>> -> memref<8x64xf32, #tpu.memory_space<vmem>>
      %dma_wait3A_110 = arith.constant 8 : i32
      %dma_wait3A_111 = arith.constant 999936 : i32
      %dma_wait3A_112 = tpu.memref_slice %arg2[%dma_wait3A_110, %dma_wait3A_111] : memref<32x1000000xf32, #tpu.memory_space<hbm>> -> memref<8x64xf32, #tpu.memory_space<hbm>>
      tpu.wait_dma2 semaphore(%arg8 : memref<!tpu.dma_semaphore, #tpu.memory_space<semaphore_mem>>) src(%dma_wait3A_112 : memref<8x64xf32, #tpu.memory_space<hbm>>) dst(%dma_wait3A_109 : memref<8x64xf32, #tpu.memory_space<vmem>>)
      %dma_wait3A_113 = arith.constant 2 : i32
      %dma_wait3A_114 = arith.constant 0 : i32
      %dma_wait3A_115 = arith.constant 0 : i32
      %dma_wait3A_116 = tpu.memref_slice %arg6[%dma_wait3A_113, %dma_wait3A_114, %dma_wait3A_115] : memref<4x8x64xf32, #tpu.memory_space<vmem>> -> memref<1x8x64xf32, #tpu.memory_space<vmem>>
      %dma_wait3A_117 = tpu.memref_squeeze %dma_wait3A_116 : memref<1x8x64xf32, #tpu.memory_space<vmem>> -> memref<8x64xf32, #tpu.memory_space<vmem>>
      %dma_wait3A_118 = arith.constant 16 : i32
      %dma_wait3A_119 = arith.constant 999936 : i32
      %dma_wait3A_120 = tpu.memref_slice %arg2[%dma_wait3A_118, %dma_wait3A_119] : memref<32x1000000xf32, #tpu.memory_space<hbm>> -> memref<8x64xf32, #tpu.memory_space<hbm>>
      %dma_wait3A_121 = arith.constant 0 : i32
      %dma_wait3A_122 = arith.constant 0 : i32
      %dma_wait3A_123 = tpu.memref_slice %arg6[%dma_wait3A_113, %dma_wait3A_121, %dma_wait3A_122] : memref<4x8x64xf32, #tpu.memory_space<vmem>> -> memref<1x8x64xf32, #tpu.memory_space<vmem>>
      %dma_wait3A_124 = tpu.memref_squeeze %dma_wait3A_123 : memref<1x8x64xf32, #tpu.memory_space<vmem>> -> memref<8x64xf32, #tpu.memory_space<vmem>>
      %dma_wait3A_125 = arith.constant 16 : i32
      %dma_wait3A_126 = arith.constant 999936 : i32
      %dma_wait3A_127 = tpu.memref_slice %arg2[%dma_wait3A_125, %dma_wait3A_126] : memref<32x1000000xf32, #tpu.memory_space<hbm>> -> memref<8x64xf32, #tpu.memory_space<hbm>>
      tpu.wait_dma2 semaphore(%arg8 : memref<!tpu.dma_semaphore, #tpu.memory_space<semaphore_mem>>) src(%dma_wait3A_127 : memref<8x64xf32, #tpu.memory_space<hbm>>) dst(%dma_wait3A_124 : memref<8x64xf32, #tpu.memory_space<vmem>>)
      %dma_wait3A_128 = arith.constant 3 : i32
      %dma_wait3A_129 = arith.constant 0 : i32
      %dma_wait3A_130 = arith.constant 0 : i32
      %dma_wait3A_131 = tpu.memref_slice %arg6[%dma_wait3A_128, %dma_wait3A_129, %dma_wait3A_130] : memref<4x8x64xf32, #tpu.memory_space<vmem>> -> memref<1x8x64xf32, #tpu.memory_space<vmem>>
      %dma_wait3A_132 = tpu.memref_squeeze %dma_wait3A_131 : memref<1x8x64xf32, #tpu.memory_space<vmem>> -> memref<8x64xf32, #tpu.memory_space<vmem>>
      %dma_wait3A_133 = arith.constant 24 : i32
      %dma_wait3A_134 = arith.constant 999936 : i32
      %dma_wait3A_135 = tpu.memref_slice %arg2[%dma_wait3A_133, %dma_wait3A_134] : memref<32x1000000xf32, #tpu.memory_space<hbm>> -> memref<8x64xf32, #tpu.memory_space<hbm>>
      %dma_wait3A_136 = arith.constant 0 : i32
      %dma_wait3A_137 = arith.constant 0 : i32
      %dma_wait3A_138 = tpu.memref_slice %arg6[%dma_wait3A_128, %dma_wait3A_136, %dma_wait3A_137] : memref<4x8x64xf32, #tpu.memory_space<vmem>> -> memref<1x8x64xf32, #tpu.memory_space<vmem>>
      %dma_wait3A_139 = tpu.memref_squeeze %dma_wait3A_138 : memref<1x8x64xf32, #tpu.memory_space<vmem>> -> memref<8x64xf32, #tpu.memory_space<vmem>>
      %dma_wait3A_140 = arith.constant 24 : i32
      %dma_wait3A_141 = arith.constant 999936 : i32
      %dma_wait3A_142 = tpu.memref_slice %arg2[%dma_wait3A_140, %dma_wait3A_141] : memref<32x1000000xf32, #tpu.memory_space<hbm>> -> memref<8x64xf32, #tpu.memory_space<hbm>>
      tpu.wait_dma2 semaphore(%arg8 : memref<!tpu.dma_semaphore, #tpu.memory_space<semaphore_mem>>) src(%dma_wait3A_142 : memref<8x64xf32, #tpu.memory_space<hbm>>) dst(%dma_wait3A_139 : memref<8x64xf32, #tpu.memory_space<vmem>>)
      %parallel_loop3A = arith.constant 0 : i32
      %parallel_loop3A_143 = arith.constant 64 : i32
      %parallel_loop3A_144 = arith.constant 1 : i32
      scf.for %parallel_loop3A_145 = %parallel_loop3A to %parallel_loop3A_143 step %parallel_loop3A_144  : i32 {
        %parallel_loop3A_146 = arith.constant 4 : i32
        %parallel_loop3A_147 = arith.shrsi %parallel_loop3A_145, %parallel_loop3A_146 : i32
        %parallel_loop3A_148 = arith.constant 4 : i32
        %parallel_loop3A_149 = arith.shli %parallel_loop3A_147, %parallel_loop3A_148 : i32
        %parallel_loop3A_150 = vector.broadcast %parallel_loop3A_145 : i32 to vector<16xi32>
        %parallel_loop3A_151 = arith.addi %iota3A, %parallel_loop3A_150 : vector<16xi32>
        %parallel_loop3A_152 = arith.constant 15 : i32
        %parallel_loop3A_153 = vector.broadcast %parallel_loop3A_152 : i32 to vector<16xi32>
        %parallel_loop3A_154 = arith.andi %parallel_loop3A_151, %parallel_loop3A_153 : vector<16xi32>
        %parallel_loop3A_155 = vector.broadcast %parallel_loop3A_149 : i32 to vector<16xi32>
        %parallel_loop3A_156 = arith.addi %parallel_loop3A_155, %parallel_loop3A_154 : vector<16xi32>
        %parallel_loop3A_157 = tpu.vector_load_idx %arg6[%shift_right_arithmetic3A_2, %and3A_4, %parallel_loop3A_156] : memref<4x8x64xf32, #tpu.memory_space<vmem>>[vector<16xi32>, vector<16xi32>, vector<16xi32>], vector<16xf32>,
        %parallel_loop3A_158 = arith.constant 32 : i32
        %parallel_loop3A_159 = vector.broadcast %parallel_loop3A_158 : i32 to vector<16xi32>
        %parallel_loop3A_160 = arith.muli %parallel_loop3A_156, %parallel_loop3A_159 : vector<16xi32>
        %parallel_loop3A_161 = arith.addi %parallel_loop3A_160, %iota3A : vector<16xi32>
        tpu.vector_store_idx %arg7[%parallel_loop3A_161], %parallel_loop3A_157 : memref<2048xf32, #tpu.memory_space<vmem>>[vector<16xi32>], vector<16xf32>,
        %parallel_loop3A_162 = tpu.vector_load_idx %arg6[%add3A_10, %and3A_13, %parallel_loop3A_156] : memref<4x8x64xf32, #tpu.memory_space<vmem>>[vector<16xi32>, vector<16xi32>, vector<16xi32>], vector<16xf32>,
        %parallel_loop3A_163 = arith.constant 32 : i32
        %parallel_loop3A_164 = vector.broadcast %parallel_loop3A_163 : i32 to vector<16xi32>
        %parallel_loop3A_165 = arith.muli %parallel_loop3A_156, %parallel_loop3A_164 : vector<16xi32>
        %parallel_loop3A_166 = arith.constant 16 : i32
        %parallel_loop3A_167 = vector.broadcast %parallel_loop3A_166 : i32 to vector<16xi32>
        %parallel_loop3A_168 = arith.addi %parallel_loop3A_165, %parallel_loop3A_167 : vector<16xi32>
        %parallel_loop3A_169 = arith.addi %parallel_loop3A_168, %iota3A : vector<16xi32>
        tpu.vector_store_idx %arg7[%parallel_loop3A_169], %parallel_loop3A_162 : memref<2048xf32, #tpu.memory_space<vmem>>[vector<16xi32>], vector<16xf32>,
      } {sc.loop_unroll_factor = 8 : i64, sc.parallel_access}
      "tpu.region"() ({
        %run_scoped3A = tpu.sem_alloc : memref<!tpu.dma_semaphore, #tpu.memory_space<semaphore_mem>>
        %dma_start3A_145 = arith.constant 31997952 : i32
        %dma_start3A_146 = tpu.memref_slice %arg3[%dma_start3A_145] : memref<32000000xf32, #tpu.memory_space<hbm>> -> memref<2048xf32, #tpu.memory_space<hbm>>
        %dma_start3A_147 = arith.constant 31997952 : i32
        %dma_start3A_148 = tpu.memref_slice %arg3[%dma_start3A_147] : memref<32000000xf32, #tpu.memory_space<hbm>> -> memref<2048xf32, #tpu.memory_space<hbm>>
        tpu.enqueue_dma source(%arg7 : memref<2048xf32, #tpu.memory_space<vmem>>) target(%dma_start3A_148 : memref<2048xf32, #tpu.memory_space<hbm>>) target_semaphore(%run_scoped3A : memref<!tpu.dma_semaphore, #tpu.memory_space<semaphore_mem>>)
        %dma_wait3A_149 = arith.constant 31997952 : i32
        %dma_wait3A_150 = tpu.memref_slice %arg3[%dma_wait3A_149] : memref<32000000xf32, #tpu.memory_space<hbm>> -> memref<2048xf32, #tpu.memory_space<hbm>>
        %dma_wait3A_151 = arith.constant 31997952 : i32
        %dma_wait3A_152 = tpu.memref_slice %arg3[%dma_wait3A_151] : memref<32000000xf32, #tpu.memory_space<hbm>> -> memref<2048xf32, #tpu.memory_space<hbm>>
        tpu.wait_dma2 semaphore(%run_scoped3A : memref<!tpu.dma_semaphore, #tpu.memory_space<semaphore_mem>>) src(%arg7 : memref<2048xf32, #tpu.memory_space<vmem>>) dst(%dma_wait3A_152 : memref<2048xf32, #tpu.memory_space<hbm>>)
        tpu.yield
      }) : () -> ()
    } else {
    }
    return
  }
}

#map = affine_map<(d0, d1) -> (0, 0)>
#map1 = affine_map<(d0, d1) -> (0, 0, 0)>
module attributes {stable_mosaic.version = 14 : i64} {
  func.func @gather(%arg0: i32, %arg1: i32, %arg2: memref<1000000x32xf32, #tpu.memory_space<hbm>>, %arg3: memref<16384x50xi32, #tpu.memory_space<hbm>>, %arg4: memref<16384x50x32xf32, #tpu.memory_space<hbm>>, %arg5: memref<16x50xi32, #tpu.memory_space<vmem>>, %arg6: memref<16x50x32xf32, #tpu.memory_space<vmem>>, %arg7: memref<!tpu.dma_semaphore, #tpu.memory_space<semaphore_mem>>) attributes {dimension_semantics = [#tpu.dimension_semantics<core_parallel>, #tpu.dimension_semantics<subcore_parallel>], iteration_bounds = array<i64: 2, 16>, scalar_prefetch = 0 : i64, scratch_operands = 3 : i64, tpu.core_type = #tpu.core_type<sc_vector_subcore>, window_params = [{transform_indices = #map}, {transform_indices = #map}, {transform_indices = #map1}]} {
    %mul3A = arith.constant 2 : i32
    %mul3A_0 = arith.muli %arg1, %mul3A : i32
    %add3A = arith.addi %mul3A_0, %arg0 : i32
    %mul3A_1 = arith.constant 512 : i32
    %mul3A_2 = arith.muli %add3A, %mul3A_1 : i32
    %scan3A = arith.constant 0 : i32
    %scan3A_3 = arith.constant 0 : i32
    %scan3A_4 = arith.constant 32 : i32
    %scan3A_5 = arith.addi %scan3A_3, %scan3A_4 : i32
    %scan3A_6 = arith.constant 1 : i32
    scf.for %scan3A_8 = %scan3A_3 to %scan3A_5 step %scan3A_6  : i32 {
      %mul3A_9 = arith.constant 16 : i32
      %mul3A_10 = arith.muli %scan3A_8, %mul3A_9 : i32
      %add3A_11 = arith.addi %mul3A_2, %mul3A_10 : i32
      "tpu.region"() ({
        %run_scoped3A = tpu.sem_alloc : memref<!tpu.dma_semaphore, #tpu.memory_space<semaphore_mem>>
        %dma_start3A_394 = arith.constant 0 : i32
        %dma_start3A_395 = tpu.memref_slice %arg3[%add3A_11, %dma_start3A_394] : memref<16384x50xi32, #tpu.memory_space<hbm>> -> memref<16x50xi32, #tpu.memory_space<hbm>>
        %dma_start3A_396 = arith.constant 0 : i32
        %dma_start3A_397 = tpu.memref_slice %arg3[%add3A_11, %dma_start3A_396] : memref<16384x50xi32, #tpu.memory_space<hbm>> -> memref<16x50xi32, #tpu.memory_space<hbm>>
        tpu.enqueue_dma source(%dma_start3A_397 : memref<16x50xi32, #tpu.memory_space<hbm>>) target(%arg5 : memref<16x50xi32, #tpu.memory_space<vmem>>) target_semaphore(%run_scoped3A : memref<!tpu.dma_semaphore, #tpu.memory_space<semaphore_mem>>)
        %dma_wait3A_398 = arith.constant 0 : i32
        %dma_wait3A_399 = tpu.memref_slice %arg3[%add3A_11, %dma_wait3A_398] : memref<16384x50xi32, #tpu.memory_space<hbm>> -> memref<16x50xi32, #tpu.memory_space<hbm>>
        %dma_wait3A_400 = arith.constant 0 : i32
        %dma_wait3A_401 = tpu.memref_slice %arg3[%add3A_11, %dma_wait3A_400] : memref<16384x50xi32, #tpu.memory_space<hbm>> -> memref<16x50xi32, #tpu.memory_space<hbm>>
        tpu.wait_dma2 semaphore(%run_scoped3A : memref<!tpu.dma_semaphore, #tpu.memory_space<semaphore_mem>>) src(%dma_wait3A_401 : memref<16x50xi32, #tpu.memory_space<hbm>>) dst(%arg5 : memref<16x50xi32, #tpu.memory_space<vmem>>)
        tpu.yield
      }) : () -> ()
      %dma_start3A = arith.constant 0 : i32
      %dma_start3A_12 = arith.constant 0 : i32
      %dma_start3A_13 = arith.constant 0 : i32
      %dma_start3A_14 = arith.constant 0 : i32
      %dma_start3A_15 = tpu.memref_slice %arg6[%dma_start3A_12, %dma_start3A_13, %dma_start3A_14] : memref<16x50x32xf32, #tpu.memory_space<vmem>> -> memref<1x50x32xf32, #tpu.memory_space<vmem>>
      %dma_start3A_16 = tpu.memref_squeeze %dma_start3A_15 : memref<1x50x32xf32, #tpu.memory_space<vmem>> -> memref<50x32xf32, #tpu.memory_space<vmem>>
      %dma_start3A_17 = arith.constant 0 : i32
      %dma_start3A_18 = tpu.memref_slice %arg5[%dma_start3A, %dma_start3A_17] : memref<16x50xi32, #tpu.memory_space<vmem>> -> memref<1x50xi32, #tpu.memory_space<vmem>>
      %dma_start3A_19 = tpu.memref_squeeze %dma_start3A_18 : memref<1x50xi32, #tpu.memory_space<vmem>> -> memref<50xi32, #tpu.memory_space<vmem>>
      %dma_start3A_20 = arith.constant 0 : i32
      %dma_start3A_21 = arith.constant 0 : i32
      %dma_start3A_22 = tpu.memref_slice %arg2[%dma_start3A_20, %dma_start3A_21] : memref<1000000x32xf32, #tpu.memory_space<hbm>> -> memref<1000000x32xf32, #tpu.memory_space<hbm>>
      tpu.enqueue_indirect_dma source(%dma_start3A_22 : memref<1000000x32xf32, #tpu.memory_space<hbm>>) target(%dma_start3A_16 : memref<50x32xf32, #tpu.memory_space<vmem>>) offsets(%dma_start3A_19 : memref<50xi32, #tpu.memory_space<vmem>>) semaphore(%arg7 : memref<!tpu.dma_semaphore, #tpu.memory_space<semaphore_mem>>)
      %dma_start3A_23 = arith.constant 1 : i32
      %dma_start3A_24 = arith.constant 1 : i32
      %dma_start3A_25 = arith.constant 0 : i32
      %dma_start3A_26 = arith.constant 0 : i32
      %dma_start3A_27 = tpu.memref_slice %arg6[%dma_start3A_24, %dma_start3A_25, %dma_start3A_26] : memref<16x50x32xf32, #tpu.memory_space<vmem>> -> memref<1x50x32xf32, #tpu.memory_space<vmem>>
      %dma_start3A_28 = tpu.memref_squeeze %dma_start3A_27 : memref<1x50x32xf32, #tpu.memory_space<vmem>> -> memref<50x32xf32, #tpu.memory_space<vmem>>
      %dma_start3A_29 = arith.constant 0 : i32
      %dma_start3A_30 = tpu.memref_slice %arg5[%dma_start3A_23, %dma_start3A_29] : memref<16x50xi32, #tpu.memory_space<vmem>> -> memref<1x50xi32, #tpu.memory_space<vmem>>
      %dma_start3A_31 = tpu.memref_squeeze %dma_start3A_30 : memref<1x50xi32, #tpu.memory_space<vmem>> -> memref<50xi32, #tpu.memory_space<vmem>>
      %dma_start3A_32 = arith.constant 0 : i32
      %dma_start3A_33 = arith.constant 0 : i32
      %dma_start3A_34 = tpu.memref_slice %arg2[%dma_start3A_32, %dma_start3A_33] : memref<1000000x32xf32, #tpu.memory_space<hbm>> -> memref<1000000x32xf32, #tpu.memory_space<hbm>>
      tpu.enqueue_indirect_dma source(%dma_start3A_34 : memref<1000000x32xf32, #tpu.memory_space<hbm>>) target(%dma_start3A_28 : memref<50x32xf32, #tpu.memory_space<vmem>>) offsets(%dma_start3A_31 : memref<50xi32, #tpu.memory_space<vmem>>) semaphore(%arg7 : memref<!tpu.dma_semaphore, #tpu.memory_space<semaphore_mem>>)
      %dma_start3A_35 = arith.constant 2 : i32
      %dma_start3A_36 = arith.constant 2 : i32
      %dma_start3A_37 = arith.constant 0 : i32
      %dma_start3A_38 = arith.constant 0 : i32
      %dma_start3A_39 = tpu.memref_slice %arg6[%dma_start3A_36, %dma_start3A_37, %dma_start3A_38] : memref<16x50x32xf32, #tpu.memory_space<vmem>> -> memref<1x50x32xf32, #tpu.memory_space<vmem>>
      %dma_start3A_40 = tpu.memref_squeeze %dma_start3A_39 : memref<1x50x32xf32, #tpu.memory_space<vmem>> -> memref<50x32xf32, #tpu.memory_space<vmem>>
      %dma_start3A_41 = arith.constant 0 : i32
      %dma_start3A_42 = tpu.memref_slice %arg5[%dma_start3A_35, %dma_start3A_41] : memref<16x50xi32, #tpu.memory_space<vmem>> -> memref<1x50xi32, #tpu.memory_space<vmem>>
      %dma_start3A_43 = tpu.memref_squeeze %dma_start3A_42 : memref<1x50xi32, #tpu.memory_space<vmem>> -> memref<50xi32, #tpu.memory_space<vmem>>
      %dma_start3A_44 = arith.constant 0 : i32
      %dma_start3A_45 = arith.constant 0 : i32
      %dma_start3A_46 = tpu.memref_slice %arg2[%dma_start3A_44, %dma_start3A_45] : memref<1000000x32xf32, #tpu.memory_space<hbm>> -> memref<1000000x32xf32, #tpu.memory_space<hbm>>
      tpu.enqueue_indirect_dma source(%dma_start3A_46 : memref<1000000x32xf32, #tpu.memory_space<hbm>>) target(%dma_start3A_40 : memref<50x32xf32, #tpu.memory_space<vmem>>) offsets(%dma_start3A_43 : memref<50xi32, #tpu.memory_space<vmem>>) semaphore(%arg7 : memref<!tpu.dma_semaphore, #tpu.memory_space<semaphore_mem>>)
      %dma_start3A_47 = arith.constant 3 : i32
      %dma_start3A_48 = arith.constant 3 : i32
      %dma_start3A_49 = arith.constant 0 : i32
      %dma_start3A_50 = arith.constant 0 : i32
      %dma_start3A_51 = tpu.memref_slice %arg6[%dma_start3A_48, %dma_start3A_49, %dma_start3A_50] : memref<16x50x32xf32, #tpu.memory_space<vmem>> -> memref<1x50x32xf32, #tpu.memory_space<vmem>>
      %dma_start3A_52 = tpu.memref_squeeze %dma_start3A_51 : memref<1x50x32xf32, #tpu.memory_space<vmem>> -> memref<50x32xf32, #tpu.memory_space<vmem>>
      %dma_start3A_53 = arith.constant 0 : i32
      %dma_start3A_54 = tpu.memref_slice %arg5[%dma_start3A_47, %dma_start3A_53] : memref<16x50xi32, #tpu.memory_space<vmem>> -> memref<1x50xi32, #tpu.memory_space<vmem>>
      %dma_start3A_55 = tpu.memref_squeeze %dma_start3A_54 : memref<1x50xi32, #tpu.memory_space<vmem>> -> memref<50xi32, #tpu.memory_space<vmem>>
      %dma_start3A_56 = arith.constant 0 : i32
      %dma_start3A_57 = arith.constant 0 : i32
      %dma_start3A_58 = tpu.memref_slice %arg2[%dma_start3A_56, %dma_start3A_57] : memref<1000000x32xf32, #tpu.memory_space<hbm>> -> memref<1000000x32xf32, #tpu.memory_space<hbm>>
      tpu.enqueue_indirect_dma source(%dma_start3A_58 : memref<1000000x32xf32, #tpu.memory_space<hbm>>) target(%dma_start3A_52 : memref<50x32xf32, #tpu.memory_space<vmem>>) offsets(%dma_start3A_55 : memref<50xi32, #tpu.memory_space<vmem>>) semaphore(%arg7 : memref<!tpu.dma_semaphore, #tpu.memory_space<semaphore_mem>>)
      %dma_start3A_59 = arith.constant 4 : i32
      %dma_start3A_60 = arith.constant 4 : i32
      %dma_start3A_61 = arith.constant 0 : i32
      %dma_start3A_62 = arith.constant 0 : i32
      %dma_start3A_63 = tpu.memref_slice %arg6[%dma_start3A_60, %dma_start3A_61, %dma_start3A_62] : memref<16x50x32xf32, #tpu.memory_space<vmem>> -> memref<1x50x32xf32, #tpu.memory_space<vmem>>
      %dma_start3A_64 = tpu.memref_squeeze %dma_start3A_63 : memref<1x50x32xf32, #tpu.memory_space<vmem>> -> memref<50x32xf32, #tpu.memory_space<vmem>>
      %dma_start3A_65 = arith.constant 0 : i32
      %dma_start3A_66 = tpu.memref_slice %arg5[%dma_start3A_59, %dma_start3A_65] : memref<16x50xi32, #tpu.memory_space<vmem>> -> memref<1x50xi32, #tpu.memory_space<vmem>>
      %dma_start3A_67 = tpu.memref_squeeze %dma_start3A_66 : memref<1x50xi32, #tpu.memory_space<vmem>> -> memref<50xi32, #tpu.memory_space<vmem>>
      %dma_start3A_68 = arith.constant 0 : i32
      %dma_start3A_69 = arith.constant 0 : i32
      %dma_start3A_70 = tpu.memref_slice %arg2[%dma_start3A_68, %dma_start3A_69] : memref<1000000x32xf32, #tpu.memory_space<hbm>> -> memref<1000000x32xf32, #tpu.memory_space<hbm>>
      tpu.enqueue_indirect_dma source(%dma_start3A_70 : memref<1000000x32xf32, #tpu.memory_space<hbm>>) target(%dma_start3A_64 : memref<50x32xf32, #tpu.memory_space<vmem>>) offsets(%dma_start3A_67 : memref<50xi32, #tpu.memory_space<vmem>>) semaphore(%arg7 : memref<!tpu.dma_semaphore, #tpu.memory_space<semaphore_mem>>)
      %dma_start3A_71 = arith.constant 5 : i32
      %dma_start3A_72 = arith.constant 5 : i32
      %dma_start3A_73 = arith.constant 0 : i32
      %dma_start3A_74 = arith.constant 0 : i32
      %dma_start3A_75 = tpu.memref_slice %arg6[%dma_start3A_72, %dma_start3A_73, %dma_start3A_74] : memref<16x50x32xf32, #tpu.memory_space<vmem>> -> memref<1x50x32xf32, #tpu.memory_space<vmem>>
      %dma_start3A_76 = tpu.memref_squeeze %dma_start3A_75 : memref<1x50x32xf32, #tpu.memory_space<vmem>> -> memref<50x32xf32, #tpu.memory_space<vmem>>
      %dma_start3A_77 = arith.constant 0 : i32
      %dma_start3A_78 = tpu.memref_slice %arg5[%dma_start3A_71, %dma_start3A_77] : memref<16x50xi32, #tpu.memory_space<vmem>> -> memref<1x50xi32, #tpu.memory_space<vmem>>
      %dma_start3A_79 = tpu.memref_squeeze %dma_start3A_78 : memref<1x50xi32, #tpu.memory_space<vmem>> -> memref<50xi32, #tpu.memory_space<vmem>>
      %dma_start3A_80 = arith.constant 0 : i32
      %dma_start3A_81 = arith.constant 0 : i32
      %dma_start3A_82 = tpu.memref_slice %arg2[%dma_start3A_80, %dma_start3A_81] : memref<1000000x32xf32, #tpu.memory_space<hbm>> -> memref<1000000x32xf32, #tpu.memory_space<hbm>>
      tpu.enqueue_indirect_dma source(%dma_start3A_82 : memref<1000000x32xf32, #tpu.memory_space<hbm>>) target(%dma_start3A_76 : memref<50x32xf32, #tpu.memory_space<vmem>>) offsets(%dma_start3A_79 : memref<50xi32, #tpu.memory_space<vmem>>) semaphore(%arg7 : memref<!tpu.dma_semaphore, #tpu.memory_space<semaphore_mem>>)
      %dma_start3A_83 = arith.constant 6 : i32
      %dma_start3A_84 = arith.constant 6 : i32
      %dma_start3A_85 = arith.constant 0 : i32
      %dma_start3A_86 = arith.constant 0 : i32
      %dma_start3A_87 = tpu.memref_slice %arg6[%dma_start3A_84, %dma_start3A_85, %dma_start3A_86] : memref<16x50x32xf32, #tpu.memory_space<vmem>> -> memref<1x50x32xf32, #tpu.memory_space<vmem>>
      %dma_start3A_88 = tpu.memref_squeeze %dma_start3A_87 : memref<1x50x32xf32, #tpu.memory_space<vmem>> -> memref<50x32xf32, #tpu.memory_space<vmem>>
      %dma_start3A_89 = arith.constant 0 : i32
      %dma_start3A_90 = tpu.memref_slice %arg5[%dma_start3A_83, %dma_start3A_89] : memref<16x50xi32, #tpu.memory_space<vmem>> -> memref<1x50xi32, #tpu.memory_space<vmem>>
      %dma_start3A_91 = tpu.memref_squeeze %dma_start3A_90 : memref<1x50xi32, #tpu.memory_space<vmem>> -> memref<50xi32, #tpu.memory_space<vmem>>
      %dma_start3A_92 = arith.constant 0 : i32
      %dma_start3A_93 = arith.constant 0 : i32
      %dma_start3A_94 = tpu.memref_slice %arg2[%dma_start3A_92, %dma_start3A_93] : memref<1000000x32xf32, #tpu.memory_space<hbm>> -> memref<1000000x32xf32, #tpu.memory_space<hbm>>
      tpu.enqueue_indirect_dma source(%dma_start3A_94 : memref<1000000x32xf32, #tpu.memory_space<hbm>>) target(%dma_start3A_88 : memref<50x32xf32, #tpu.memory_space<vmem>>) offsets(%dma_start3A_91 : memref<50xi32, #tpu.memory_space<vmem>>) semaphore(%arg7 : memref<!tpu.dma_semaphore, #tpu.memory_space<semaphore_mem>>)
      %dma_start3A_95 = arith.constant 7 : i32
      %dma_start3A_96 = arith.constant 7 : i32
      %dma_start3A_97 = arith.constant 0 : i32
      %dma_start3A_98 = arith.constant 0 : i32
      %dma_start3A_99 = tpu.memref_slice %arg6[%dma_start3A_96, %dma_start3A_97, %dma_start3A_98] : memref<16x50x32xf32, #tpu.memory_space<vmem>> -> memref<1x50x32xf32, #tpu.memory_space<vmem>>
      %dma_start3A_100 = tpu.memref_squeeze %dma_start3A_99 : memref<1x50x32xf32, #tpu.memory_space<vmem>> -> memref<50x32xf32, #tpu.memory_space<vmem>>
      %dma_start3A_101 = arith.constant 0 : i32
      %dma_start3A_102 = tpu.memref_slice %arg5[%dma_start3A_95, %dma_start3A_101] : memref<16x50xi32, #tpu.memory_space<vmem>> -> memref<1x50xi32, #tpu.memory_space<vmem>>
      %dma_start3A_103 = tpu.memref_squeeze %dma_start3A_102 : memref<1x50xi32, #tpu.memory_space<vmem>> -> memref<50xi32, #tpu.memory_space<vmem>>
      %dma_start3A_104 = arith.constant 0 : i32
      %dma_start3A_105 = arith.constant 0 : i32
      %dma_start3A_106 = tpu.memref_slice %arg2[%dma_start3A_104, %dma_start3A_105] : memref<1000000x32xf32, #tpu.memory_space<hbm>> -> memref<1000000x32xf32, #tpu.memory_space<hbm>>
      tpu.enqueue_indirect_dma source(%dma_start3A_106 : memref<1000000x32xf32, #tpu.memory_space<hbm>>) target(%dma_start3A_100 : memref<50x32xf32, #tpu.memory_space<vmem>>) offsets(%dma_start3A_103 : memref<50xi32, #tpu.memory_space<vmem>>) semaphore(%arg7 : memref<!tpu.dma_semaphore, #tpu.memory_space<semaphore_mem>>)
      %dma_start3A_107 = arith.constant 8 : i32
      %dma_start3A_108 = arith.constant 8 : i32
      %dma_start3A_109 = arith.constant 0 : i32
      %dma_start3A_110 = arith.constant 0 : i32
      %dma_start3A_111 = tpu.memref_slice %arg6[%dma_start3A_108, %dma_start3A_109, %dma_start3A_110] : memref<16x50x32xf32, #tpu.memory_space<vmem>> -> memref<1x50x32xf32, #tpu.memory_space<vmem>>
      %dma_start3A_112 = tpu.memref_squeeze %dma_start3A_111 : memref<1x50x32xf32, #tpu.memory_space<vmem>> -> memref<50x32xf32, #tpu.memory_space<vmem>>
      %dma_start3A_113 = arith.constant 0 : i32
      %dma_start3A_114 = tpu.memref_slice %arg5[%dma_start3A_107, %dma_start3A_113] : memref<16x50xi32, #tpu.memory_space<vmem>> -> memref<1x50xi32, #tpu.memory_space<vmem>>
      %dma_start3A_115 = tpu.memref_squeeze %dma_start3A_114 : memref<1x50xi32, #tpu.memory_space<vmem>> -> memref<50xi32, #tpu.memory_space<vmem>>
      %dma_start3A_116 = arith.constant 0 : i32
      %dma_start3A_117 = arith.constant 0 : i32
      %dma_start3A_118 = tpu.memref_slice %arg2[%dma_start3A_116, %dma_start3A_117] : memref<1000000x32xf32, #tpu.memory_space<hbm>> -> memref<1000000x32xf32, #tpu.memory_space<hbm>>
      tpu.enqueue_indirect_dma source(%dma_start3A_118 : memref<1000000x32xf32, #tpu.memory_space<hbm>>) target(%dma_start3A_112 : memref<50x32xf32, #tpu.memory_space<vmem>>) offsets(%dma_start3A_115 : memref<50xi32, #tpu.memory_space<vmem>>) semaphore(%arg7 : memref<!tpu.dma_semaphore, #tpu.memory_space<semaphore_mem>>)
      %dma_start3A_119 = arith.constant 9 : i32
      %dma_start3A_120 = arith.constant 9 : i32
      %dma_start3A_121 = arith.constant 0 : i32
      %dma_start3A_122 = arith.constant 0 : i32
      %dma_start3A_123 = tpu.memref_slice %arg6[%dma_start3A_120, %dma_start3A_121, %dma_start3A_122] : memref<16x50x32xf32, #tpu.memory_space<vmem>> -> memref<1x50x32xf32, #tpu.memory_space<vmem>>
      %dma_start3A_124 = tpu.memref_squeeze %dma_start3A_123 : memref<1x50x32xf32, #tpu.memory_space<vmem>> -> memref<50x32xf32, #tpu.memory_space<vmem>>
      %dma_start3A_125 = arith.constant 0 : i32
      %dma_start3A_126 = tpu.memref_slice %arg5[%dma_start3A_119, %dma_start3A_125] : memref<16x50xi32, #tpu.memory_space<vmem>> -> memref<1x50xi32, #tpu.memory_space<vmem>>
      %dma_start3A_127 = tpu.memref_squeeze %dma_start3A_126 : memref<1x50xi32, #tpu.memory_space<vmem>> -> memref<50xi32, #tpu.memory_space<vmem>>
      %dma_start3A_128 = arith.constant 0 : i32
      %dma_start3A_129 = arith.constant 0 : i32
      %dma_start3A_130 = tpu.memref_slice %arg2[%dma_start3A_128, %dma_start3A_129] : memref<1000000x32xf32, #tpu.memory_space<hbm>> -> memref<1000000x32xf32, #tpu.memory_space<hbm>>
      tpu.enqueue_indirect_dma source(%dma_start3A_130 : memref<1000000x32xf32, #tpu.memory_space<hbm>>) target(%dma_start3A_124 : memref<50x32xf32, #tpu.memory_space<vmem>>) offsets(%dma_start3A_127 : memref<50xi32, #tpu.memory_space<vmem>>) semaphore(%arg7 : memref<!tpu.dma_semaphore, #tpu.memory_space<semaphore_mem>>)
      %dma_start3A_131 = arith.constant 10 : i32
      %dma_start3A_132 = arith.constant 10 : i32
      %dma_start3A_133 = arith.constant 0 : i32
      %dma_start3A_134 = arith.constant 0 : i32
      %dma_start3A_135 = tpu.memref_slice %arg6[%dma_start3A_132, %dma_start3A_133, %dma_start3A_134] : memref<16x50x32xf32, #tpu.memory_space<vmem>> -> memref<1x50x32xf32, #tpu.memory_space<vmem>>
      %dma_start3A_136 = tpu.memref_squeeze %dma_start3A_135 : memref<1x50x32xf32, #tpu.memory_space<vmem>> -> memref<50x32xf32, #tpu.memory_space<vmem>>
      %dma_start3A_137 = arith.constant 0 : i32
      %dma_start3A_138 = tpu.memref_slice %arg5[%dma_start3A_131, %dma_start3A_137] : memref<16x50xi32, #tpu.memory_space<vmem>> -> memref<1x50xi32, #tpu.memory_space<vmem>>
      %dma_start3A_139 = tpu.memref_squeeze %dma_start3A_138 : memref<1x50xi32, #tpu.memory_space<vmem>> -> memref<50xi32, #tpu.memory_space<vmem>>
      %dma_start3A_140 = arith.constant 0 : i32
      %dma_start3A_141 = arith.constant 0 : i32
      %dma_start3A_142 = tpu.memref_slice %arg2[%dma_start3A_140, %dma_start3A_141] : memref<1000000x32xf32, #tpu.memory_space<hbm>> -> memref<1000000x32xf32, #tpu.memory_space<hbm>>
      tpu.enqueue_indirect_dma source(%dma_start3A_142 : memref<1000000x32xf32, #tpu.memory_space<hbm>>) target(%dma_start3A_136 : memref<50x32xf32, #tpu.memory_space<vmem>>) offsets(%dma_start3A_139 : memref<50xi32, #tpu.memory_space<vmem>>) semaphore(%arg7 : memref<!tpu.dma_semaphore, #tpu.memory_space<semaphore_mem>>)
      %dma_start3A_143 = arith.constant 11 : i32
      %dma_start3A_144 = arith.constant 11 : i32
      %dma_start3A_145 = arith.constant 0 : i32
      %dma_start3A_146 = arith.constant 0 : i32
      %dma_start3A_147 = tpu.memref_slice %arg6[%dma_start3A_144, %dma_start3A_145, %dma_start3A_146] : memref<16x50x32xf32, #tpu.memory_space<vmem>> -> memref<1x50x32xf32, #tpu.memory_space<vmem>>
      %dma_start3A_148 = tpu.memref_squeeze %dma_start3A_147 : memref<1x50x32xf32, #tpu.memory_space<vmem>> -> memref<50x32xf32, #tpu.memory_space<vmem>>
      %dma_start3A_149 = arith.constant 0 : i32
      %dma_start3A_150 = tpu.memref_slice %arg5[%dma_start3A_143, %dma_start3A_149] : memref<16x50xi32, #tpu.memory_space<vmem>> -> memref<1x50xi32, #tpu.memory_space<vmem>>
      %dma_start3A_151 = tpu.memref_squeeze %dma_start3A_150 : memref<1x50xi32, #tpu.memory_space<vmem>> -> memref<50xi32, #tpu.memory_space<vmem>>
      %dma_start3A_152 = arith.constant 0 : i32
      %dma_start3A_153 = arith.constant 0 : i32
      %dma_start3A_154 = tpu.memref_slice %arg2[%dma_start3A_152, %dma_start3A_153] : memref<1000000x32xf32, #tpu.memory_space<hbm>> -> memref<1000000x32xf32, #tpu.memory_space<hbm>>
      tpu.enqueue_indirect_dma source(%dma_start3A_154 : memref<1000000x32xf32, #tpu.memory_space<hbm>>) target(%dma_start3A_148 : memref<50x32xf32, #tpu.memory_space<vmem>>) offsets(%dma_start3A_151 : memref<50xi32, #tpu.memory_space<vmem>>) semaphore(%arg7 : memref<!tpu.dma_semaphore, #tpu.memory_space<semaphore_mem>>)
      %dma_start3A_155 = arith.constant 12 : i32
      %dma_start3A_156 = arith.constant 12 : i32
      %dma_start3A_157 = arith.constant 0 : i32
      %dma_start3A_158 = arith.constant 0 : i32
      %dma_start3A_159 = tpu.memref_slice %arg6[%dma_start3A_156, %dma_start3A_157, %dma_start3A_158] : memref<16x50x32xf32, #tpu.memory_space<vmem>> -> memref<1x50x32xf32, #tpu.memory_space<vmem>>
      %dma_start3A_160 = tpu.memref_squeeze %dma_start3A_159 : memref<1x50x32xf32, #tpu.memory_space<vmem>> -> memref<50x32xf32, #tpu.memory_space<vmem>>
      %dma_start3A_161 = arith.constant 0 : i32
      %dma_start3A_162 = tpu.memref_slice %arg5[%dma_start3A_155, %dma_start3A_161] : memref<16x50xi32, #tpu.memory_space<vmem>> -> memref<1x50xi32, #tpu.memory_space<vmem>>
      %dma_start3A_163 = tpu.memref_squeeze %dma_start3A_162 : memref<1x50xi32, #tpu.memory_space<vmem>> -> memref<50xi32, #tpu.memory_space<vmem>>
      %dma_start3A_164 = arith.constant 0 : i32
      %dma_start3A_165 = arith.constant 0 : i32
      %dma_start3A_166 = tpu.memref_slice %arg2[%dma_start3A_164, %dma_start3A_165] : memref<1000000x32xf32, #tpu.memory_space<hbm>> -> memref<1000000x32xf32, #tpu.memory_space<hbm>>
      tpu.enqueue_indirect_dma source(%dma_start3A_166 : memref<1000000x32xf32, #tpu.memory_space<hbm>>) target(%dma_start3A_160 : memref<50x32xf32, #tpu.memory_space<vmem>>) offsets(%dma_start3A_163 : memref<50xi32, #tpu.memory_space<vmem>>) semaphore(%arg7 : memref<!tpu.dma_semaphore, #tpu.memory_space<semaphore_mem>>)
      %dma_start3A_167 = arith.constant 13 : i32
      %dma_start3A_168 = arith.constant 13 : i32
      %dma_start3A_169 = arith.constant 0 : i32
      %dma_start3A_170 = arith.constant 0 : i32
      %dma_start3A_171 = tpu.memref_slice %arg6[%dma_start3A_168, %dma_start3A_169, %dma_start3A_170] : memref<16x50x32xf32, #tpu.memory_space<vmem>> -> memref<1x50x32xf32, #tpu.memory_space<vmem>>
      %dma_start3A_172 = tpu.memref_squeeze %dma_start3A_171 : memref<1x50x32xf32, #tpu.memory_space<vmem>> -> memref<50x32xf32, #tpu.memory_space<vmem>>
      %dma_start3A_173 = arith.constant 0 : i32
      %dma_start3A_174 = tpu.memref_slice %arg5[%dma_start3A_167, %dma_start3A_173] : memref<16x50xi32, #tpu.memory_space<vmem>> -> memref<1x50xi32, #tpu.memory_space<vmem>>
      %dma_start3A_175 = tpu.memref_squeeze %dma_start3A_174 : memref<1x50xi32, #tpu.memory_space<vmem>> -> memref<50xi32, #tpu.memory_space<vmem>>
      %dma_start3A_176 = arith.constant 0 : i32
      %dma_start3A_177 = arith.constant 0 : i32
      %dma_start3A_178 = tpu.memref_slice %arg2[%dma_start3A_176, %dma_start3A_177] : memref<1000000x32xf32, #tpu.memory_space<hbm>> -> memref<1000000x32xf32, #tpu.memory_space<hbm>>
      tpu.enqueue_indirect_dma source(%dma_start3A_178 : memref<1000000x32xf32, #tpu.memory_space<hbm>>) target(%dma_start3A_172 : memref<50x32xf32, #tpu.memory_space<vmem>>) offsets(%dma_start3A_175 : memref<50xi32, #tpu.memory_space<vmem>>) semaphore(%arg7 : memref<!tpu.dma_semaphore, #tpu.memory_space<semaphore_mem>>)
      %dma_start3A_179 = arith.constant 14 : i32
      %dma_start3A_180 = arith.constant 14 : i32
      %dma_start3A_181 = arith.constant 0 : i32
      %dma_start3A_182 = arith.constant 0 : i32
      %dma_start3A_183 = tpu.memref_slice %arg6[%dma_start3A_180, %dma_start3A_181, %dma_start3A_182] : memref<16x50x32xf32, #tpu.memory_space<vmem>> -> memref<1x50x32xf32, #tpu.memory_space<vmem>>
      %dma_start3A_184 = tpu.memref_squeeze %dma_start3A_183 : memref<1x50x32xf32, #tpu.memory_space<vmem>> -> memref<50x32xf32, #tpu.memory_space<vmem>>
      %dma_start3A_185 = arith.constant 0 : i32
      %dma_start3A_186 = tpu.memref_slice %arg5[%dma_start3A_179, %dma_start3A_185] : memref<16x50xi32, #tpu.memory_space<vmem>> -> memref<1x50xi32, #tpu.memory_space<vmem>>
      %dma_start3A_187 = tpu.memref_squeeze %dma_start3A_186 : memref<1x50xi32, #tpu.memory_space<vmem>> -> memref<50xi32, #tpu.memory_space<vmem>>
      %dma_start3A_188 = arith.constant 0 : i32
      %dma_start3A_189 = arith.constant 0 : i32
      %dma_start3A_190 = tpu.memref_slice %arg2[%dma_start3A_188, %dma_start3A_189] : memref<1000000x32xf32, #tpu.memory_space<hbm>> -> memref<1000000x32xf32, #tpu.memory_space<hbm>>
      tpu.enqueue_indirect_dma source(%dma_start3A_190 : memref<1000000x32xf32, #tpu.memory_space<hbm>>) target(%dma_start3A_184 : memref<50x32xf32, #tpu.memory_space<vmem>>) offsets(%dma_start3A_187 : memref<50xi32, #tpu.memory_space<vmem>>) semaphore(%arg7 : memref<!tpu.dma_semaphore, #tpu.memory_space<semaphore_mem>>)
      %dma_start3A_191 = arith.constant 15 : i32
      %dma_start3A_192 = arith.constant 15 : i32
      %dma_start3A_193 = arith.constant 0 : i32
      %dma_start3A_194 = arith.constant 0 : i32
      %dma_start3A_195 = tpu.memref_slice %arg6[%dma_start3A_192, %dma_start3A_193, %dma_start3A_194] : memref<16x50x32xf32, #tpu.memory_space<vmem>> -> memref<1x50x32xf32, #tpu.memory_space<vmem>>
      %dma_start3A_196 = tpu.memref_squeeze %dma_start3A_195 : memref<1x50x32xf32, #tpu.memory_space<vmem>> -> memref<50x32xf32, #tpu.memory_space<vmem>>
      %dma_start3A_197 = arith.constant 0 : i32
      %dma_start3A_198 = tpu.memref_slice %arg5[%dma_start3A_191, %dma_start3A_197] : memref<16x50xi32, #tpu.memory_space<vmem>> -> memref<1x50xi32, #tpu.memory_space<vmem>>
      %dma_start3A_199 = tpu.memref_squeeze %dma_start3A_198 : memref<1x50xi32, #tpu.memory_space<vmem>> -> memref<50xi32, #tpu.memory_space<vmem>>
      %dma_start3A_200 = arith.constant 0 : i32
      %dma_start3A_201 = arith.constant 0 : i32
      %dma_start3A_202 = tpu.memref_slice %arg2[%dma_start3A_200, %dma_start3A_201] : memref<1000000x32xf32, #tpu.memory_space<hbm>> -> memref<1000000x32xf32, #tpu.memory_space<hbm>>
      tpu.enqueue_indirect_dma source(%dma_start3A_202 : memref<1000000x32xf32, #tpu.memory_space<hbm>>) target(%dma_start3A_196 : memref<50x32xf32, #tpu.memory_space<vmem>>) offsets(%dma_start3A_199 : memref<50xi32, #tpu.memory_space<vmem>>) semaphore(%arg7 : memref<!tpu.dma_semaphore, #tpu.memory_space<semaphore_mem>>)
      %dma_wait3A = arith.constant 0 : i32
      %dma_wait3A_203 = arith.constant 0 : i32
      %dma_wait3A_204 = arith.constant 0 : i32
      %dma_wait3A_205 = arith.constant 0 : i32
      %dma_wait3A_206 = tpu.memref_slice %arg6[%dma_wait3A_203, %dma_wait3A_204, %dma_wait3A_205] : memref<16x50x32xf32, #tpu.memory_space<vmem>> -> memref<1x50x32xf32, #tpu.memory_space<vmem>>
      %dma_wait3A_207 = tpu.memref_squeeze %dma_wait3A_206 : memref<1x50x32xf32, #tpu.memory_space<vmem>> -> memref<50x32xf32, #tpu.memory_space<vmem>>
      %dma_wait3A_208 = arith.constant 0 : i32
      %dma_wait3A_209 = tpu.memref_slice %arg5[%dma_wait3A, %dma_wait3A_208] : memref<16x50xi32, #tpu.memory_space<vmem>> -> memref<1x50xi32, #tpu.memory_space<vmem>>
      %dma_wait3A_210 = tpu.memref_squeeze %dma_wait3A_209 : memref<1x50xi32, #tpu.memory_space<vmem>> -> memref<50xi32, #tpu.memory_space<vmem>>
      %dma_wait3A_211 = arith.constant 0 : i32
      %dma_wait3A_212 = arith.constant 0 : i32
      %dma_wait3A_213 = tpu.memref_slice %arg2[%dma_wait3A_211, %dma_wait3A_212] : memref<1000000x32xf32, #tpu.memory_space<hbm>> -> memref<1000000x32xf32, #tpu.memory_space<hbm>>
      tpu.wait_indirect_dma semaphore(%arg7 : memref<!tpu.dma_semaphore, #tpu.memory_space<semaphore_mem>>) src(%dma_wait3A_213 : memref<1000000x32xf32, #tpu.memory_space<hbm>>) dst(%dma_wait3A_207 : memref<50x32xf32, #tpu.memory_space<vmem>>)
      %dma_wait3A_214 = arith.constant 1 : i32
      %dma_wait3A_215 = arith.constant 1 : i32
      %dma_wait3A_216 = arith.constant 0 : i32
      %dma_wait3A_217 = arith.constant 0 : i32
      %dma_wait3A_218 = tpu.memref_slice %arg6[%dma_wait3A_215, %dma_wait3A_216, %dma_wait3A_217] : memref<16x50x32xf32, #tpu.memory_space<vmem>> -> memref<1x50x32xf32, #tpu.memory_space<vmem>>
      %dma_wait3A_219 = tpu.memref_squeeze %dma_wait3A_218 : memref<1x50x32xf32, #tpu.memory_space<vmem>> -> memref<50x32xf32, #tpu.memory_space<vmem>>
      %dma_wait3A_220 = arith.constant 0 : i32
      %dma_wait3A_221 = tpu.memref_slice %arg5[%dma_wait3A_214, %dma_wait3A_220] : memref<16x50xi32, #tpu.memory_space<vmem>> -> memref<1x50xi32, #tpu.memory_space<vmem>>
      %dma_wait3A_222 = tpu.memref_squeeze %dma_wait3A_221 : memref<1x50xi32, #tpu.memory_space<vmem>> -> memref<50xi32, #tpu.memory_space<vmem>>
      %dma_wait3A_223 = arith.constant 0 : i32
      %dma_wait3A_224 = arith.constant 0 : i32
      %dma_wait3A_225 = tpu.memref_slice %arg2[%dma_wait3A_223, %dma_wait3A_224] : memref<1000000x32xf32, #tpu.memory_space<hbm>> -> memref<1000000x32xf32, #tpu.memory_space<hbm>>
      tpu.wait_indirect_dma semaphore(%arg7 : memref<!tpu.dma_semaphore, #tpu.memory_space<semaphore_mem>>) src(%dma_wait3A_225 : memref<1000000x32xf32, #tpu.memory_space<hbm>>) dst(%dma_wait3A_219 : memref<50x32xf32, #tpu.memory_space<vmem>>)
      %dma_wait3A_226 = arith.constant 2 : i32
      %dma_wait3A_227 = arith.constant 2 : i32
      %dma_wait3A_228 = arith.constant 0 : i32
      %dma_wait3A_229 = arith.constant 0 : i32
      %dma_wait3A_230 = tpu.memref_slice %arg6[%dma_wait3A_227, %dma_wait3A_228, %dma_wait3A_229] : memref<16x50x32xf32, #tpu.memory_space<vmem>> -> memref<1x50x32xf32, #tpu.memory_space<vmem>>
      %dma_wait3A_231 = tpu.memref_squeeze %dma_wait3A_230 : memref<1x50x32xf32, #tpu.memory_space<vmem>> -> memref<50x32xf32, #tpu.memory_space<vmem>>
      %dma_wait3A_232 = arith.constant 0 : i32
      %dma_wait3A_233 = tpu.memref_slice %arg5[%dma_wait3A_226, %dma_wait3A_232] : memref<16x50xi32, #tpu.memory_space<vmem>> -> memref<1x50xi32, #tpu.memory_space<vmem>>
      %dma_wait3A_234 = tpu.memref_squeeze %dma_wait3A_233 : memref<1x50xi32, #tpu.memory_space<vmem>> -> memref<50xi32, #tpu.memory_space<vmem>>
      %dma_wait3A_235 = arith.constant 0 : i32
      %dma_wait3A_236 = arith.constant 0 : i32
      %dma_wait3A_237 = tpu.memref_slice %arg2[%dma_wait3A_235, %dma_wait3A_236] : memref<1000000x32xf32, #tpu.memory_space<hbm>> -> memref<1000000x32xf32, #tpu.memory_space<hbm>>
      tpu.wait_indirect_dma semaphore(%arg7 : memref<!tpu.dma_semaphore, #tpu.memory_space<semaphore_mem>>) src(%dma_wait3A_237 : memref<1000000x32xf32, #tpu.memory_space<hbm>>) dst(%dma_wait3A_231 : memref<50x32xf32, #tpu.memory_space<vmem>>)
      %dma_wait3A_238 = arith.constant 3 : i32
      %dma_wait3A_239 = arith.constant 3 : i32
      %dma_wait3A_240 = arith.constant 0 : i32
      %dma_wait3A_241 = arith.constant 0 : i32
      %dma_wait3A_242 = tpu.memref_slice %arg6[%dma_wait3A_239, %dma_wait3A_240, %dma_wait3A_241] : memref<16x50x32xf32, #tpu.memory_space<vmem>> -> memref<1x50x32xf32, #tpu.memory_space<vmem>>
      %dma_wait3A_243 = tpu.memref_squeeze %dma_wait3A_242 : memref<1x50x32xf32, #tpu.memory_space<vmem>> -> memref<50x32xf32, #tpu.memory_space<vmem>>
      %dma_wait3A_244 = arith.constant 0 : i32
      %dma_wait3A_245 = tpu.memref_slice %arg5[%dma_wait3A_238, %dma_wait3A_244] : memref<16x50xi32, #tpu.memory_space<vmem>> -> memref<1x50xi32, #tpu.memory_space<vmem>>
      %dma_wait3A_246 = tpu.memref_squeeze %dma_wait3A_245 : memref<1x50xi32, #tpu.memory_space<vmem>> -> memref<50xi32, #tpu.memory_space<vmem>>
      %dma_wait3A_247 = arith.constant 0 : i32
      %dma_wait3A_248 = arith.constant 0 : i32
      %dma_wait3A_249 = tpu.memref_slice %arg2[%dma_wait3A_247, %dma_wait3A_248] : memref<1000000x32xf32, #tpu.memory_space<hbm>> -> memref<1000000x32xf32, #tpu.memory_space<hbm>>
      tpu.wait_indirect_dma semaphore(%arg7 : memref<!tpu.dma_semaphore, #tpu.memory_space<semaphore_mem>>) src(%dma_wait3A_249 : memref<1000000x32xf32, #tpu.memory_space<hbm>>) dst(%dma_wait3A_243 : memref<50x32xf32, #tpu.memory_space<vmem>>)
      %dma_wait3A_250 = arith.constant 4 : i32
      %dma_wait3A_251 = arith.constant 4 : i32
      %dma_wait3A_252 = arith.constant 0 : i32
      %dma_wait3A_253 = arith.constant 0 : i32
      %dma_wait3A_254 = tpu.memref_slice %arg6[%dma_wait3A_251, %dma_wait3A_252, %dma_wait3A_253] : memref<16x50x32xf32, #tpu.memory_space<vmem>> -> memref<1x50x32xf32, #tpu.memory_space<vmem>>
      %dma_wait3A_255 = tpu.memref_squeeze %dma_wait3A_254 : memref<1x50x32xf32, #tpu.memory_space<vmem>> -> memref<50x32xf32, #tpu.memory_space<vmem>>
      %dma_wait3A_256 = arith.constant 0 : i32
      %dma_wait3A_257 = tpu.memref_slice %arg5[%dma_wait3A_250, %dma_wait3A_256] : memref<16x50xi32, #tpu.memory_space<vmem>> -> memref<1x50xi32, #tpu.memory_space<vmem>>
      %dma_wait3A_258 = tpu.memref_squeeze %dma_wait3A_257 : memref<1x50xi32, #tpu.memory_space<vmem>> -> memref<50xi32, #tpu.memory_space<vmem>>
      %dma_wait3A_259 = arith.constant 0 : i32
      %dma_wait3A_260 = arith.constant 0 : i32
      %dma_wait3A_261 = tpu.memref_slice %arg2[%dma_wait3A_259, %dma_wait3A_260] : memref<1000000x32xf32, #tpu.memory_space<hbm>> -> memref<1000000x32xf32, #tpu.memory_space<hbm>>
      tpu.wait_indirect_dma semaphore(%arg7 : memref<!tpu.dma_semaphore, #tpu.memory_space<semaphore_mem>>) src(%dma_wait3A_261 : memref<1000000x32xf32, #tpu.memory_space<hbm>>) dst(%dma_wait3A_255 : memref<50x32xf32, #tpu.memory_space<vmem>>)
      %dma_wait3A_262 = arith.constant 5 : i32
      %dma_wait3A_263 = arith.constant 5 : i32
      %dma_wait3A_264 = arith.constant 0 : i32
      %dma_wait3A_265 = arith.constant 0 : i32
      %dma_wait3A_266 = tpu.memref_slice %arg6[%dma_wait3A_263, %dma_wait3A_264, %dma_wait3A_265] : memref<16x50x32xf32, #tpu.memory_space<vmem>> -> memref<1x50x32xf32, #tpu.memory_space<vmem>>
      %dma_wait3A_267 = tpu.memref_squeeze %dma_wait3A_266 : memref<1x50x32xf32, #tpu.memory_space<vmem>> -> memref<50x32xf32, #tpu.memory_space<vmem>>
      %dma_wait3A_268 = arith.constant 0 : i32
      %dma_wait3A_269 = tpu.memref_slice %arg5[%dma_wait3A_262, %dma_wait3A_268] : memref<16x50xi32, #tpu.memory_space<vmem>> -> memref<1x50xi32, #tpu.memory_space<vmem>>
      %dma_wait3A_270 = tpu.memref_squeeze %dma_wait3A_269 : memref<1x50xi32, #tpu.memory_space<vmem>> -> memref<50xi32, #tpu.memory_space<vmem>>
      %dma_wait3A_271 = arith.constant 0 : i32
      %dma_wait3A_272 = arith.constant 0 : i32
      %dma_wait3A_273 = tpu.memref_slice %arg2[%dma_wait3A_271, %dma_wait3A_272] : memref<1000000x32xf32, #tpu.memory_space<hbm>> -> memref<1000000x32xf32, #tpu.memory_space<hbm>>
      tpu.wait_indirect_dma semaphore(%arg7 : memref<!tpu.dma_semaphore, #tpu.memory_space<semaphore_mem>>) src(%dma_wait3A_273 : memref<1000000x32xf32, #tpu.memory_space<hbm>>) dst(%dma_wait3A_267 : memref<50x32xf32, #tpu.memory_space<vmem>>)
      %dma_wait3A_274 = arith.constant 6 : i32
      %dma_wait3A_275 = arith.constant 6 : i32
      %dma_wait3A_276 = arith.constant 0 : i32
      %dma_wait3A_277 = arith.constant 0 : i32
      %dma_wait3A_278 = tpu.memref_slice %arg6[%dma_wait3A_275, %dma_wait3A_276, %dma_wait3A_277] : memref<16x50x32xf32, #tpu.memory_space<vmem>> -> memref<1x50x32xf32, #tpu.memory_space<vmem>>
      %dma_wait3A_279 = tpu.memref_squeeze %dma_wait3A_278 : memref<1x50x32xf32, #tpu.memory_space<vmem>> -> memref<50x32xf32, #tpu.memory_space<vmem>>
      %dma_wait3A_280 = arith.constant 0 : i32
      %dma_wait3A_281 = tpu.memref_slice %arg5[%dma_wait3A_274, %dma_wait3A_280] : memref<16x50xi32, #tpu.memory_space<vmem>> -> memref<1x50xi32, #tpu.memory_space<vmem>>
      %dma_wait3A_282 = tpu.memref_squeeze %dma_wait3A_281 : memref<1x50xi32, #tpu.memory_space<vmem>> -> memref<50xi32, #tpu.memory_space<vmem>>
      %dma_wait3A_283 = arith.constant 0 : i32
      %dma_wait3A_284 = arith.constant 0 : i32
      %dma_wait3A_285 = tpu.memref_slice %arg2[%dma_wait3A_283, %dma_wait3A_284] : memref<1000000x32xf32, #tpu.memory_space<hbm>> -> memref<1000000x32xf32, #tpu.memory_space<hbm>>
      tpu.wait_indirect_dma semaphore(%arg7 : memref<!tpu.dma_semaphore, #tpu.memory_space<semaphore_mem>>) src(%dma_wait3A_285 : memref<1000000x32xf32, #tpu.memory_space<hbm>>) dst(%dma_wait3A_279 : memref<50x32xf32, #tpu.memory_space<vmem>>)
      %dma_wait3A_286 = arith.constant 7 : i32
      %dma_wait3A_287 = arith.constant 7 : i32
      %dma_wait3A_288 = arith.constant 0 : i32
      %dma_wait3A_289 = arith.constant 0 : i32
      %dma_wait3A_290 = tpu.memref_slice %arg6[%dma_wait3A_287, %dma_wait3A_288, %dma_wait3A_289] : memref<16x50x32xf32, #tpu.memory_space<vmem>> -> memref<1x50x32xf32, #tpu.memory_space<vmem>>
      %dma_wait3A_291 = tpu.memref_squeeze %dma_wait3A_290 : memref<1x50x32xf32, #tpu.memory_space<vmem>> -> memref<50x32xf32, #tpu.memory_space<vmem>>
      %dma_wait3A_292 = arith.constant 0 : i32
      %dma_wait3A_293 = tpu.memref_slice %arg5[%dma_wait3A_286, %dma_wait3A_292] : memref<16x50xi32, #tpu.memory_space<vmem>> -> memref<1x50xi32, #tpu.memory_space<vmem>>
      %dma_wait3A_294 = tpu.memref_squeeze %dma_wait3A_293 : memref<1x50xi32, #tpu.memory_space<vmem>> -> memref<50xi32, #tpu.memory_space<vmem>>
      %dma_wait3A_295 = arith.constant 0 : i32
      %dma_wait3A_296 = arith.constant 0 : i32
      %dma_wait3A_297 = tpu.memref_slice %arg2[%dma_wait3A_295, %dma_wait3A_296] : memref<1000000x32xf32, #tpu.memory_space<hbm>> -> memref<1000000x32xf32, #tpu.memory_space<hbm>>
      tpu.wait_indirect_dma semaphore(%arg7 : memref<!tpu.dma_semaphore, #tpu.memory_space<semaphore_mem>>) src(%dma_wait3A_297 : memref<1000000x32xf32, #tpu.memory_space<hbm>>) dst(%dma_wait3A_291 : memref<50x32xf32, #tpu.memory_space<vmem>>)
      %dma_wait3A_298 = arith.constant 8 : i32
      %dma_wait3A_299 = arith.constant 8 : i32
      %dma_wait3A_300 = arith.constant 0 : i32
      %dma_wait3A_301 = arith.constant 0 : i32
      %dma_wait3A_302 = tpu.memref_slice %arg6[%dma_wait3A_299, %dma_wait3A_300, %dma_wait3A_301] : memref<16x50x32xf32, #tpu.memory_space<vmem>> -> memref<1x50x32xf32, #tpu.memory_space<vmem>>
      %dma_wait3A_303 = tpu.memref_squeeze %dma_wait3A_302 : memref<1x50x32xf32, #tpu.memory_space<vmem>> -> memref<50x32xf32, #tpu.memory_space<vmem>>
      %dma_wait3A_304 = arith.constant 0 : i32
      %dma_wait3A_305 = tpu.memref_slice %arg5[%dma_wait3A_298, %dma_wait3A_304] : memref<16x50xi32, #tpu.memory_space<vmem>> -> memref<1x50xi32, #tpu.memory_space<vmem>>
      %dma_wait3A_306 = tpu.memref_squeeze %dma_wait3A_305 : memref<1x50xi32, #tpu.memory_space<vmem>> -> memref<50xi32, #tpu.memory_space<vmem>>
      %dma_wait3A_307 = arith.constant 0 : i32
      %dma_wait3A_308 = arith.constant 0 : i32
      %dma_wait3A_309 = tpu.memref_slice %arg2[%dma_wait3A_307, %dma_wait3A_308] : memref<1000000x32xf32, #tpu.memory_space<hbm>> -> memref<1000000x32xf32, #tpu.memory_space<hbm>>
      tpu.wait_indirect_dma semaphore(%arg7 : memref<!tpu.dma_semaphore, #tpu.memory_space<semaphore_mem>>) src(%dma_wait3A_309 : memref<1000000x32xf32, #tpu.memory_space<hbm>>) dst(%dma_wait3A_303 : memref<50x32xf32, #tpu.memory_space<vmem>>)
      %dma_wait3A_310 = arith.constant 9 : i32
      %dma_wait3A_311 = arith.constant 9 : i32
      %dma_wait3A_312 = arith.constant 0 : i32
      %dma_wait3A_313 = arith.constant 0 : i32
      %dma_wait3A_314 = tpu.memref_slice %arg6[%dma_wait3A_311, %dma_wait3A_312, %dma_wait3A_313] : memref<16x50x32xf32, #tpu.memory_space<vmem>> -> memref<1x50x32xf32, #tpu.memory_space<vmem>>
      %dma_wait3A_315 = tpu.memref_squeeze %dma_wait3A_314 : memref<1x50x32xf32, #tpu.memory_space<vmem>> -> memref<50x32xf32, #tpu.memory_space<vmem>>
      %dma_wait3A_316 = arith.constant 0 : i32
      %dma_wait3A_317 = tpu.memref_slice %arg5[%dma_wait3A_310, %dma_wait3A_316] : memref<16x50xi32, #tpu.memory_space<vmem>> -> memref<1x50xi32, #tpu.memory_space<vmem>>
      %dma_wait3A_318 = tpu.memref_squeeze %dma_wait3A_317 : memref<1x50xi32, #tpu.memory_space<vmem>> -> memref<50xi32, #tpu.memory_space<vmem>>
      %dma_wait3A_319 = arith.constant 0 : i32
      %dma_wait3A_320 = arith.constant 0 : i32
      %dma_wait3A_321 = tpu.memref_slice %arg2[%dma_wait3A_319, %dma_wait3A_320] : memref<1000000x32xf32, #tpu.memory_space<hbm>> -> memref<1000000x32xf32, #tpu.memory_space<hbm>>
      tpu.wait_indirect_dma semaphore(%arg7 : memref<!tpu.dma_semaphore, #tpu.memory_space<semaphore_mem>>) src(%dma_wait3A_321 : memref<1000000x32xf32, #tpu.memory_space<hbm>>) dst(%dma_wait3A_315 : memref<50x32xf32, #tpu.memory_space<vmem>>)
      %dma_wait3A_322 = arith.constant 10 : i32
      %dma_wait3A_323 = arith.constant 10 : i32
      %dma_wait3A_324 = arith.constant 0 : i32
      %dma_wait3A_325 = arith.constant 0 : i32
      %dma_wait3A_326 = tpu.memref_slice %arg6[%dma_wait3A_323, %dma_wait3A_324, %dma_wait3A_325] : memref<16x50x32xf32, #tpu.memory_space<vmem>> -> memref<1x50x32xf32, #tpu.memory_space<vmem>>
      %dma_wait3A_327 = tpu.memref_squeeze %dma_wait3A_326 : memref<1x50x32xf32, #tpu.memory_space<vmem>> -> memref<50x32xf32, #tpu.memory_space<vmem>>
      %dma_wait3A_328 = arith.constant 0 : i32
      %dma_wait3A_329 = tpu.memref_slice %arg5[%dma_wait3A_322, %dma_wait3A_328] : memref<16x50xi32, #tpu.memory_space<vmem>> -> memref<1x50xi32, #tpu.memory_space<vmem>>
      %dma_wait3A_330 = tpu.memref_squeeze %dma_wait3A_329 : memref<1x50xi32, #tpu.memory_space<vmem>> -> memref<50xi32, #tpu.memory_space<vmem>>
      %dma_wait3A_331 = arith.constant 0 : i32
      %dma_wait3A_332 = arith.constant 0 : i32
      %dma_wait3A_333 = tpu.memref_slice %arg2[%dma_wait3A_331, %dma_wait3A_332] : memref<1000000x32xf32, #tpu.memory_space<hbm>> -> memref<1000000x32xf32, #tpu.memory_space<hbm>>
      tpu.wait_indirect_dma semaphore(%arg7 : memref<!tpu.dma_semaphore, #tpu.memory_space<semaphore_mem>>) src(%dma_wait3A_333 : memref<1000000x32xf32, #tpu.memory_space<hbm>>) dst(%dma_wait3A_327 : memref<50x32xf32, #tpu.memory_space<vmem>>)
      %dma_wait3A_334 = arith.constant 11 : i32
      %dma_wait3A_335 = arith.constant 11 : i32
      %dma_wait3A_336 = arith.constant 0 : i32
      %dma_wait3A_337 = arith.constant 0 : i32
      %dma_wait3A_338 = tpu.memref_slice %arg6[%dma_wait3A_335, %dma_wait3A_336, %dma_wait3A_337] : memref<16x50x32xf32, #tpu.memory_space<vmem>> -> memref<1x50x32xf32, #tpu.memory_space<vmem>>
      %dma_wait3A_339 = tpu.memref_squeeze %dma_wait3A_338 : memref<1x50x32xf32, #tpu.memory_space<vmem>> -> memref<50x32xf32, #tpu.memory_space<vmem>>
      %dma_wait3A_340 = arith.constant 0 : i32
      %dma_wait3A_341 = tpu.memref_slice %arg5[%dma_wait3A_334, %dma_wait3A_340] : memref<16x50xi32, #tpu.memory_space<vmem>> -> memref<1x50xi32, #tpu.memory_space<vmem>>
      %dma_wait3A_342 = tpu.memref_squeeze %dma_wait3A_341 : memref<1x50xi32, #tpu.memory_space<vmem>> -> memref<50xi32, #tpu.memory_space<vmem>>
      %dma_wait3A_343 = arith.constant 0 : i32
      %dma_wait3A_344 = arith.constant 0 : i32
      %dma_wait3A_345 = tpu.memref_slice %arg2[%dma_wait3A_343, %dma_wait3A_344] : memref<1000000x32xf32, #tpu.memory_space<hbm>> -> memref<1000000x32xf32, #tpu.memory_space<hbm>>
      tpu.wait_indirect_dma semaphore(%arg7 : memref<!tpu.dma_semaphore, #tpu.memory_space<semaphore_mem>>) src(%dma_wait3A_345 : memref<1000000x32xf32, #tpu.memory_space<hbm>>) dst(%dma_wait3A_339 : memref<50x32xf32, #tpu.memory_space<vmem>>)
      %dma_wait3A_346 = arith.constant 12 : i32
      %dma_wait3A_347 = arith.constant 12 : i32
      %dma_wait3A_348 = arith.constant 0 : i32
      %dma_wait3A_349 = arith.constant 0 : i32
      %dma_wait3A_350 = tpu.memref_slice %arg6[%dma_wait3A_347, %dma_wait3A_348, %dma_wait3A_349] : memref<16x50x32xf32, #tpu.memory_space<vmem>> -> memref<1x50x32xf32, #tpu.memory_space<vmem>>
      %dma_wait3A_351 = tpu.memref_squeeze %dma_wait3A_350 : memref<1x50x32xf32, #tpu.memory_space<vmem>> -> memref<50x32xf32, #tpu.memory_space<vmem>>
      %dma_wait3A_352 = arith.constant 0 : i32
      %dma_wait3A_353 = tpu.memref_slice %arg5[%dma_wait3A_346, %dma_wait3A_352] : memref<16x50xi32, #tpu.memory_space<vmem>> -> memref<1x50xi32, #tpu.memory_space<vmem>>
      %dma_wait3A_354 = tpu.memref_squeeze %dma_wait3A_353 : memref<1x50xi32, #tpu.memory_space<vmem>> -> memref<50xi32, #tpu.memory_space<vmem>>
      %dma_wait3A_355 = arith.constant 0 : i32
      %dma_wait3A_356 = arith.constant 0 : i32
      %dma_wait3A_357 = tpu.memref_slice %arg2[%dma_wait3A_355, %dma_wait3A_356] : memref<1000000x32xf32, #tpu.memory_space<hbm>> -> memref<1000000x32xf32, #tpu.memory_space<hbm>>
      tpu.wait_indirect_dma semaphore(%arg7 : memref<!tpu.dma_semaphore, #tpu.memory_space<semaphore_mem>>) src(%dma_wait3A_357 : memref<1000000x32xf32, #tpu.memory_space<hbm>>) dst(%dma_wait3A_351 : memref<50x32xf32, #tpu.memory_space<vmem>>)
      %dma_wait3A_358 = arith.constant 13 : i32
      %dma_wait3A_359 = arith.constant 13 : i32
      %dma_wait3A_360 = arith.constant 0 : i32
      %dma_wait3A_361 = arith.constant 0 : i32
      %dma_wait3A_362 = tpu.memref_slice %arg6[%dma_wait3A_359, %dma_wait3A_360, %dma_wait3A_361] : memref<16x50x32xf32, #tpu.memory_space<vmem>> -> memref<1x50x32xf32, #tpu.memory_space<vmem>>
      %dma_wait3A_363 = tpu.memref_squeeze %dma_wait3A_362 : memref<1x50x32xf32, #tpu.memory_space<vmem>> -> memref<50x32xf32, #tpu.memory_space<vmem>>
      %dma_wait3A_364 = arith.constant 0 : i32
      %dma_wait3A_365 = tpu.memref_slice %arg5[%dma_wait3A_358, %dma_wait3A_364] : memref<16x50xi32, #tpu.memory_space<vmem>> -> memref<1x50xi32, #tpu.memory_space<vmem>>
      %dma_wait3A_366 = tpu.memref_squeeze %dma_wait3A_365 : memref<1x50xi32, #tpu.memory_space<vmem>> -> memref<50xi32, #tpu.memory_space<vmem>>
      %dma_wait3A_367 = arith.constant 0 : i32
      %dma_wait3A_368 = arith.constant 0 : i32
      %dma_wait3A_369 = tpu.memref_slice %arg2[%dma_wait3A_367, %dma_wait3A_368] : memref<1000000x32xf32, #tpu.memory_space<hbm>> -> memref<1000000x32xf32, #tpu.memory_space<hbm>>
      tpu.wait_indirect_dma semaphore(%arg7 : memref<!tpu.dma_semaphore, #tpu.memory_space<semaphore_mem>>) src(%dma_wait3A_369 : memref<1000000x32xf32, #tpu.memory_space<hbm>>) dst(%dma_wait3A_363 : memref<50x32xf32, #tpu.memory_space<vmem>>)
      %dma_wait3A_370 = arith.constant 14 : i32
      %dma_wait3A_371 = arith.constant 14 : i32
      %dma_wait3A_372 = arith.constant 0 : i32
      %dma_wait3A_373 = arith.constant 0 : i32
      %dma_wait3A_374 = tpu.memref_slice %arg6[%dma_wait3A_371, %dma_wait3A_372, %dma_wait3A_373] : memref<16x50x32xf32, #tpu.memory_space<vmem>> -> memref<1x50x32xf32, #tpu.memory_space<vmem>>
      %dma_wait3A_375 = tpu.memref_squeeze %dma_wait3A_374 : memref<1x50x32xf32, #tpu.memory_space<vmem>> -> memref<50x32xf32, #tpu.memory_space<vmem>>
      %dma_wait3A_376 = arith.constant 0 : i32
      %dma_wait3A_377 = tpu.memref_slice %arg5[%dma_wait3A_370, %dma_wait3A_376] : memref<16x50xi32, #tpu.memory_space<vmem>> -> memref<1x50xi32, #tpu.memory_space<vmem>>
      %dma_wait3A_378 = tpu.memref_squeeze %dma_wait3A_377 : memref<1x50xi32, #tpu.memory_space<vmem>> -> memref<50xi32, #tpu.memory_space<vmem>>
      %dma_wait3A_379 = arith.constant 0 : i32
      %dma_wait3A_380 = arith.constant 0 : i32
      %dma_wait3A_381 = tpu.memref_slice %arg2[%dma_wait3A_379, %dma_wait3A_380] : memref<1000000x32xf32, #tpu.memory_space<hbm>> -> memref<1000000x32xf32, #tpu.memory_space<hbm>>
      tpu.wait_indirect_dma semaphore(%arg7 : memref<!tpu.dma_semaphore, #tpu.memory_space<semaphore_mem>>) src(%dma_wait3A_381 : memref<1000000x32xf32, #tpu.memory_space<hbm>>) dst(%dma_wait3A_375 : memref<50x32xf32, #tpu.memory_space<vmem>>)
      %dma_wait3A_382 = arith.constant 15 : i32
      %dma_wait3A_383 = arith.constant 15 : i32
      %dma_wait3A_384 = arith.constant 0 : i32
      %dma_wait3A_385 = arith.constant 0 : i32
      %dma_wait3A_386 = tpu.memref_slice %arg6[%dma_wait3A_383, %dma_wait3A_384, %dma_wait3A_385] : memref<16x50x32xf32, #tpu.memory_space<vmem>> -> memref<1x50x32xf32, #tpu.memory_space<vmem>>
      %dma_wait3A_387 = tpu.memref_squeeze %dma_wait3A_386 : memref<1x50x32xf32, #tpu.memory_space<vmem>> -> memref<50x32xf32, #tpu.memory_space<vmem>>
      %dma_wait3A_388 = arith.constant 0 : i32
      %dma_wait3A_389 = tpu.memref_slice %arg5[%dma_wait3A_382, %dma_wait3A_388] : memref<16x50xi32, #tpu.memory_space<vmem>> -> memref<1x50xi32, #tpu.memory_space<vmem>>
      %dma_wait3A_390 = tpu.memref_squeeze %dma_wait3A_389 : memref<1x50xi32, #tpu.memory_space<vmem>> -> memref<50xi32, #tpu.memory_space<vmem>>
      %dma_wait3A_391 = arith.constant 0 : i32
      %dma_wait3A_392 = arith.constant 0 : i32
      %dma_wait3A_393 = tpu.memref_slice %arg2[%dma_wait3A_391, %dma_wait3A_392] : memref<1000000x32xf32, #tpu.memory_space<hbm>> -> memref<1000000x32xf32, #tpu.memory_space<hbm>>
      tpu.wait_indirect_dma semaphore(%arg7 : memref<!tpu.dma_semaphore, #tpu.memory_space<semaphore_mem>>) src(%dma_wait3A_393 : memref<1000000x32xf32, #tpu.memory_space<hbm>>) dst(%dma_wait3A_387 : memref<50x32xf32, #tpu.memory_space<vmem>>)
      "tpu.region"() ({
        %run_scoped3A = tpu.sem_alloc : memref<!tpu.dma_semaphore, #tpu.memory_space<semaphore_mem>>
        %dma_start3A_394 = arith.constant 0 : i32
        %dma_start3A_395 = arith.constant 0 : i32
        %dma_start3A_396 = tpu.memref_slice %arg4[%add3A_11, %dma_start3A_394, %dma_start3A_395] : memref<16384x50x32xf32, #tpu.memory_space<hbm>> -> memref<16x50x32xf32, #tpu.memory_space<hbm>>
        %dma_start3A_397 = arith.constant 0 : i32
        %dma_start3A_398 = arith.constant 0 : i32
        %dma_start3A_399 = tpu.memref_slice %arg4[%add3A_11, %dma_start3A_397, %dma_start3A_398] : memref<16384x50x32xf32, #tpu.memory_space<hbm>> -> memref<16x50x32xf32, #tpu.memory_space<hbm>>
        tpu.enqueue_dma source(%arg6 : memref<16x50x32xf32, #tpu.memory_space<vmem>>) target(%dma_start3A_399 : memref<16x50x32xf32, #tpu.memory_space<hbm>>) target_semaphore(%run_scoped3A : memref<!tpu.dma_semaphore, #tpu.memory_space<semaphore_mem>>)
        %dma_wait3A_400 = arith.constant 0 : i32
        %dma_wait3A_401 = arith.constant 0 : i32
        %dma_wait3A_402 = tpu.memref_slice %arg4[%add3A_11, %dma_wait3A_400, %dma_wait3A_401] : memref<16384x50x32xf32, #tpu.memory_space<hbm>> -> memref<16x50x32xf32, #tpu.memory_space<hbm>>
        %dma_wait3A_403 = arith.constant 0 : i32
        %dma_wait3A_404 = arith.constant 0 : i32
        %dma_wait3A_405 = tpu.memref_slice %arg4[%add3A_11, %dma_wait3A_403, %dma_wait3A_404] : memref<16384x50x32xf32, #tpu.memory_space<hbm>> -> memref<16x50x32xf32, #tpu.memory_space<hbm>>
        tpu.wait_dma2 semaphore(%run_scoped3A : memref<!tpu.dma_semaphore, #tpu.memory_space<semaphore_mem>>) src(%arg6 : memref<16x50x32xf32, #tpu.memory_space<vmem>>) dst(%dma_wait3A_405 : memref<16x50x32xf32, #tpu.memory_space<hbm>>)
        tpu.yield
      }) : () -> ()
    }
    %scan3A_7 = arith.constant 32 : i32
    return
  }
}

</mosaic_0001>

<sc_bundles>
// kernel: kernel.4.cloned.1.call-start
scs
__scs_entry_jumppad:
0x0: {  	(pc) =	sbr.rel $0x88, $3  }
0x1: {  	(tag) =	ssettag $0x0;
	lr =	simm.s32 $0x1  }
0x2: {  	[smem:$0x3F9F] =	sst lr;
	_ =	strace $0xD0000000  }
0x3: {  	_ = 	snop  }
0x4: {  	_ = 	snop  }
0x5: {  	_ = 	snop  }
0x6: {  	_ = 	snop  }
0x7: {  	_ = 	snop  }
__scs_overlays_trampoline_lowered:
0x8: {  	[smem:$0x3FAE] =	sst s0  }
0x9: {  	[smem:$0x3FAF] =	sst s1  }
0xa: {  	[smem:$0x3FB0] =	sst s2  }
0xb: {  	[smem:$0x3FB1] =	sst s3  }
0xc: {  	[smem:$0x3FB2] =	sst s4  }
0xd: {  	[smem:$0x3FB3] =	sst s5  }
0xe: {  	[smem:$0x3FB4] =	sst s6  }
0xf: {  	[smem:$0x3FB5] =	sst s7  }
0x10: {  	[smem:$0x3FB6] =	sst s8  }
0x11: {  	[smem:$0x3FB7] =	sst s9;
	s0 =	simm.s32 @!p0 $0x0  }
0x12: {  	s1 =	sld [smem:$0x3F9D];
	s0 =	simm.s32 @p0 $0x1  }
0x13: {  	[smem:$0x3FB8] =	sst s0;
	s0 =	simm.s32 @!p1 $0x0  }
0x14: {  	s2 =	sld [smem:$0x3F9C];
	s0 =	simm.s32 @p1 $0x1  }
0x15: {  	[smem:$0x3FB9] =	sst s0;
	s0 =	simm.s32 @!p2 $0x0  }
0x16: {  	s3 =	sld [smem:$0x3FDB];
	s0 =	simm.s32 @p2 $0x1  }
0x17: {  	s4 =	simm.s32 $0x1BF5;
	[smem:$0x3FBB] =	sst s0  }
0x18: {  	s0 =	sld [smem:$0x3F9E];
	_ =	swait.ge [sflag:s4], $0x0  }
0x19: {  	s7 =	sld [smem:$0x3F9F]  }
0x1a: {  	s8 =	sadd.s32 $0xFFFFE003, lr  }
0x1b: {  	s9 =	sadd.s32 $0xFFFFFEF7, lr;
	s5 =	simm.s32 $0xFFFFFFFF;
	p2 =	slt.u32 s8, $0xFFFFF086  }
0x1c: {  	p1 =	slt.u32 s9, $0xF7A;
	s5 =	simm.s32 @!p2 $0x0  }
0x1d: {  	s5 =	simm.s32 @p1 $0x1;
	p0 =	seq.s32 s7, s2  }
0x1e: {  	s7 =	smul.u32 @!p0 $0xF7A, s2;
	p2 =	seq.s32 @!p0 s5, $0x0  }
0x1f: {  	s9 =	smul.u32 $0xF7A, s1;
	s8 =	simm.s32 @!p0 $0x1BF5;
	p2 =	por !p2, p0  }
0x20: {  	[sflag:s8] =	ssyncset.s32 @!p0 $0xFFFFF086;
	s6 =	sadd.s32 @!p0 s3, s7;
	s7 =	simm.s32 @!p0 $0x108  }
0x21: {  	s3 =	sadd.s32 s3, s9;
	s6 =	sadd.s32 @!p0 $0x88, s6;
	s7 =	simm.s32 @p2 $0x1082  }
0x22: {  	[simem:s7], [sflag:s8] =	dma.local @!p0 [hbm:s6], $0xF7A  }
0x23: {  	s9 =	sor.u32 $0xD0000000, s2;
	s6 =	simm.s32 $0x108;
	_ =	swait.ge @!p0 [sflag:s8], $0x0  }
0x24: {  	s3 =	sadd.s32 $0x88, s3;
	s6 =	simm.s32 @!p1 $0x1082;
	[sflag:s4] =	ssyncset.s32 $0xFFFFF086  }
0x25: {  	[simem:s6], [sflag:s4] =	dma.local [hbm:s3], $0xF7A  }
0x26: {  	[smem:$0x3F9F] =	sst s1;
	(tag) =	ssettag s2;
	_ =	strace s9  }
0x27: {  	s1 =	sld [smem:$0x3FAF]  }
0x28: {  	s2 =	sld [smem:$0x3FB0]  }
0x29: {  	s4 =	sld [smem:$0x3FB2]  }
0x2a: {  	p0 =	seq.s32 s5, $0x0;
	s5 =	sld [smem:$0x3FB3]  }
0x2b: {  	s6 =	sld [smem:$0x3FB4]  }
0x2c: {  	s7 =	sld [smem:$0x3FB5]  }
0x2d: {  	s3 =	simm.s32 $0x108;
	s8 =	sld [smem:$0x3FB6]  }
0x2e: {  	s3 =	simm.s32 @!p0 $0x1082;
	s9 =	sld [smem:$0x3FB7]  }
0x2f: {  	lr =	sadd.s32 s0, s3;
	s0 =	sld [smem:$0x3FAE]  }
0x30: {  	s3 =	sld [smem:$0x3FB1]  }
0x31: {  	[smem:$0x3FBA] =	sst s10  }
0x32: {  	s10 =	sld [smem:$0x3FB8];
	_ =	sdelay $0x3  }
0x33: {  	p0 =	seq.s32 s10, $0x1;
	s10 =	sld [smem:$0x3FBA];
	_ =	sdelay $0x3  }
0x34: {  	[smem:$0x3FBA] =	sst s10  }
0x35: {  	s10 =	sld [smem:$0x3FB9];
	_ =	sdelay $0x3  }
0x36: {  	p1 =	seq.s32 s10, $0x1;
	s10 =	sld [smem:$0x3FBA];
	_ =	sdelay $0x3  }
0x37: {  	[smem:$0x3FBA] =	sst s10  }
0x38: {  	s10 =	sld [smem:$0x3FBB]  }
0x39: {  	_ = 	snop;
	(pc) =	sbr.ind lr, $3  }
0x3a: {  	_ = 	snop  }
0x3b: {  	_ = 	snop  }
0x3c: {  	p2 =	seq.s32 s10, $0x1;
	s10 =	sld [smem:$0x3FBA]  }
0x3d: {  	_ =	shalt  }
0x3e: {  	_ =	shalt  }
0x3f: {  	_ =	shalt  }
0x40: {  	_ =	shalt  }
0x41: {  	_ =	shalt  }
0x42: {  	_ =	shalt  }
0x43: {  	_ =	shalt  }
0x44: {  	_ =	shalt  }
0x45: {  	_ =	shalt  }
0x46: {  	_ =	shalt  }
0x47: {  	_ =	shalt  }
0x48: {  	_ =	shalt  }
0x49: {  	_ =	shalt  }
0x4a: {  	_ =	shalt  }
0x4b: {  	_ =	shalt  }
0x4c: {  	_ =	shalt  }
0x4d: {  	_ =	shalt  }
0x4e: {  	_ =	shalt  }
0x4f: {  	_ =	shalt  }
0x50: {  	_ =	shalt  }
0x51: {  	_ =	shalt  }
0x52: {  	_ =	shalt  }
0x53: {  	_ =	shalt  }
0x54: {  	_ =	shalt  }
0x55: {  	_ =	shalt  }
0x56: {  	_ =	shalt  }
0x57: {  	_ =	shalt  }
0x58: {  	_ =	shalt  }
0x59: {  	_ =	shalt  }
0x5a: {  	_ =	shalt  }
0x5b: {  	_ =	shalt  }
0x5c: {  	_ =	shalt  }
0x5d: {  	_ =	shalt  }
0x5e: {  	_ =	shalt  }
0x5f: {  	_ =	shalt  }
0x60: {  	_ =	shalt  }
0x61: {  	_ =	shalt  }
0x62: {  	_ =	shalt  }
0x63: {  	_ =	shalt  }
0x64: {  	_ =	shalt  }
0x65: {  	_ =	shalt  }
0x66: {  	_ =	shalt  }
0x67: {  	_ =	shalt  }
0x68: {  	_ =	shalt  }
0x69: {  	_ =	shalt  }
0x6a: {  	_ =	shalt  }
0x6b: {  	_ =	shalt  }
0x6c: {  	_ =	shalt  }
0x6d: {  	_ =	shalt  }
0x6e: {  	_ =	shalt  }
0x6f: {  	_ =	shalt  }
0x70: {  	_ =	shalt  }
0x71: {  	_ =	shalt  }
0x72: {  	_ =	shalt  }
0x73: {  	_ =	shalt  }
0x74: {  	_ =	shalt  }
0x75: {  	_ =	shalt  }
0x76: {  	_ =	shalt  }
0x77: {  	_ =	shalt  }
0x78: {  	_ =	shalt  }
0x79: {  	_ =	shalt  }
0x7a: {  	_ =	shalt  }
0x7b: {  	_ =	shalt  }
0x7c: {  	_ =	shalt  }
0x7d: {  	_ =	shalt  }
0x7e: {  	_ =	shalt  }
0x7f: {  	_ =	shalt  }
0x80: {  	_ =	shalt  }
0x81: {  	_ =	shalt  }
0x82: {  	_ =	shalt  }
0x83: {  	_ =	shalt  }
0x84: {  	_ =	shalt  }
0x85: {  	_ =	shalt  }
0x86: {  	_ =	shalt  }
0x87: {  	_ =	shalt  }
.Lfunc_end0:
.L_simem_size_0:
called_computation.1_lowered:
.L_overlay_start_0:
0x88: {  	s2 =	sld [smem:$0x3FD9]  }
0x89: {  	s3 =	sld [smem:$0x3FFE];
	_ =	sdelay $0x1  }
0x8a: {  	s1 =	srdreg.scid  }
0x8b: {  	s0 =	sand.u32 $0x1, s1  }
0x8c: {  	s17 =	sshll.u32 s0, $0xA;
	s2 =	sadd.s32 s3, s2  }
0x8d: {  	s2 =	sadd.s32 s2, s17  }
0x8e: {  	[smem:$0x3FC6] =	sst s2  }
0x8f: {  	_ = 	snop  }
0x90: {  	s2 =	sld [smem:$0x3FC8];
	(tm) =	ssettm $0x1  }
0x91: {  	s18 =	sld [smem:$0x3FFB];
	_ =	sdelay $0x3  }
0x92: {  	_ =	strace s18  }
0x93: {  	s3 =	sld [smem:$0x3FFC];
	_ =	sdelay $0x3  }
0x94: {  	_ =	strace s3  }
0x95: {  	s3 =	sld [smem:$0x3FFD];
	_ =	sdelay $0x3  }
0x96: {  	_ =	strace s3  }
0x97: {  	_ =	strace $0x8FFFFFFF  }
0x98: {  	s19 =	sld [smem:$0x3FDB];
	_ =	sdelay $0x1  }
0x99: {  	s4 =	simm.s32 $_scs_section_size  }
0x9a: {  	s5 =	simm.s32 $_size__tile_overlayer_lowered;
	s6 =	simm.s32 $_tile_overlayer_lowered  }
0x9b: {  	s22 =	simm.s32 $0x1BFF;
	s21 =	sshll.u32 s6, $0x1;
	s3 =	sadd.s32 s4, s19  }
0x9c: {  	s7 =	simm.s32 $0x0;
	s20 =	sshll.u32 s5, $0x1;
	s5 =	sadd.s32 s21, s3  }
0x9d: {  	[timem:s7], [sflag:s22] =	dma.local [hbm:s5], s20  }
0x9e: {  	_ =	swait.ge [sflag:s22], s20  }
0x9f: {  	s4 =	ssub.s32 $0x0, s20;
	[sflag:s22] =	ssyncset.done $0x0  }
0xa0: {  	[sflag:s22] =	ssyncadd.s32 s4;
	_ =	sdelay $0x1  }
0xa1: {  	s23 =	simm.s32 $0x1B8B  }
0xa2: {  	_ =	swait.ge [sflag:s23], $0x1  }
0xa3: {  	[sflag:s23] =	ssyncset.done $0x0  }
0xa4: {  	s25 =	simm.s32 $0x1B8E;
	s24 =	sld [smem:$0x3FFE];
	[sflag:s23] =	ssyncadd.s32 $0xFFFFFFFF  }
0xa5: {  	s26 =	simm.s32 $execute0_lowered;
	[smem:$0x3FD2] =	sst s25  }
0xa6: {  	s5 =	sshll.u32 s26, $0x1;
	_ =	strace $0x80000046;
	[dreg:$0x1] =	wrdreg $0xFFFFFFFF  }
0xa7: {  	s28 =	simm.s32 $_size_execute0_lowered;
	s3 =	sadd.s32 s3, s5;
	[dreg:$0x0] =	wrdreg $0x0  }
0xa8: {  	s5 =	sshll.u32 s28, $0x1;
	[dreg:$0x2] =	wrdreg s3  }
0xa9: {  	[dreg:$0x3] =	wrdreg s5  }
0xaa: {  	[dreg:$0x4] =	wrdreg $0xC0  }
0xab: {  	_ =	task [dreg:s7], $0x5FFFF  }
0xac: {  	[dreg:$0x1] =	wrdreg $0xFFFFFFFF  }
0xad: {  	[dreg:$0x0] =	wrdreg $0x60  }
0xae: {  	[dreg:$0x2] =	wrdreg s2  }
0xaf: {  	[dreg:$0x3] =	wrdreg s24  }
0xb0: {  	[dreg:$0x4] =	wrdreg $0x9  }
0xb1: {  	_ =	task.clear_ibuf [dreg:s7], $0x5FFFF;
	_ =	strace $0x90000046  }
0xb2: {  	s29 =	simm.s32 $0x9;
	_ =	strace $0x80000048  }
0xb3: {  	_ =	swait.ge [sflag:s29], $0x1  }
0xb4: {  	[sflag:s29] =	ssyncadd.s32 $0xFFFFFFFF  }
0xb5: {  	_ =	strace $0x90000048  }
0xb6: {  	_ =	sfence  }
0xb7: {  	s30 =	sld [smem:$0x0];
	_ =	sdelay $0x2  }
0xb8: {  	s31 =	sshll.u32 s1, $0xD;
	s1 =	sshrl.u32 s1, $0x2  }
0xb9: {  	s3 =	sand.u32 $0x4000, s31;
	s1 =	sadd.s32 s1, s30  }
0xba: {  	s0 =	sor.u32 s3, s0;
	s1 =	sshll.u32 s1, $0x11  }
0xbb: {  	s0 =	sor.u32 s1, s0  }
0xbc: {  	s0 =	sadd.s32 $0x8F2B, s0  }
0xbd: {  	[sflag:s0] =	ssyncadd.remote.s32 $0x1  }
0xbe: {  	_ =	sfence.sel $0xFFFF  }
0xbf: {  	[dreg:$0x0] =	wrdreg $0xFFFFFFFF;
	(pc) =	sbr.abs _section_cstart, $3  }
0xc0: {  	[dreg:$0x1] =	wrdreg $0xFFFFFFFF  }
0xc1: {  	_ =	task.clear_ibuf [dreg:s7], $0x2FFFF;
	_ =	strace $0x9FFFFFFF  }
0xc2: {  	(tm) =	ssettm $0x7FFFFFFF  }
0xc3: {  	_ =	shalt  }
tec
execute0_lowered:
.L_overlay_start_1:
0x0: {  	(tag) =	ssettag $0x1  }
0x1: {  	s2 =	rddreg [dreg:$0x0]  }
0x2: {  	s0 =	srdreg.scid;
	s7 =	stileid.u32  }
0x3: {  	s1 =	rddreg [dreg:$0x1];
	s3 =	simm.s32 $0x0;
	s17 =	simm.s32 $0x400  }
0x4: {  	s18 =	simm.s32 $0x800;
	s19 =	simm.s32 $0xC00;
	s20 =	simm.s32 $0x1  }
0x5: {  	s21 =	simm.s32 $0x1000;
	s22 =	simm.s32 $0x2;
	s23 =	simm.s32 $0x2000  }
0x6: {  	s28 =	simm.s32 $0x3000;
	s29 =	simm.s32 $0x0;
	s0 =	sand.u32 $0x1, s0  }
0x7: {  	[smem:$0x7FF] =	sst s3;
	s5 =	sadd.s32 $0xE00, s1;
	s12 =	sadd.s32 $0x2DC700, s2  }
0x8: {  	s4 =	sshll.u32 s7, $0x1;
	s14 =	sadd.s32 $0x3D0980, s2;
	s15 =	sadd.s32 $0x3D1600, s1  }
0x9: {  	p0 =	sgt.u32 s7, $0x1;
	s4 =	sor.u32 s0, s4;
	s0 =	ssub.s32 $0x2, s0  }
0xa: {  	_ =	strace $0x80000047;
	s10 =	sor.u32 $0x1E80, s4;
	s11 =	sshrl.u32 s0, $0x1  }
.Ltmp0:
0xb: {  	p1 =	sne.s32 s4, $0x4;
	s6 =	sshll.u32 s10, $0x7;
	(pc) =	sbr.rel .LBB2_1-.Ltmp0, $4  }
0xc: {  	v0 =	vlaneseq.u32;
	s13 =	sshll.u32 s10, $0x9;
	s10 =	sadd.s32 $0xF4200, s2;
	s6 =	sadd.s32 s2, s6  }
0xd: {  	v1 =	vmul.u32 $0x80, v0;
	s0 =	ssub.s32 s0, s11;
	s11 =	sadd.s32 $0x1E8480, s2;
	s8 =	sadd.s32 $0xF4280, s6  }
0xe: {  	s13 =	sadd.s32 s5, s13;
	s31 =	sadd.s32 $0x1E8500, s6;
	[dreg:$0x3] =	wrdreg s8  }
0xf: {  	v3 =	vor.u32 $0x10, v0;
	v2 =	vor.u32 $0x800, v1;
	s16 =	smax.u32 s0, $0x1;
	s9 =	sadd.s32 $0x2DC780, s6;
	[dreg:$0x4] =	wrdreg s31  }
.LBB2_13:
0x10: {  	s29 =	sadd.s32 $0x1, s29  }
0x11: {  	p2 =	sne.s32 s29, s16  }
.Ltmp1:
0x12: {  	_ = 	snop;
	(pc) =	sbr.rel @!p2 .LBB2_14-.Ltmp1, $1  }
0x13: {  	_ =	sdelay $0x3  }
.LBB2_1:
0x14: {  	s30 =	simm.s32 $0x0  }
.LBB2_2:
0x15: {  	s0 =	sshll.u32 s30, $0x5  }
0x16: {  	s31 =	sor.u32 s4, s0  }
0x17: {  	s1 =	sshll.u32 s31, $0x7  }
0x18: {  	s0 =	simm.s32 $0x0;
	s24 =	sadd.s32 s2, s1;
	s1 =	sand.u32 $0x1FFFFF80, s1  }
0x19: {  	[tilespmem:s0], [sflag:$0x1] =	stream.linear.gather [hbm4b:s24+s0], $0x400, $0x38;
	[tilespmem:$0x3800] =	vst v63  }
0x1a: {  	s8 =	simm.s32 $0x1;
	s25 =	simm.s32 $0x2;
	s1 =	sadd.s32 s2, s1  }
0x1b: {  	v4 =	vadd.s32 s8, v0;
	v5 =	vadd.s32 s25, v0;
	s25 =	simm.s32 $0x3;
	s8 =	simm.s32 $0x6;
	s26 =	sadd.s32 $0xF4280, s1  }
0x1c: {  	[tilespmem:s17], [sflag:$0x1] =	stream.linear.gather [hbm4b:s26+s0], $0x400, $0x38;
	[tilespmem:$0x3800] =	vst v63  }
0x1d: {  	v5 =	vand.u32 $0xF, v5;
	v6 =	vadd.s32 s25, v0;
	v9 =	vadd.s32 s8, v0;
	s25 =	simm.s32 $0xB;
	s24 =	sand.u32 $0x70, s0;
	s7 =	sadd.s32 $0x1E8500, s1  }
0x1e: {  	v4 =	vand.u32 $0xF, v4;
	v33 =	vadd.s32 s0, v0;
	v9 =	vand.u32 $0xF, v9;
	[tilespmem:s18], [sflag:$0x1] =	stream.linear.gather [hbm4b:s7+s0], $0x400, $0x38;
	[tilespmem:$0x3800] =	vst v63  }
0x1f: {  	v35 =	vadd.s32 s25, v0;
	v33 =	vand.u32 $0xF, v33;
	s1 =	sadd.s32 $0x2DC780, s1;
	v11 =	vor.u32 s24, v5  }
0x20: {  	v5 =	vand.u32 $0xF, v6;
	v9 =	vor.u32 s24, v9;
	v16 =	vor.u32 s24, v4;
	[tilespmem:s19], [sflag:$0x1] =	stream.linear.gather [hbm4b:s1+s0], $0x400, $0x38;
	[tilespmem:$0x3800] =	vst v63  }
0x21: {  	v33 =	vor.u32 s24, v33;
	v5 =	vor.u32 s24, v5;
	v13 =	vor.u32 v1, v9;
	_ =	swait.ge [sflag:s20], $0x400  }
0x22: {  	v14 =	vor.u32 v1, v11;
	v18 =	vor.u32 v2, v9;
	v19 =	vor.u32 v1, v16;
	[sflag:s20] =	ssyncset.done $0x0  }
0x23: {  	s26 =	simm.s32 $0x4;
	v22 =	vshll.u32 v11, $0x5;
	v23 =	vshll.u32 v16, $0x5;
	v16 =	vor.u32 v2, v16;
	[sflag:s20] =	ssyncadd.s32 $0xFFFFFC00  }
0x24: {  	v61 =	vshll.u32 v33, $0x5;
	v45 =	vor.u32 v1, v33;
	v8 =	vadd.s32 s26, v0;
	_ =	swait.ge [sflag:s20], $0x400  }
0x25: {  	v12 =	vor.u32 v1, v5;
	v15 =	vor.u32 v2, v5;
	v21 =	vshll.u32 v5, $0x5;
	s7 =	simm.s32 $0x5;
	[sflag:s20] =	ssyncset.done $0x0  }
0x26: {  	v5 =	vshll.u32 v9, $0x5;
	v4 =	vor.u32 v3, v22;
	v7 =	vadd.s32 s7, v0;
	[sflag:s20] =	ssyncadd.s32 $0xFFFFFC00  }
0x27: {  	s26 =	simm.s32 $0x7;
	v25 =	vor.u32 v3, v23;
	v22 =	vor.u32 v0, v22;
	v7 =	vand.u32 $0xF, v7;
	_ =	swait.ge [sflag:s20], $0x400  }
0x28: {  	v10 =	vadd.s32 s26, v0;
	v8 =	vand.u32 $0xF, v8;
	v7 =	vor.u32 s24, v7;
	[sflag:s20] =	ssyncset.done $0x0  }
0x29: {  	v9 =	vor.u32 v0, v5;
	v26 =	vor.u32 v3, v5;
	v6 =	vor.u32 v1, v7;
	[sflag:s20] =	ssyncadd.s32 $0xFFFFFC00  }
0x2a: {  	v27 =	vor.u32 v0, v21;
	v10 =	vand.u32 $0xF, v10;
	v8 =	vor.u32 s24, v8;
	_ =	swait.ge [sflag:s20], $0x400  }
0x2b: {  	v21 =	vor.u32 v3, v21;
	v17 =	vor.u32 v1, v8;
	v10 =	vor.u32 s24, v10;
	[sflag:s20] =	ssyncset.done $0x0  }
0x2c: {  	v20 =	vshll.u32 v8, $0x5;
	v29 =	vor.u32 v2, v8;
	v8 =	vshll.u32 v10, $0x5;
	[sflag:s20] =	ssyncadd.s32 $0xFFFFFC00  }
0x2d: {  	v28 =	vshll.u32 v7, $0x5;
	v5 =	vor.u32 v3, v8;
	v34 =	vor.u32 v0, v8;
	v8 =	vld.idx.msk [tilespmem:v13+s3+$0x0], $0xffff  }
0x2e: {  	s26 =	simm.s32 $0xC;
	v32 =	vor.u32 v2, v10;
	v31 =	vor.u32 v1, v10;
	v30 =	vor.u32 v0, v28;
	v10 =	vld.idx.msk [tilespmem:v6+s3+$0x0], $0xffff  }
0x2f: {  	s8 =	simm.s32 $0xA;
	v36 =	vadd.s32 s26, v0;
	v24 =	vor.u32 v0, v20;
	v13 =	vor.u32 v0, v23;
	v19 =	vld.idx.msk [tilespmem:v19+s3+$0x0], $0xffff  }
0x30: {  	s7 =	simm.s32 $0x9;
	s0 =	simm.s32 $0x8;
	v23 =	vor.u32 v2, v7;
	v7 =	vor.u32 v3, v20;
	v20 =	vadd.s32 s8, v0;
	v14 =	vld.idx.msk [tilespmem:v14+s3+$0x0], $0xffff  }
0x31: {  	s1 =	sand.u32 $0x70, s0;
	v6 =	vor.u32 v2, v11;
	v11 =	vadd.s32 s7, v0;
	v12 =	vld.idx.msk [tilespmem:v12+s3+$0x0], $0xffff;
	v20 =	vand.u32 $0xF, v20  }
0x32: {  	v28 =	vor.u32 v3, v28;
	s7 =	simm.s32 $0xD;
	s8 =	simm.s32 $0xE;
	v59 =	vld.idx.msk [tilespmem:v17+s3+$0x0], $0xffff;
	v17 =	vand.u32 $0xF, v11;
	v11 =	vor.u32 s1, v20;
	[tilespmem:v9+s21+$0x0] =	vst.idx.msk $0xffff, v8  }
0x33: {  	s26 =	simm.s32 $0xF;
	v37 =	vadd.s32 s7, v0;
	v38 =	vadd.s32 s8, v0;
	v20 =	vor.u32 v1, v11;
	[tilespmem:v30+s21+$0x0] =	vst.idx.msk $0xffff, v10  }
0x34: {  	v8 =	vand.u32 $0xF, v37;
	v9 =	vadd.s32 s26, v0;
	v10 =	vand.u32 $0xF, v35;
	[tilespmem:v13+s21+$0x0] =	vst.idx.msk $0xffff, v19  }
0x35: {  	v44 =	vld.idx.msk [tilespmem:v31+s3+$0x0], $0xffff;
	v19 =	vand.u32 $0xF, v38;
	[tilespmem:v22+s21+$0x0] =	vst.idx.msk $0xffff, v14;
	v14 =	vand.u32 $0xF, v36;
	v40 =	vor.u32 s1, v8  }
0x36: {  	[tilespmem:v27+s21+$0x0] =	vst.idx.msk $0xffff, v12;
	v18 =	vld.idx.msk [tilespmem:v18+s3+$0x0], $0xffff;
	v8 =	vor.u32 v2, v33;
	v60 =	vand.u32 $0xF, v9;
	v12 =	vor.u32 s1, v10  }
0x37: {  	v13 =	vld.idx.msk [tilespmem:v23+s3+$0x0], $0xffff;
	v19 =	vor.u32 s1, v19;
	v9 =	vor.u32 v3, v61;
	v14 =	vor.u32 s1, v14  }
0x38: {  	v39 =	vld.idx.msk [tilespmem:v15+s3+$0x0], $0xffff;
	v15 =	vor.u32 s1, v17;
	v30 =	vor.u32 v1, v40;
	v41 =	vor.u32 v1, v12  }
0x39: {  	v16 =	vld.idx.msk [tilespmem:v16+s3+$0x0], $0xffff;
	v62 =	vor.u32 v1, v19;
	v10 =	vor.u32 v2, v12;
	v17 =	vor.u32 v2, v19  }
0x3a: {  	[tilespmem:v24+s21+$0x0] =	vst.idx.msk $0xffff, v59;
	v42 =	vor.u32 v1, v15;
	v43 =	vshll.u32 v12, $0x5;
	v23 =	vshll.u32 v14, $0x5  }
0x3b: {  	[tilespmem:v34+s21+$0x0] =	vst.idx.msk $0xffff, v44;
	v36 =	vld.idx.msk [tilespmem:v29+s3+$0x0], $0xffff;
	v46 =	vshll.u32 v15, $0x5;
	v47 =	vor.u32 s1, v60;
	v35 =	vor.u32 v2, v40  }
0x3c: {  	v27 =	vor.u32 v0, v23;
	v29 =	vshll.u32 v47, $0x5;
	v33 =	vor.u32 v2, v47;
	[tilespmem:v26+s21+$0x0] =	vst.idx.msk $0xffff, v18  }
0x3d: {  	v38 =	vor.u32 v0, v46;
	v24 =	vor.u32 v3, v29;
	[tilespmem:v28+s21+$0x0] =	vst.idx.msk $0xffff, v13;
	v13 =	vshll.u32 v19, $0x5  }
0x3e: {  	v18 =	vor.u32 v1, v14;
	[tilespmem:v25+s21+$0x0] =	vst.idx.msk $0xffff, v16;
	v16 =	vld.idx.msk [tilespmem:v62+s3+$0x0], $0xffff;
	v63 =	vor.u32 v0, v13  }
0x3f: {  	v37 =	vld.idx.msk [tilespmem:v45+s3+$0x0], $0xffff;
	v28 =	vor.u32 v0, v61;
	v25 =	vor.u32 v2, v15;
	v15 =	vor.u32 v3, v46  }
0x40: {  	v26 =	vor.u32 v0, v43;
	[tilespmem:v21+s21+$0x0] =	vst.idx.msk $0xffff, v39;
	v21 =	vshll.u32 v40, $0x5;
	v22 =	vld.idx.msk [tilespmem:v30+s3+$0x0], $0xffff;
	v30 =	vshll.u32 v11, $0x5  }
0x41: {  	v34 =	vld.idx.msk [tilespmem:v32+s3+$0x0], $0xffff;
	v19 =	vor.u32 v3, v13;
	v13 =	vor.u32 v2, v14;
	v14 =	vor.u32 v3, v43  }
0x42: {  	v31 =	vld.idx.msk [tilespmem:v42+s3+$0x0], $0xffff;
	v39 =	vor.u32 v0, v21;
	v21 =	vor.u32 v3, v21;
	v12 =	vor.u32 v3, v30  }
0x43: {  	s24 =	simm.s32 $0x10;
	v32 =	vld.idx.msk [tilespmem:v41+s3+$0x0], $0xffff;
	[tilespmem:v63+s21+$0x0] =	vst.idx.msk $0xffff, v16;
	v16 =	vor.u32 v0, v29;
	v29 =	vor.u32 v1, v47  }
.LBB2_3:
0x44: {  	s26 =	sadd.s32 $0x1, s24;
	v30 =	vor.u32 v0, v30  }
0x45: {  	s7 =	sadd.s32 $0x2, s24;
	v23 =	vor.u32 v3, v23;
	v40 =	vld.idx.msk [tilespmem:v6+s3+$0x0], $0xffff;
	v6 =	vor.u32 v2, v11;
	v41 =	vmovc v27;
	v42 =	vmov v33;
	s8 =	smov.u32 s24;
	s25 =	sadd.s32 $0x8, s24  }
0x46: {  	p2 =	slt.u32 s24, $0x78;
	v33 =	vadd.s32 s0, v0;
	v11 =	vadd.s32 s26, v0;
	v27 =	vadd.s32 s7, v0;
	s7 =	sadd.s32 $0x3, s8;
	s26 =	sadd.s32 $0x4, s8;
	[tilespmem:v7+s21+$0x0] =	vst.idx.msk $0xffff, v36;
	v7 =	vmovc v23  }
0x47: {  	s24 =	sadd.s32 $0x6, s8;
	s0 =	smov.u32 s8;
	v23 =	vand.u32 $0xF, v27;
	v27 =	vadd.s32 s7, v0;
	v36 =	vadd.s32 s26, v0;
	s7 =	sadd.s32 $0x5, s8;
	v20 =	vld.idx.msk [tilespmem:v20+s3+$0x0], $0xffff;
	[tilespmem:v39+s21+$0x0] =	vst.idx.msk $0xffff, v22  }
0x48: {  	v33 =	vand.u32 $0xF, v33;
	v39 =	vadd.s32 s24, v0;
	v22 =	vadd.s32 s7, v0;
	s7 =	sadd.s32 $0x7, s0;
	v43 =	vld.idx.msk [tilespmem:v18+s3+$0x0], $0xffff;
	[tilespmem:v28+s21+$0x0] =	vst.idx.msk $0xffff, v37  }
0x49: {  	v28 =	vor.u32 s1, v33;
	s1 =	sand.u32 $0x70, s0;
	v18 =	vand.u32 $0xF, v22;
	v22 =	vadd.s32 s7, v0;
	[tilespmem:v38+s21+$0x0] =	vst.idx.msk $0xffff, v31;
	v17 =	vld.idx.msk [tilespmem:v17+s3+$0x0], $0xffff  }
0x4a: {  	v31 =	vand.u32 $0xF, v11;
	v11 =	vor.u32 s1, v23;
	v44 =	vor.u32 s1, v18;
	v25 =	vld.idx.msk [tilespmem:v25+s3+$0x0], $0xffff;
	[tilespmem:v5+s21+$0x0] =	vst.idx.msk $0xffff, v34;
	v5 =	vmovc v24  }
0x4b: {  	v18 =	vand.u32 $0xF, v27;
	v24 =	vor.u32 v2, v28;
	v23 =	vor.u32 v1, v44;
	v27 =	vld.idx.msk [tilespmem:v35+s3+$0x0], $0xffff  }
0x4c: {  	v33 =	vand.u32 $0xF, v39;
	v34 =	vand.u32 $0xF, v22;
	v35 =	vshll.u32 v28, $0x5;
	[tilespmem:v26+s21+$0x0] =	vst.idx.msk $0xffff, v32;
	v26 =	vld.idx.msk [tilespmem:v8+s3+$0x0], $0xffff;
	v8 =	vmovc v24  }
0x4d: {  	v24 =	vor.u32 s1, v18;
	v32 =	vor.u32 s1, v33;
	v37 =	vor.u32 v3, v35;
	[tilespmem:v30+s21+$0x0] =	vst.idx.msk $0xffff, v20;
	v33 =	vld.idx.msk [tilespmem:v10+s3+$0x0], $0xffff  }
0x4e: {  	v18 =	vand.u32 $0xF, v36;
	v45 =	vor.u32 v1, v24;
	v36 =	vor.u32 v1, v32;
	[tilespmem:v4+s21+$0x0] =	vst.idx.msk $0xffff, v40  }
0x4f: {  	v20 =	vor.u32 v1, v11;
	v10 =	vor.u32 v2, v24;
	v38 =	vor.u32 s1, v18;
	[tilespmem:v19+s21+$0x0] =	vst.idx.msk $0xffff, v17  }
0x50: {  	v18 =	vor.u32 v1, v38;
	v4 =	vmovc v12;
	v19 =	vor.u32 s1, v31;
	v17 =	vor.u32 v2, v32;
	v22 =	vld.idx.msk [tilespmem:v23+s3+$0x0], $0xffff  }
0x51: {  	v39 =	vshll.u32 v24, $0x5;
	v31 =	vor.u32 v1, v19;
	v23 =	vshll.u32 v38, $0x5;
	[tilespmem:v21+s21+$0x0] =	vst.idx.msk $0xffff, v27;
	v21 =	vld.idx.msk [tilespmem:v29+s3+$0x0], $0xffff  }
0x52: {  	v30 =	vshll.u32 v11, $0x5;
	v27 =	vor.u32 v0, v23;
	v29 =	vor.u32 v1, v28;
	[tilespmem:v15+s21+$0x0] =	vst.idx.msk $0xffff, v25  }
0x53: {  	v24 =	vshll.u32 v32, $0x5;
	v40 =	vshll.u32 v19, $0x5;
	v28 =	vor.u32 v0, v35;
	v46 =	vld.idx.msk [tilespmem:v36+s3+$0x0], $0xffff;
	[tilespmem:v9+s21+$0x0] =	vst.idx.msk $0xffff, v26  }
0x54: {  	v47 =	vor.u32 s1, v34;
	v12 =	vor.u32 v3, v30;
	v32 =	vor.u32 v0, v24;
	[tilespmem:v41+s21+$0x0] =	vst.idx.msk $0xffff, v43  }
0x55: {  	v25 =	vor.u32 v2, v19;
	v15 =	vor.u32 v3, v40;
	v19 =	vor.u32 v3, v24;
	v36 =	vld.idx.msk [tilespmem:v13+s3+$0x0], $0xffff  }
.Ltmp2:
0x56: {  	v34 =	vshll.u32 v47, $0x5;
	v26 =	vor.u32 v0, v39;
	v13 =	vor.u32 v2, v38;
	[tilespmem:v14+s21+$0x0] =	vst.idx.msk $0xffff, v33;
	(pc) =	sbr.rel @p2 .LBB2_3-.Ltmp2, $4  }
0x57: {  	v35 =	vshll.u32 v44, $0x5;
	v24 =	vor.u32 v3, v34;
	v9 =	vmovc v37;
	v33 =	vor.u32 v2, v47;
	v31 =	vld.idx.msk [tilespmem:v31+s3+$0x0], $0xffff  }
0x58: {  	v14 =	vor.u32 v3, v39;
	v39 =	vor.u32 v0, v35;
	v37 =	vld.idx.msk [tilespmem:v29+s3+$0x0], $0xffff;
	[tilespmem:v16+s21+$0x0] =	vst.idx.msk $0xffff, v21  }
0x59: {  	v21 =	vor.u32 v3, v35;
	v16 =	vor.u32 v0, v34;
	[tilespmem:v32+s21+$0x0] =	vst.idx.msk $0xffff, v46;
	v34 =	vld.idx.msk [tilespmem:v42+s3+$0x0], $0xffff  }
0x5a: {  	s24 =	smov.u32 s25;
	v38 =	vor.u32 v0, v40;
	v35 =	vor.u32 v2, v44;
	v29 =	vor.u32 v1, v47;
	v32 =	vld.idx.msk [tilespmem:v45+s3+$0x0], $0xffff  }
0x5b: {  	_ =	sdelay $0x3  }
0x5c: {  	v40 =	vadd.s32 s0, v0;
	[tilespmem:v7+s21+$0x0] =	vst.idx.msk $0xffff, v36  }
0x5d: {  	v52 =	vor.u32 v0, v30;
	v20 =	vld.idx.msk [tilespmem:v20+s3+$0x0], $0xffff;
	[tilespmem:v39+s21+$0x0] =	vst.idx.msk $0xffff, v22;
	v53 =	vand.u32 $0xF, v40  }
0x5e: {  	v6 =	vld.idx.msk [tilespmem:v6+s3+$0x0], $0xffff;
	[tilespmem:v38+s21+$0x0] =	vst.idx.msk $0xffff, v31;
	v22 =	vor.u32 s1, v53  }
0x5f: {  	v17 =	vld.idx.msk [tilespmem:v17+s3+$0x0], $0xffff;
	[tilespmem:v28+s21+$0x0] =	vst.idx.msk $0xffff, v37;
	v54 =	vor.u32 v1, v22  }
0x60: {  	v18 =	vld.idx.msk [tilespmem:v18+s3+$0x0], $0xffff;
	[tilespmem:v5+s21+$0x0] =	vst.idx.msk $0xffff, v34  }
0x61: {  	v55 =	vld.idx.msk [tilespmem:v29+s3+$0x0], $0xffff;
	[tilespmem:v26+s21+$0x0] =	vst.idx.msk $0xffff, v32  }
0x62: {  	v56 =	vld.idx.msk [tilespmem:v25+s3+$0x0], $0xffff;
	[tilespmem:v52+s21+$0x0] =	vst.idx.msk $0xffff, v20  }
0x63: {  	v5 =	vld.idx.msk [tilespmem:v35+s3+$0x0], $0xffff;
	v57 =	vshll.u32 v22, $0x5;
	[tilespmem:v4+s21+$0x0] =	vst.idx.msk $0xffff, v6  }
0x64: {  	v58 =	vor.u32 v0, v57;
	v4 =	vor.u32 v2, v11;
	[tilespmem:v19+s21+$0x0] =	vst.idx.msk $0xffff, v17;
	v59 =	vld.idx.msk [tilespmem:v54+s3+$0x0], $0xffff  }
0x65: {  	v60 =	vor.u32 v2, v22;
	v8 =	vld.idx.msk [tilespmem:v8+s3+$0x0], $0xffff;
	[tilespmem:v27+s21+$0x0] =	vst.idx.msk $0xffff, v18  }
0x66: {  	v61 =	vor.u32 v3, v23;
	[tilespmem:v16+s21+$0x0] =	vst.idx.msk $0xffff, v55;
	v13 =	vld.idx.msk [tilespmem:v13+s3+$0x0], $0xffff  }
0x67: {  	v7 =	vld.idx.msk [tilespmem:v33+s3+$0x0], $0xffff;
	[tilespmem:v15+s21+$0x0] =	vst.idx.msk $0xffff, v56  }
0x68: {  	[tilespmem:v21+s21+$0x0] =	vst.idx.msk $0xffff, v5;
	v5 =	vld.idx.msk [tilespmem:v10+s3+$0x0], $0xffff  }
0x69: {  	v4 =	vld.idx.msk [tilespmem:v4+s3+$0x0], $0xffff;
	[tilespmem:v58+s21+$0x0] =	vst.idx.msk $0xffff, v59  }
0x6a: {  	v62 =	vor.u32 v3, v57;
	[tilespmem:v9+s21+$0x0] =	vst.idx.msk $0xffff, v8;
	v63 =	vld.idx.msk [tilespmem:v60+s3+$0x0], $0xffff  }
0x6b: {  	[tilespmem:v61+s21+$0x0] =	vst.idx.msk $0xffff, v13  }
0x6c: {  	[tilespmem:v24+s21+$0x0] =	vst.idx.msk $0xffff, v7  }
0x6d: {  	s30 =	sadd.s32 $0x1, s30;
	[tilespmem:v14+s21+$0x0] =	vst.idx.msk $0xffff, v5  }
0x6e: {  	s31 =	sshll.u32 s31, $0x9;
	p2 =	sne.s32 s30, $0xF4;
	[tilespmem:v12+s21+$0x0] =	vst.idx.msk $0xffff, v4  }
.Ltmp3:
0x6f: {  	s0 =	sadd.s32 s5, s31;
	[tilespmem:v62+s21+$0x0] =	vst.idx.msk $0xffff, v63;
	(pc) =	sbr.rel @p2 .LBB2_2-.Ltmp3, $4  }
0x70: {  	[hbm4b:s0+s3] =	stream.linear.scatter [tilespmem:s21], [sflag:$0x2], $0x1000, $0x38;
	[tilespmem:$0x3800] =	vst v63  }
0x71: {  	_ =	swait.ge [sflag:s22], $0x1000  }
0x72: {  	[sflag:s22] =	ssyncset.done $0x0  }
0x73: {  	[sflag:s22] =	ssyncadd.s32 $0xFFFFF000  }
.Ltmp4:
0x74: {  	(pc) =	sbr.rel @p0 .LBB2_9-.Ltmp4, $1  }
0x75: {  	_ =	sdelay $0x3  }
0x76: {  	s0 =	simm.s32 $0x0  }
0x77: {  	s1 =	rddreg [dreg:$0x3];
	s31 =	simm.s32 $0x1;
	s7 =	simm.s32 $0x2  }
0x78: {  	[tilespmem:s0], [sflag:$0x1] =	stream.linear.gather [hbm4b:s6+s0], $0x400, $0x38;
	[tilespmem:$0x3800] =	vst v63  }
0x79: {  	s24 =	simm.s32 $0x5;
	s8 =	simm.s32 $0x4;
	s25 =	simm.s32 $0x6  }
0x7a: {  	v4 =	vadd.s32 s31, v0;
	v5 =	vadd.s32 s7, v0;
	[tilespmem:s17], [sflag:$0x1] =	stream.linear.gather [hbm4b:s1+s0], $0x400, $0x38;
	[tilespmem:$0x3800] =	vst v63  }
0x7b: {  	s30 =	rddreg [dreg:$0x4];
	s26 =	simm.s32 $0x7;
	s7 =	simm.s32 $0x3;
	v7 =	vadd.s32 s24, v0;
	v8 =	vadd.s32 s8, v0;
	v9 =	vadd.s32 s25, v0  }
0x7c: {  	v10 =	vadd.s32 s26, v0;
	v33 =	vadd.s32 s0, v0;
	v5 =	vand.u32 $0xF, v5;
	[tilespmem:s18], [sflag:$0x1] =	stream.linear.gather [hbm4b:s30+s0], $0x400, $0x38;
	[tilespmem:$0x3800] =	vst v63  }
0x7d: {  	s8 =	simm.s32 $0xB;
	s25 =	simm.s32 $0xC;
	s26 =	simm.s32 $0xD;
	v6 =	vadd.s32 s7, v0;
	v7 =	vand.u32 $0xF, v7;
	v4 =	vand.u32 $0xF, v4  }
0x7e: {  	v9 =	vand.u32 $0xF, v9;
	v10 =	vand.u32 $0xF, v10;
	v8 =	vand.u32 $0xF, v8;
	[tilespmem:s19], [sflag:$0x1] =	stream.linear.gather [hbm4b:s9+s0], $0x400, $0x38;
	[tilespmem:$0x3800] =	vst v63  }
0x7f: {  	s24 =	sand.u32 $0x70, s0;
	v35 =	vadd.s32 s8, v0;
	v36 =	vadd.s32 s25, v0;
	v37 =	vadd.s32 s26, v0;
	_ =	swait.ge [sflag:s20], $0x400  }
0x80: {  	v33 =	vand.u32 $0xF, v33;
	v7 =	vor.u32 s24, v7;
	v11 =	vor.u32 s24, v5;
	[sflag:s20] =	ssyncset.done $0x0  }
0x81: {  	v5 =	vand.u32 $0xF, v6;
	v9 =	vor.u32 s24, v9;
	v8 =	vor.u32 s24, v8;
	[sflag:s20] =	ssyncadd.s32 $0xFFFFFC00  }
0x82: {  	v16 =	vor.u32 s24, v4;
	v10 =	vor.u32 s24, v10;
	v33 =	vor.u32 s24, v33;
	_ =	swait.ge [sflag:s20], $0x400  }
0x83: {  	v6 =	vor.u32 v1, v7;
	v5 =	vor.u32 s24, v5;
	v13 =	vor.u32 v1, v9;
	[sflag:s20] =	ssyncset.done $0x0  }
0x84: {  	v14 =	vor.u32 v1, v11;
	v17 =	vor.u32 v1, v8;
	v18 =	vor.u32 v2, v9;
	[sflag:s20] =	ssyncadd.s32 $0xFFFFFC00  }
0x85: {  	v19 =	vor.u32 v1, v16;
	v20 =	vshll.u32 v8, $0x5;
	v22 =	vshll.u32 v11, $0x5;
	_ =	swait.ge [sflag:s20], $0x400  }
0x86: {  	v23 =	vshll.u32 v16, $0x5;
	v16 =	vor.u32 v2, v16;
	v29 =	vor.u32 v2, v8;
	[sflag:s20] =	ssyncset.done $0x0  }
0x87: {  	v8 =	vshll.u32 v10, $0x5;
	v28 =	vshll.u32 v7, $0x5;
	v32 =	vor.u32 v2, v10;
	[sflag:s20] =	ssyncadd.s32 $0xFFFFFC00  }
0x88: {  	v31 =	vor.u32 v1, v10;
	v61 =	vshll.u32 v33, $0x5;
	v45 =	vor.u32 v1, v33;
	_ =	swait.ge [sflag:s20], $0x400  }
0x89: {  	v12 =	vor.u32 v1, v5;
	v15 =	vor.u32 v2, v5;
	v21 =	vshll.u32 v5, $0x5;
	[sflag:s20] =	ssyncset.done $0x0  }
0x8a: {  	v24 =	vor.u32 v0, v20;
	v5 =	vshll.u32 v9, $0x5;
	v34 =	vor.u32 v0, v8;
	[sflag:s20] =	ssyncadd.s32 $0xFFFFFC00  }
0x8b: {  	v9 =	vor.u32 v0, v5;
	v26 =	vor.u32 v3, v5;
	v5 =	vor.u32 v3, v8;
	v8 =	vld.idx.msk [tilespmem:v13+s3+$0x0], $0xffff  }
0x8c: {  	v4 =	vor.u32 v3, v22;
	v25 =	vor.u32 v3, v23;
	v30 =	vor.u32 v0, v28;
	v10 =	vld.idx.msk [tilespmem:v6+s3+$0x0], $0xffff  }
0x8d: {  	s31 =	simm.s32 $0xA;
	v22 =	vor.u32 v0, v22;
	v27 =	vor.u32 v0, v21;
	v13 =	vor.u32 v0, v23;
	v19 =	vld.idx.msk [tilespmem:v19+s3+$0x0], $0xffff  }
0x8e: {  	s30 =	simm.s32 $0x9;
	s0 =	simm.s32 $0x8;
	v23 =	vor.u32 v2, v7;
	v7 =	vor.u32 v3, v20;
	v20 =	vadd.s32 s31, v0;
	v14 =	vld.idx.msk [tilespmem:v14+s3+$0x0], $0xffff  }
0x8f: {  	s1 =	sand.u32 $0x70, s0;
	v6 =	vor.u32 v2, v11;
	v11 =	vadd.s32 s30, v0;
	v12 =	vld.idx.msk [tilespmem:v12+s3+$0x0], $0xffff;
	v20 =	vand.u32 $0xF, v20  }
0x90: {  	v28 =	vor.u32 v3, v28;
	s30 =	simm.s32 $0xE;
	v59 =	vld.idx.msk [tilespmem:v17+s3+$0x0], $0xffff;
	v17 =	vand.u32 $0xF, v11;
	v11 =	vor.u32 s1, v20;
	[tilespmem:v9+s21+$0x0] =	vst.idx.msk $0xffff, v8  }
0x91: {  	v21 =	vor.u32 v3, v21;
	s31 =	simm.s32 $0xF;
	v38 =	vadd.s32 s30, v0;
	v20 =	vor.u32 v1, v11;
	[tilespmem:v30+s21+$0x0] =	vst.idx.msk $0xffff, v10  }
0x92: {  	v8 =	vand.u32 $0xF, v37;
	v9 =	vadd.s32 s31, v0;
	v10 =	vand.u32 $0xF, v35;
	[tilespmem:v13+s21+$0x0] =	vst.idx.msk $0xffff, v19  }
0x93: {  	v44 =	vld.idx.msk [tilespmem:v31+s3+$0x0], $0xffff;
	v19 =	vand.u32 $0xF, v38;
	[tilespmem:v22+s21+$0x0] =	vst.idx.msk $0xffff, v14;
	v14 =	vand.u32 $0xF, v36;
	v40 =	vor.u32 s1, v8  }
0x94: {  	[tilespmem:v27+s21+$0x0] =	vst.idx.msk $0xffff, v12;
	v18 =	vld.idx.msk [tilespmem:v18+s3+$0x0], $0xffff;
	v8 =	vor.u32 v2, v33;
	v60 =	vand.u32 $0xF, v9;
	v12 =	vor.u32 s1, v10  }
0x95: {  	v13 =	vld.idx.msk [tilespmem:v23+s3+$0x0], $0xffff;
	v19 =	vor.u32 s1, v19;
	v9 =	vor.u32 v3, v61;
	v14 =	vor.u32 s1, v14  }
0x96: {  	v39 =	vld.idx.msk [tilespmem:v15+s3+$0x0], $0xffff;
	v15 =	vor.u32 s1, v17;
	v30 =	vor.u32 v1, v40;
	v41 =	vor.u32 v1, v12  }
0x97: {  	v16 =	vld.idx.msk [tilespmem:v16+s3+$0x0], $0xffff;
	v62 =	vor.u32 v1, v19;
	v10 =	vor.u32 v2, v12;
	v17 =	vor.u32 v2, v19  }
0x98: {  	[tilespmem:v24+s21+$0x0] =	vst.idx.msk $0xffff, v59;
	v42 =	vor.u32 v1, v15;
	v43 =	vshll.u32 v12, $0x5;
	v23 =	vshll.u32 v14, $0x5  }
0x99: {  	[tilespmem:v34+s21+$0x0] =	vst.idx.msk $0xffff, v44;
	v36 =	vld.idx.msk [tilespmem:v29+s3+$0x0], $0xffff;
	v46 =	vshll.u32 v15, $0x5;
	v47 =	vor.u32 s1, v60;
	v35 =	vor.u32 v2, v40  }
0x9a: {  	v27 =	vor.u32 v0, v23;
	v29 =	vshll.u32 v47, $0x5;
	v33 =	vor.u32 v2, v47;
	[tilespmem:v26+s21+$0x0] =	vst.idx.msk $0xffff, v18  }
0x9b: {  	v38 =	vor.u32 v0, v46;
	v24 =	vor.u32 v3, v29;
	[tilespmem:v28+s21+$0x0] =	vst.idx.msk $0xffff, v13;
	v13 =	vshll.u32 v19, $0x5  }
0x9c: {  	v18 =	vor.u32 v1, v14;
	[tilespmem:v25+s21+$0x0] =	vst.idx.msk $0xffff, v16;
	v16 =	vld.idx.msk [tilespmem:v62+s3+$0x0], $0xffff;
	v63 =	vor.u32 v0, v13  }
0x9d: {  	v37 =	vld.idx.msk [tilespmem:v45+s3+$0x0], $0xffff;
	v28 =	vor.u32 v0, v61;
	v25 =	vor.u32 v2, v15;
	v15 =	vor.u32 v3, v46  }
0x9e: {  	v26 =	vor.u32 v0, v43;
	[tilespmem:v21+s21+$0x0] =	vst.idx.msk $0xffff, v39;
	v21 =	vshll.u32 v40, $0x5;
	v22 =	vld.idx.msk [tilespmem:v30+s3+$0x0], $0xffff;
	v30 =	vshll.u32 v11, $0x5  }
0x9f: {  	v34 =	vld.idx.msk [tilespmem:v32+s3+$0x0], $0xffff;
	v19 =	vor.u32 v3, v13;
	v13 =	vor.u32 v2, v14;
	v14 =	vor.u32 v3, v43  }
0xa0: {  	v31 =	vld.idx.msk [tilespmem:v42+s3+$0x0], $0xffff;
	v39 =	vor.u32 v0, v21;
	v21 =	vor.u32 v3, v21;
	v12 =	vor.u32 v3, v30  }
0xa1: {  	s25 =	simm.s32 $0x10;
	v32 =	vld.idx.msk [tilespmem:v41+s3+$0x0], $0xffff;
	[tilespmem:v63+s21+$0x0] =	vst.idx.msk $0xffff, v16;
	v16 =	vor.u32 v0, v29;
	v29 =	vor.u32 v1, v47  }
.LBB2_7:
0xa2: {  	s7 =	sadd.s32 $0x1, s25;
	v30 =	vor.u32 v0, v30  }
0xa3: {  	s8 =	sadd.s32 $0x2, s25;
	v23 =	vor.u32 v3, v23;
	v40 =	vld.idx.msk [tilespmem:v6+s3+$0x0], $0xffff;
	v6 =	vor.u32 v2, v11;
	v41 =	vmovc v27;
	v42 =	vmov v33;
	s26 =	smov.u32 s25;
	s24 =	sadd.s32 $0x8, s25  }
0xa4: {  	p2 =	slt.u32 s25, $0x78;
	v33 =	vadd.s32 s0, v0;
	v11 =	vadd.s32 s7, v0;
	v27 =	vadd.s32 s8, v0;
	s7 =	sadd.s32 $0x3, s26;
	s8 =	sadd.s32 $0x4, s26;
	[tilespmem:v7+s21+$0x0] =	vst.idx.msk $0xffff, v36;
	v7 =	vmovc v23  }
0xa5: {  	s0 =	smov.u32 s26;
	v23 =	vand.u32 $0xF, v27;
	v27 =	vadd.s32 s7, v0;
	v36 =	vadd.s32 s8, v0;
	s7 =	sadd.s32 $0x5, s26;
	s8 =	sadd.s32 $0x6, s26;
	v20 =	vld.idx.msk [tilespmem:v20+s3+$0x0], $0xffff;
	[tilespmem:v39+s21+$0x0] =	vst.idx.msk $0xffff, v22  }
0xa6: {  	v33 =	vand.u32 $0xF, v33;
	v22 =	vadd.s32 s7, v0;
	v39 =	vadd.s32 s8, v0;
	s7 =	sadd.s32 $0x7, s0;
	v43 =	vld.idx.msk [tilespmem:v18+s3+$0x0], $0xffff;
	[tilespmem:v28+s21+$0x0] =	vst.idx.msk $0xffff, v37  }
0xa7: {  	v28 =	vor.u32 s1, v33;
	s1 =	sand.u32 $0x70, s0;
	v18 =	vand.u32 $0xF, v22;
	v22 =	vadd.s32 s7, v0;
	[tilespmem:v38+s21+$0x0] =	vst.idx.msk $0xffff, v31;
	v17 =	vld.idx.msk [tilespmem:v17+s3+$0x0], $0xffff  }
0xa8: {  	v31 =	vand.u32 $0xF, v11;
	v11 =	vor.u32 s1, v23;
	v44 =	vor.u32 s1, v18;
	v25 =	vld.idx.msk [tilespmem:v25+s3+$0x0], $0xffff;
	[tilespmem:v5+s21+$0x0] =	vst.idx.msk $0xffff, v34;
	v5 =	vmovc v24  }
0xa9: {  	v18 =	vand.u32 $0xF, v27;
	v24 =	vor.u32 v2, v28;
	v23 =	vor.u32 v1, v44;
	v27 =	vld.idx.msk [tilespmem:v35+s3+$0x0], $0xffff  }
0xaa: {  	v33 =	vand.u32 $0xF, v39;
	v34 =	vand.u32 $0xF, v22;
	v35 =	vshll.u32 v28, $0x5;
	[tilespmem:v26+s21+$0x0] =	vst.idx.msk $0xffff, v32;
	v26 =	vld.idx.msk [tilespmem:v8+s3+$0x0], $0xffff;
	v8 =	vmovc v24  }
0xab: {  	v24 =	vor.u32 s1, v18;
	v32 =	vor.u32 s1, v33;
	v37 =	vor.u32 v3, v35;
	[tilespmem:v30+s21+$0x0] =	vst.idx.msk $0xffff, v20;
	v33 =	vld.idx.msk [tilespmem:v10+s3+$0x0], $0xffff  }
0xac: {  	v18 =	vand.u32 $0xF, v36;
	v45 =	vor.u32 v1, v24;
	v36 =	vor.u32 v1, v32;
	[tilespmem:v4+s21+$0x0] =	vst.idx.msk $0xffff, v40  }
0xad: {  	v20 =	vor.u32 v1, v11;
	v10 =	vor.u32 v2, v24;
	v38 =	vor.u32 s1, v18;
	[tilespmem:v19+s21+$0x0] =	vst.idx.msk $0xffff, v17  }
0xae: {  	v18 =	vor.u32 v1, v38;
	v4 =	vmovc v12;
	v19 =	vor.u32 s1, v31;
	v17 =	vor.u32 v2, v32;
	v22 =	vld.idx.msk [tilespmem:v23+s3+$0x0], $0xffff  }
0xaf: {  	v39 =	vshll.u32 v24, $0x5;
	v31 =	vor.u32 v1, v19;
	v23 =	vshll.u32 v38, $0x5;
	[tilespmem:v21+s21+$0x0] =	vst.idx.msk $0xffff, v27;
	v21 =	vld.idx.msk [tilespmem:v29+s3+$0x0], $0xffff  }
0xb0: {  	v30 =	vshll.u32 v11, $0x5;
	v27 =	vor.u32 v0, v23;
	v29 =	vor.u32 v1, v28;
	[tilespmem:v15+s21+$0x0] =	vst.idx.msk $0xffff, v25  }
0xb1: {  	v24 =	vshll.u32 v32, $0x5;
	v40 =	vshll.u32 v19, $0x5;
	v28 =	vor.u32 v0, v35;
	v46 =	vld.idx.msk [tilespmem:v36+s3+$0x0], $0xffff;
	[tilespmem:v9+s21+$0x0] =	vst.idx.msk $0xffff, v26  }
0xb2: {  	v47 =	vor.u32 s1, v34;
	v12 =	vor.u32 v3, v30;
	v32 =	vor.u32 v0, v24;
	[tilespmem:v41+s21+$0x0] =	vst.idx.msk $0xffff, v43  }
0xb3: {  	v25 =	vor.u32 v2, v19;
	v15 =	vor.u32 v3, v40;
	v19 =	vor.u32 v3, v24;
	v36 =	vld.idx.msk [tilespmem:v13+s3+$0x0], $0xffff  }
.Ltmp5:
0xb4: {  	v34 =	vshll.u32 v47, $0x5;
	v26 =	vor.u32 v0, v39;
	v13 =	vor.u32 v2, v38;
	[tilespmem:v14+s21+$0x0] =	vst.idx.msk $0xffff, v33;
	(pc) =	sbr.rel @p2 .LBB2_7-.Ltmp5, $4  }
0xb5: {  	v35 =	vshll.u32 v44, $0x5;
	v24 =	vor.u32 v3, v34;
	v9 =	vmovc v37;
	v33 =	vor.u32 v2, v47;
	v31 =	vld.idx.msk [tilespmem:v31+s3+$0x0], $0xffff  }
0xb6: {  	v14 =	vor.u32 v3, v39;
	v39 =	vor.u32 v0, v35;
	v37 =	vld.idx.msk [tilespmem:v29+s3+$0x0], $0xffff;
	[tilespmem:v16+s21+$0x0] =	vst.idx.msk $0xffff, v21  }
0xb7: {  	v21 =	vor.u32 v3, v35;
	v16 =	vor.u32 v0, v34;
	[tilespmem:v32+s21+$0x0] =	vst.idx.msk $0xffff, v46;
	v34 =	vld.idx.msk [tilespmem:v42+s3+$0x0], $0xffff  }
0xb8: {  	s25 =	smov.u32 s24;
	v38 =	vor.u32 v0, v40;
	v35 =	vor.u32 v2, v44;
	v29 =	vor.u32 v1, v47;
	v32 =	vld.idx.msk [tilespmem:v45+s3+$0x0], $0xffff  }
0xb9: {  	_ =	sdelay $0x3  }
0xba: {  	v40 =	vadd.s32 s0, v0;
	[tilespmem:v7+s21+$0x0] =	vst.idx.msk $0xffff, v36  }
0xbb: {  	v52 =	vor.u32 v0, v30;
	v20 =	vld.idx.msk [tilespmem:v20+s3+$0x0], $0xffff;
	[tilespmem:v39+s21+$0x0] =	vst.idx.msk $0xffff, v22;
	v53 =	vand.u32 $0xF, v40  }
0xbc: {  	v6 =	vld.idx.msk [tilespmem:v6+s3+$0x0], $0xffff;
	[tilespmem:v38+s21+$0x0] =	vst.idx.msk $0xffff, v31;
	v22 =	vor.u32 s1, v53  }
0xbd: {  	v17 =	vld.idx.msk [tilespmem:v17+s3+$0x0], $0xffff;
	[tilespmem:v28+s21+$0x0] =	vst.idx.msk $0xffff, v37;
	v54 =	vor.u32 v1, v22  }
0xbe: {  	v18 =	vld.idx.msk [tilespmem:v18+s3+$0x0], $0xffff;
	[tilespmem:v5+s21+$0x0] =	vst.idx.msk $0xffff, v34  }
0xbf: {  	v55 =	vld.idx.msk [tilespmem:v29+s3+$0x0], $0xffff;
	[tilespmem:v26+s21+$0x0] =	vst.idx.msk $0xffff, v32  }
0xc0: {  	v56 =	vld.idx.msk [tilespmem:v25+s3+$0x0], $0xffff;
	[tilespmem:v52+s21+$0x0] =	vst.idx.msk $0xffff, v20  }
0xc1: {  	v5 =	vld.idx.msk [tilespmem:v35+s3+$0x0], $0xffff;
	v57 =	vshll.u32 v22, $0x5;
	[tilespmem:v4+s21+$0x0] =	vst.idx.msk $0xffff, v6  }
0xc2: {  	v58 =	vor.u32 v0, v57;
	v4 =	vor.u32 v2, v11;
	[tilespmem:v19+s21+$0x0] =	vst.idx.msk $0xffff, v17;
	v59 =	vld.idx.msk [tilespmem:v54+s3+$0x0], $0xffff  }
0xc3: {  	v60 =	vor.u32 v2, v22;
	v8 =	vld.idx.msk [tilespmem:v8+s3+$0x0], $0xffff;
	[tilespmem:v27+s21+$0x0] =	vst.idx.msk $0xffff, v18  }
0xc4: {  	v61 =	vor.u32 v3, v23;
	[tilespmem:v16+s21+$0x0] =	vst.idx.msk $0xffff, v55;
	v13 =	vld.idx.msk [tilespmem:v13+s3+$0x0], $0xffff  }
0xc5: {  	v7 =	vld.idx.msk [tilespmem:v33+s3+$0x0], $0xffff;
	[tilespmem:v15+s21+$0x0] =	vst.idx.msk $0xffff, v56  }
0xc6: {  	[tilespmem:v21+s21+$0x0] =	vst.idx.msk $0xffff, v5;
	v5 =	vld.idx.msk [tilespmem:v10+s3+$0x0], $0xffff  }
0xc7: {  	v4 =	vld.idx.msk [tilespmem:v4+s3+$0x0], $0xffff;
	[tilespmem:v58+s21+$0x0] =	vst.idx.msk $0xffff, v59  }
0xc8: {  	v62 =	vor.u32 v3, v57;
	[tilespmem:v9+s21+$0x0] =	vst.idx.msk $0xffff, v8;
	v63 =	vld.idx.msk [tilespmem:v60+s3+$0x0], $0xffff  }
0xc9: {  	[tilespmem:v61+s21+$0x0] =	vst.idx.msk $0xffff, v13  }
0xca: {  	[tilespmem:v24+s21+$0x0] =	vst.idx.msk $0xffff, v7  }
0xcb: {  	[tilespmem:v14+s21+$0x0] =	vst.idx.msk $0xffff, v5  }
0xcc: {  	[tilespmem:v12+s21+$0x0] =	vst.idx.msk $0xffff, v4  }
0xcd: {  	[tilespmem:v62+s21+$0x0] =	vst.idx.msk $0xffff, v63  }
0xce: {  	[hbm4b:s13+s3] =	stream.linear.scatter [tilespmem:s21], [sflag:$0x2], $0x1000, $0x38;
	[tilespmem:$0x3800] =	vst v63  }
0xcf: {  	_ =	swait.ge [sflag:s22], $0x1000  }
0xd0: {  	[sflag:s22] =	ssyncset.done $0x0  }
0xd1: {  	[sflag:s22] =	ssyncadd.s32 $0xFFFFF000  }
.LBB2_9:
.Ltmp6:
0xd2: {  	(pc) =	sbr.rel @p1 .LBB2_13-.Ltmp6, $1  }
0xd3: {  	_ =	sdelay $0x3  }
0xd4: {  	s0 =	simm.s32 $0x0  }
0xd5: {  	s1 =	simm.s32 $0x2400;
	s26 =	simm.s32 $0x1;
	s7 =	simm.s32 $0x2  }
0xd6: {  	[tilespmem:s23], [sflag:$0x1] =	stream.linear.gather [hbm4b:s10+s0], $0x400, $0x38;
	[tilespmem:$0x3800] =	vst v63  }
0xd7: {  	s30 =	simm.s32 $0x3;
	s31 =	simm.s32 $0x5;
	s8 =	simm.s32 $0x4  }
0xd8: {  	v4 =	vadd.s32 s26, v0;
	v5 =	vadd.s32 s7, v0;
	[tilespmem:s1], [sflag:$0x1] =	stream.linear.gather [hbm4b:s11+s0], $0x400, $0x38;
	[tilespmem:$0x3800] =	vst v63  }
0xd9: {  	s25 =	simm.s32 $0x2800;
	s24 =	simm.s32 $0x6;
	v6 =	vadd.s32 s30, v0;
	v7 =	vadd.s32 s31, v0;
	v8 =	vadd.s32 s8, v0  }
0xda: {  	v9 =	vadd.s32 s24, v0;
	v33 =	vadd.s32 s0, v0;
	v5 =	vand.u32 $0xF, v5;
	[tilespmem:s25], [sflag:$0x1] =	stream.linear.gather [hbm4b:s12+s0], $0x400, $0x38;
	[tilespmem:$0x3800] =	vst v63  }
0xdb: {  	s24 =	sand.u32 $0x30, s0;
	s26 =	simm.s32 $0x2C00;
	s8 =	simm.s32 $0xB;
	v7 =	vand.u32 $0xF, v7;
	v4 =	vand.u32 $0xF, v4;
	v9 =	vand.u32 $0xF, v9  }
0xdc: {  	v8 =	vand.u32 $0xF, v8;
	v35 =	vadd.s32 s8, v0;
	v33 =	vand.u32 $0xF, v33;
	[tilespmem:s26], [sflag:$0x1] =	stream.linear.gather [hbm4b:s14+s0], $0x400, $0x38;
	[tilespmem:$0x3800] =	vst v63  }
0xdd: {  	v7 =	vor.u32 s24, v7;
	v11 =	vor.u32 s24, v5;
	v5 =	vand.u32 $0xF, v6;
	_ =	swait.ge [sflag:s20], $0x400  }
0xde: {  	v9 =	vor.u32 s24, v9;
	v8 =	vor.u32 s24, v8;
	v16 =	vor.u32 s24, v4;
	[sflag:s20] =	ssyncset.done $0x0  }
0xdf: {  	v33 =	vor.u32 s24, v33;
	v6 =	vor.u32 v1, v7;
	v5 =	vor.u32 s24, v5;
	[sflag:s20] =	ssyncadd.s32 $0xFFFFFC00  }
0xe0: {  	v13 =	vor.u32 v1, v9;
	v14 =	vor.u32 v1, v11;
	v17 =	vor.u32 v1, v8;
	_ =	swait.ge [sflag:s20], $0x400  }
0xe1: {  	v18 =	vor.u32 v2, v9;
	v19 =	vor.u32 v1, v16;
	v20 =	vshll.u32 v8, $0x5;
	[sflag:s20] =	ssyncset.done $0x0  }
0xe2: {  	v22 =	vshll.u32 v11, $0x5;
	v23 =	vshll.u32 v16, $0x5;
	v16 =	vor.u32 v2, v16;
	[sflag:s20] =	ssyncadd.s32 $0xFFFFFC00  }
0xe3: {  	v29 =	vor.u32 v2, v8;
	v28 =	vshll.u32 v7, $0x5;
	v61 =	vshll.u32 v33, $0x5;
	_ =	swait.ge [sflag:s20], $0x400  }
0xe4: {  	v45 =	vor.u32 v1, v33;
	s25 =	simm.s32 $0x7;
	v12 =	vor.u32 v1, v5;
	v15 =	vor.u32 v2, v5;
	[sflag:s20] =	ssyncset.done $0x0  }
0xe5: {  	v21 =	vshll.u32 v5, $0x5;
	v24 =	vor.u32 v0, v20;
	v10 =	vadd.s32 s25, v0;
	[sflag:s20] =	ssyncadd.s32 $0xFFFFFC00  }
0xe6: {  	v5 =	vshll.u32 v9, $0x5;
	v4 =	vor.u32 v3, v22;
	v10 =	vand.u32 $0xF, v10;
	_ =	swait.ge [sflag:s20], $0x400  }
0xe7: {  	v25 =	vor.u32 v3, v23;
	v30 =	vor.u32 v0, v28;
	v10 =	vor.u32 s24, v10;
	[sflag:s20] =	ssyncset.done $0x0  }
0xe8: {  	v28 =	vor.u32 v3, v28;
	v9 =	vor.u32 v0, v5;
	v8 =	vshll.u32 v10, $0x5;
	[sflag:s20] =	ssyncadd.s32 $0xFFFFFC00  }
0xe9: {  	v26 =	vor.u32 v3, v5;
	v5 =	vor.u32 v3, v8;
	v34 =	vor.u32 v0, v8;
	v8 =	vld.idx.msk [tilespmem:v13+s23+$0x0], $0xffff  }
0xea: {  	v22 =	vor.u32 v0, v22;
	v32 =	vor.u32 v2, v10;
	v31 =	vor.u32 v1, v10;
	v10 =	vld.idx.msk [tilespmem:v6+s23+$0x0], $0xffff  }
0xeb: {  	s31 =	simm.s32 $0xA;
	v27 =	vor.u32 v0, v21;
	v21 =	vor.u32 v3, v21;
	v13 =	vor.u32 v0, v23;
	v19 =	vld.idx.msk [tilespmem:v19+s23+$0x0], $0xffff  }
0xec: {  	s30 =	simm.s32 $0x9;
	s0 =	simm.s32 $0x8;
	v23 =	vor.u32 v2, v7;
	v7 =	vor.u32 v3, v20;
	v20 =	vadd.s32 s31, v0;
	v14 =	vld.idx.msk [tilespmem:v14+s23+$0x0], $0xffff  }
0xed: {  	s25 =	simm.s32 $0xC;
	s1 =	sand.u32 $0x30, s0;
	v6 =	vor.u32 v2, v11;
	v11 =	vadd.s32 s30, v0;
	v12 =	vld.idx.msk [tilespmem:v12+s23+$0x0], $0xffff;
	v20 =	vand.u32 $0xF, v20  }
0xee: {  	v36 =	vadd.s32 s25, v0;
	s26 =	simm.s32 $0xD;
	s30 =	simm.s32 $0xE;
	v59 =	vld.idx.msk [tilespmem:v17+s23+$0x0], $0xffff;
	v17 =	vand.u32 $0xF, v11;
	v11 =	vor.u32 s1, v20;
	[tilespmem:v9+s28+$0x0] =	vst.idx.msk $0xffff, v8  }
0xef: {  	v37 =	vadd.s32 s26, v0;
	s31 =	simm.s32 $0xF;
	v38 =	vadd.s32 s30, v0;
	v20 =	vor.u32 v1, v11;
	[tilespmem:v30+s28+$0x0] =	vst.idx.msk $0xffff, v10  }
0xf0: {  	v8 =	vand.u32 $0xF, v37;
	v9 =	vadd.s32 s31, v0;
	v10 =	vand.u32 $0xF, v35;
	[tilespmem:v13+s28+$0x0] =	vst.idx.msk $0xffff, v19  }
0xf1: {  	v44 =	vld.idx.msk [tilespmem:v31+s23+$0x0], $0xffff;
	v19 =	vand.u32 $0xF, v38;
	[tilespmem:v22+s28+$0x0] =	vst.idx.msk $0xffff, v14;
	v14 =	vand.u32 $0xF, v36;
	v40 =	vor.u32 s1, v8  }
0xf2: {  	[tilespmem:v27+s28+$0x0] =	vst.idx.msk $0xffff, v12;
	v18 =	vld.idx.msk [tilespmem:v18+s23+$0x0], $0xffff;
	v8 =	vor.u32 v2, v33;
	v60 =	vand.u32 $0xF, v9;
	v12 =	vor.u32 s1, v10  }
0xf3: {  	v13 =	vld.idx.msk [tilespmem:v23+s23+$0x0], $0xffff;
	v19 =	vor.u32 s1, v19;
	v9 =	vor.u32 v3, v61;
	v14 =	vor.u32 s1, v14  }
0xf4: {  	v39 =	vld.idx.msk [tilespmem:v15+s23+$0x0], $0xffff;
	v15 =	vor.u32 s1, v17;
	v30 =	vor.u32 v1, v40;
	v41 =	vor.u32 v1, v12  }
0xf5: {  	v16 =	vld.idx.msk [tilespmem:v16+s23+$0x0], $0xffff;
	v62 =	vor.u32 v1, v19;
	v10 =	vor.u32 v2, v12;
	v17 =	vor.u32 v2, v19  }
0xf6: {  	[tilespmem:v24+s28+$0x0] =	vst.idx.msk $0xffff, v59;
	v42 =	vor.u32 v1, v15;
	v43 =	vshll.u32 v12, $0x5;
	v23 =	vshll.u32 v14, $0x5  }
0xf7: {  	[tilespmem:v34+s28+$0x0] =	vst.idx.msk $0xffff, v44;
	v36 =	vld.idx.msk [tilespmem:v29+s23+$0x0], $0xffff;
	v46 =	vshll.u32 v15, $0x5;
	v47 =	vor.u32 s1, v60;
	v35 =	vor.u32 v2, v40  }
0xf8: {  	v27 =	vor.u32 v0, v23;
	v29 =	vshll.u32 v47, $0x5;
	v33 =	vor.u32 v2, v47;
	[tilespmem:v26+s28+$0x0] =	vst.idx.msk $0xffff, v18  }
0xf9: {  	v38 =	vor.u32 v0, v46;
	v24 =	vor.u32 v3, v29;
	[tilespmem:v28+s28+$0x0] =	vst.idx.msk $0xffff, v13;
	v13 =	vshll.u32 v19, $0x5  }
0xfa: {  	v18 =	vor.u32 v1, v14;
	[tilespmem:v25+s28+$0x0] =	vst.idx.msk $0xffff, v16;
	v16 =	vld.idx.msk [tilespmem:v62+s23+$0x0], $0xffff;
	v63 =	vor.u32 v0, v13  }
0xfb: {  	v37 =	vld.idx.msk [tilespmem:v45+s23+$0x0], $0xffff;
	v28 =	vor.u32 v0, v61;
	v25 =	vor.u32 v2, v15;
	v15 =	vor.u32 v3, v46  }
0xfc: {  	v26 =	vor.u32 v0, v43;
	[tilespmem:v21+s28+$0x0] =	vst.idx.msk $0xffff, v39;
	v21 =	vshll.u32 v40, $0x5;
	v22 =	vld.idx.msk [tilespmem:v30+s23+$0x0], $0xffff;
	v30 =	vshll.u32 v11, $0x5  }
0xfd: {  	v34 =	vld.idx.msk [tilespmem:v32+s23+$0x0], $0xffff;
	v19 =	vor.u32 v3, v13;
	v13 =	vor.u32 v2, v14;
	v14 =	vor.u32 v3, v43  }
0xfe: {  	v31 =	vld.idx.msk [tilespmem:v42+s23+$0x0], $0xffff;
	v39 =	vor.u32 v0, v21;
	v21 =	vor.u32 v3, v21;
	v12 =	vor.u32 v3, v30  }
0xff: {  	s25 =	simm.s32 $0x10;
	v32 =	vld.idx.msk [tilespmem:v41+s23+$0x0], $0xffff;
	[tilespmem:v63+s28+$0x0] =	vst.idx.msk $0xffff, v16;
	v16 =	vor.u32 v0, v29;
	v29 =	vor.u32 v1, v47  }
.LBB2_11:
0x100: {  	s7 =	sadd.s32 $0x1, s25;
	v30 =	vor.u32 v0, v30  }
0x101: {  	s8 =	sadd.s32 $0x2, s25;
	v23 =	vor.u32 v3, v23;
	v40 =	vld.idx.msk [tilespmem:v6+s23+$0x0], $0xffff;
	v6 =	vor.u32 v2, v11;
	v41 =	vmovc v27;
	v42 =	vmov v33;
	s26 =	smov.u32 s25;
	s24 =	sadd.s32 $0x8, s25  }
0x102: {  	p2 =	slt.u32 s25, $0x38;
	v33 =	vadd.s32 s0, v0;
	v11 =	vadd.s32 s7, v0;
	v27 =	vadd.s32 s8, v0;
	s7 =	sadd.s32 $0x3, s26;
	s8 =	sadd.s32 $0x4, s26;
	[tilespmem:v7+s28+$0x0] =	vst.idx.msk $0xffff, v36;
	v7 =	vmovc v23  }
0x103: {  	s0 =	smov.u32 s26;
	v23 =	vand.u32 $0xF, v27;
	v27 =	vadd.s32 s7, v0;
	v36 =	vadd.s32 s8, v0;
	s7 =	sadd.s32 $0x5, s26;
	s8 =	sadd.s32 $0x6, s26;
	v20 =	vld.idx.msk [tilespmem:v20+s23+$0x0], $0xffff;
	[tilespmem:v39+s28+$0x0] =	vst.idx.msk $0xffff, v22  }
0x104: {  	v33 =	vand.u32 $0xF, v33;
	v22 =	vadd.s32 s7, v0;
	v39 =	vadd.s32 s8, v0;
	s7 =	sadd.s32 $0x7, s0;
	v43 =	vld.idx.msk [tilespmem:v18+s23+$0x0], $0xffff;
	[tilespmem:v28+s28+$0x0] =	vst.idx.msk $0xffff, v37  }
0x105: {  	v28 =	vor.u32 s1, v33;
	s1 =	sand.u32 $0x30, s0;
	v18 =	vand.u32 $0xF, v22;
	v22 =	vadd.s32 s7, v0;
	[tilespmem:v38+s28+$0x0] =	vst.idx.msk $0xffff, v31;
	v17 =	vld.idx.msk [tilespmem:v17+s23+$0x0], $0xffff  }
0x106: {  	v31 =	vand.u32 $0xF, v11;
	v11 =	vor.u32 s1, v23;
	v44 =	vor.u32 s1, v18;
	v25 =	vld.idx.msk [tilespmem:v25+s23+$0x0], $0xffff;
	[tilespmem:v5+s28+$0x0] =	vst.idx.msk $0xffff, v34;
	v5 =	vmovc v24  }
0x107: {  	v18 =	vand.u32 $0xF, v27;
	v24 =	vor.u32 v2, v28;
	v23 =	vor.u32 v1, v44;
	v27 =	vld.idx.msk [tilespmem:v35+s23+$0x0], $0xffff  }
0x108: {  	v33 =	vand.u32 $0xF, v39;
	v34 =	vand.u32 $0xF, v22;
	v35 =	vshll.u32 v28, $0x5;
	[tilespmem:v26+s28+$0x0] =	vst.idx.msk $0xffff, v32;
	v26 =	vld.idx.msk [tilespmem:v8+s23+$0x0], $0xffff;
	v8 =	vmovc v24  }
0x109: {  	v24 =	vor.u32 s1, v18;
	v32 =	vor.u32 s1, v33;
	v37 =	vor.u32 v3, v35;
	[tilespmem:v30+s28+$0x0] =	vst.idx.msk $0xffff, v20;
	v33 =	vld.idx.msk [tilespmem:v10+s23+$0x0], $0xffff  }
0x10a: {  	v18 =	vand.u32 $0xF, v36;
	v45 =	vor.u32 v1, v24;
	v36 =	vor.u32 v1, v32;
	[tilespmem:v4+s28+$0x0] =	vst.idx.msk $0xffff, v40  }
0x10b: {  	v20 =	vor.u32 v1, v11;
	v10 =	vor.u32 v2, v24;
	v38 =	vor.u32 s1, v18;
	[tilespmem:v19+s28+$0x0] =	vst.idx.msk $0xffff, v17  }
0x10c: {  	v18 =	vor.u32 v1, v38;
	v4 =	vmovc v12;
	v19 =	vor.u32 s1, v31;
	v17 =	vor.u32 v2, v32;
	v22 =	vld.idx.msk [tilespmem:v23+s23+$0x0], $0xffff  }
0x10d: {  	v39 =	vshll.u32 v24, $0x5;
	v31 =	vor.u32 v1, v19;
	v23 =	vshll.u32 v38, $0x5;
	[tilespmem:v21+s28+$0x0] =	vst.idx.msk $0xffff, v27;
	v21 =	vld.idx.msk [tilespmem:v29+s23+$0x0], $0xffff  }
0x10e: {  	v30 =	vshll.u32 v11, $0x5;
	v27 =	vor.u32 v0, v23;
	v29 =	vor.u32 v1, v28;
	[tilespmem:v15+s28+$0x0] =	vst.idx.msk $0xffff, v25  }
0x10f: {  	v24 =	vshll.u32 v32, $0x5;
	v40 =	vshll.u32 v19, $0x5;
	v28 =	vor.u32 v0, v35;
	v46 =	vld.idx.msk [tilespmem:v36+s23+$0x0], $0xffff;
	[tilespmem:v9+s28+$0x0] =	vst.idx.msk $0xffff, v26  }
0x110: {  	v47 =	vor.u32 s1, v34;
	v12 =	vor.u32 v3, v30;
	v32 =	vor.u32 v0, v24;
	[tilespmem:v41+s28+$0x0] =	vst.idx.msk $0xffff, v43  }
0x111: {  	v25 =	vor.u32 v2, v19;
	v15 =	vor.u32 v3, v40;
	v19 =	vor.u32 v3, v24;
	v36 =	vld.idx.msk [tilespmem:v13+s23+$0x0], $0xffff  }
.Ltmp7:
0x112: {  	v34 =	vshll.u32 v47, $0x5;
	v26 =	vor.u32 v0, v39;
	v13 =	vor.u32 v2, v38;
	[tilespmem:v14+s28+$0x0] =	vst.idx.msk $0xffff, v33;
	(pc) =	sbr.rel @p2 .LBB2_11-.Ltmp7, $4  }
0x113: {  	v35 =	vshll.u32 v44, $0x5;
	v24 =	vor.u32 v3, v34;
	v9 =	vmovc v37;
	v33 =	vor.u32 v2, v47;
	v31 =	vld.idx.msk [tilespmem:v31+s23+$0x0], $0xffff  }
0x114: {  	v14 =	vor.u32 v3, v39;
	v39 =	vor.u32 v0, v35;
	v37 =	vld.idx.msk [tilespmem:v29+s23+$0x0], $0xffff;
	[tilespmem:v16+s28+$0x0] =	vst.idx.msk $0xffff, v21  }
0x115: {  	v21 =	vor.u32 v3, v35;
	v16 =	vor.u32 v0, v34;
	[tilespmem:v32+s28+$0x0] =	vst.idx.msk $0xffff, v46;
	v34 =	vld.idx.msk [tilespmem:v42+s23+$0x0], $0xffff  }
0x116: {  	s25 =	smov.u32 s24;
	v38 =	vor.u32 v0, v40;
	v35 =	vor.u32 v2, v44;
	v29 =	vor.u32 v1, v47;
	v32 =	vld.idx.msk [tilespmem:v45+s23+$0x0], $0xffff  }
0x117: {  	_ =	sdelay $0x3  }
0x118: {  	v40 =	vadd.s32 s0, v0;
	[tilespmem:v7+s28+$0x0] =	vst.idx.msk $0xffff, v36  }
0x119: {  	v52 =	vor.u32 v0, v30;
	v20 =	vld.idx.msk [tilespmem:v20+s23+$0x0], $0xffff;
	[tilespmem:v39+s28+$0x0] =	vst.idx.msk $0xffff, v22;
	v53 =	vand.u32 $0xF, v40  }
0x11a: {  	v6 =	vld.idx.msk [tilespmem:v6+s23+$0x0], $0xffff;
	[tilespmem:v38+s28+$0x0] =	vst.idx.msk $0xffff, v31;
	v22 =	vor.u32 s1, v53  }
0x11b: {  	v17 =	vld.idx.msk [tilespmem:v17+s23+$0x0], $0xffff;
	[tilespmem:v28+s28+$0x0] =	vst.idx.msk $0xffff, v37;
	v54 =	vor.u32 v1, v22  }
0x11c: {  	v18 =	vld.idx.msk [tilespmem:v18+s23+$0x0], $0xffff;
	[tilespmem:v5+s28+$0x0] =	vst.idx.msk $0xffff, v34  }
0x11d: {  	v55 =	vld.idx.msk [tilespmem:v29+s23+$0x0], $0xffff;
	[tilespmem:v26+s28+$0x0] =	vst.idx.msk $0xffff, v32  }
0x11e: {  	v56 =	vld.idx.msk [tilespmem:v25+s23+$0x0], $0xffff;
	[tilespmem:v52+s28+$0x0] =	vst.idx.msk $0xffff, v20  }
0x11f: {  	v5 =	vld.idx.msk [tilespmem:v35+s23+$0x0], $0xffff;
	v57 =	vshll.u32 v22, $0x5;
	[tilespmem:v4+s28+$0x0] =	vst.idx.msk $0xffff, v6  }
0x120: {  	v58 =	vor.u32 v0, v57;
	v4 =	vor.u32 v2, v11;
	[tilespmem:v19+s28+$0x0] =	vst.idx.msk $0xffff, v17;
	v59 =	vld.idx.msk [tilespmem:v54+s23+$0x0], $0xffff  }
0x121: {  	v60 =	vor.u32 v2, v22;
	v8 =	vld.idx.msk [tilespmem:v8+s23+$0x0], $0xffff;
	[tilespmem:v27+s28+$0x0] =	vst.idx.msk $0xffff, v18  }
0x122: {  	v61 =	vor.u32 v3, v23;
	[tilespmem:v16+s28+$0x0] =	vst.idx.msk $0xffff, v55;
	v13 =	vld.idx.msk [tilespmem:v13+s23+$0x0], $0xffff  }
0x123: {  	v7 =	vld.idx.msk [tilespmem:v33+s23+$0x0], $0xffff;
	[tilespmem:v15+s28+$0x0] =	vst.idx.msk $0xffff, v56  }
0x124: {  	[tilespmem:v21+s28+$0x0] =	vst.idx.msk $0xffff, v5;
	v5 =	vld.idx.msk [tilespmem:v10+s23+$0x0], $0xffff  }
0x125: {  	v4 =	vld.idx.msk [tilespmem:v4+s23+$0x0], $0xffff;
	[tilespmem:v58+s28+$0x0] =	vst.idx.msk $0xffff, v59  }
0x126: {  	v62 =	vor.u32 v3, v57;
	[tilespmem:v9+s28+$0x0] =	vst.idx.msk $0xffff, v8;
	v63 =	vld.idx.msk [tilespmem:v60+s23+$0x0], $0xffff  }
0x127: {  	[tilespmem:v61+s28+$0x0] =	vst.idx.msk $0xffff, v13  }
0x128: {  	[tilespmem:v24+s28+$0x0] =	vst.idx.msk $0xffff, v7  }
0x129: {  	[tilespmem:v14+s28+$0x0] =	vst.idx.msk $0xffff, v5  }
0x12a: {  	[tilespmem:v12+s28+$0x0] =	vst.idx.msk $0xffff, v4  }
.Ltmp8:
0x12b: {  	[tilespmem:v62+s28+$0x0] =	vst.idx.msk $0xffff, v63;
	(pc) =	sbr.rel .LBB2_13-.Ltmp8, $4  }
0x12c: {  	[hbm4b:s15+s3] =	stream.linear.scatter [tilespmem:s28], [sflag:$0x2], $0x800, $0x38;
	[tilespmem:$0x3800] =	vst v63  }
0x12d: {  	_ =	swait.ge [sflag:s22], $0x800  }
0x12e: {  	[sflag:s22] =	ssyncset.done $0x0  }
0x12f: {  	[sflag:s22] =	ssyncadd.s32 $0xFFFFF800  }
.LBB2_14:
0x130: {  	_ =	sfence.sel $0x180000  }
0x131: {  	[bflag:$0x0] =	sbarrier.arrive $0xFFFF  }
0x132: {  	_ =	strace $0x90000047  }
0x133: {  	s0 =	stileid.u32;
	[bflag:$0x2] =	sbarrier.arrive $0xFFFF  }
0x134: {  	p0 =	sne.s32 s0, $0x0;
	s0 =	rddreg [dreg:$0x2]  }
0x135: {  	s0 =	sadd.s32 @!p0 $0x100000, s0  }
0x136: {  	[sflag:s0] =	ssyncadd.tile.s32 @!p0 $0x1;
	_ =	shalt  }
.Lfunc_end2:
_tile_overlayer_lowered:
.L_overlay_start_2:
0x137: {  	(tag) =	ssettag $0x2  }
0x138: {  	s0 =	rddreg [dreg:$0x0];
	s2 =	stileid.u32  }
0x139: {  	s1 =	rddreg [dreg:$0x1];
	p0 =	sne.s32 s2, $0x0  }
0x13a: {  	s3 =	rddreg [dreg:$0x2];
	[bflag:$0x3] =	sbarrier.arrive $0xFFFF;
	s2 =	simm.s32 @!p0 $0x1C02  }
0x13b: {  	[timem:s3], [sflag:s2] =	dma.local @!p0 [hbm:s0], s1  }
0x13c: {  	s0 =	simm.s32 @!p0 $0x2  }
0x13d: {  	_ =	swait.ge @!p0 [sflag:s0], s1  }
0x13e: {  	s1 =	ssub.s32 @!p0 $0x0, s1;
	[sflag:s0] =	ssyncset.done @!p0 $0x0  }
0x13f: {  	[sflag:s0] =	ssyncadd.s32 @!p0 s1  }
0x140: {  	[bflag:$0x3] =	sbarrier.arrive $0xFFFF  }
0x141: {  	_ =	shalt  }

// kernel: kernel.7.cloned.1.call-start
scs
__scs_entry_jumppad:
0x0: {  	(pc) =	sbr.rel $0x88, $3  }
0x1: {  	(tag) =	ssettag $0x0;
	lr =	simm.s32 $0x1  }
0x2: {  	[smem:$0x3F9F] =	sst lr;
	_ =	strace $0xD0000000  }
0x3: {  	_ = 	snop  }
0x4: {  	_ = 	snop  }
0x5: {  	_ = 	snop  }
0x6: {  	_ = 	snop  }
0x7: {  	_ = 	snop  }
__scs_overlays_trampoline_lowered:
0x8: {  	[smem:$0x3FAE] =	sst s0  }
0x9: {  	[smem:$0x3FAF] =	sst s1  }
0xa: {  	[smem:$0x3FB0] =	sst s2  }
0xb: {  	[smem:$0x3FB1] =	sst s3  }
0xc: {  	[smem:$0x3FB2] =	sst s4  }
0xd: {  	[smem:$0x3FB3] =	sst s5  }
0xe: {  	[smem:$0x3FB4] =	sst s6  }
0xf: {  	[smem:$0x3FB5] =	sst s7  }
0x10: {  	[smem:$0x3FB6] =	sst s8  }
0x11: {  	[smem:$0x3FB7] =	sst s9;
	s0 =	simm.s32 @!p0 $0x0  }
0x12: {  	s1 =	sld [smem:$0x3F9D];
	s0 =	simm.s32 @p0 $0x1  }
0x13: {  	[smem:$0x3FB8] =	sst s0;
	s0 =	simm.s32 @!p1 $0x0  }
0x14: {  	s2 =	sld [smem:$0x3F9C];
	s0 =	simm.s32 @p1 $0x1  }
0x15: {  	[smem:$0x3FB9] =	sst s0;
	s0 =	simm.s32 @!p2 $0x0  }
0x16: {  	s3 =	sld [smem:$0x3FDB];
	s0 =	simm.s32 @p2 $0x1  }
0x17: {  	s4 =	simm.s32 $0x1BF5;
	[smem:$0x3FBB] =	sst s0  }
0x18: {  	s0 =	sld [smem:$0x3F9E];
	_ =	swait.ge [sflag:s4], $0x0  }
0x19: {  	s7 =	sld [smem:$0x3F9F]  }
0x1a: {  	s8 =	sadd.s32 $0xFFFFE003, lr  }
0x1b: {  	s9 =	sadd.s32 $0xFFFFFEF7, lr;
	s5 =	simm.s32 $0xFFFFFFFF;
	p2 =	slt.u32 s8, $0xFFFFF086  }
0x1c: {  	p1 =	slt.u32 s9, $0xF7A;
	s5 =	simm.s32 @!p2 $0x0  }
0x1d: {  	s5 =	simm.s32 @p1 $0x1;
	p0 =	seq.s32 s7, s2  }
0x1e: {  	s7 =	smul.u32 @!p0 $0xF7A, s2;
	p2 =	seq.s32 @!p0 s5, $0x0  }
0x1f: {  	s9 =	smul.u32 $0xF7A, s1;
	s8 =	simm.s32 @!p0 $0x1BF5;
	p2 =	por !p2, p0  }
0x20: {  	[sflag:s8] =	ssyncset.s32 @!p0 $0xFFFFF086;
	s6 =	sadd.s32 @!p0 s3, s7;
	s7 =	simm.s32 @!p0 $0x108  }
0x21: {  	s3 =	sadd.s32 s3, s9;
	s6 =	sadd.s32 @!p0 $0x88, s6;
	s7 =	simm.s32 @p2 $0x1082  }
0x22: {  	[simem:s7], [sflag:s8] =	dma.local @!p0 [hbm:s6], $0xF7A  }
0x23: {  	s9 =	sor.u32 $0xD0000000, s2;
	s6 =	simm.s32 $0x108;
	_ =	swait.ge @!p0 [sflag:s8], $0x0  }
0x24: {  	s3 =	sadd.s32 $0x88, s3;
	s6 =	simm.s32 @!p1 $0x1082;
	[sflag:s4] =	ssyncset.s32 $0xFFFFF086  }
0x25: {  	[simem:s6], [sflag:s4] =	dma.local [hbm:s3], $0xF7A  }
0x26: {  	[smem:$0x3F9F] =	sst s1;
	(tag) =	ssettag s2;
	_ =	strace s9  }
0x27: {  	s1 =	sld [smem:$0x3FAF]  }
0x28: {  	s2 =	sld [smem:$0x3FB0]  }
0x29: {  	s4 =	sld [smem:$0x3FB2]  }
0x2a: {  	p0 =	seq.s32 s5, $0x0;
	s5 =	sld [smem:$0x3FB3]  }
0x2b: {  	s6 =	sld [smem:$0x3FB4]  }
0x2c: {  	s7 =	sld [smem:$0x3FB5]  }
0x2d: {  	s3 =	simm.s32 $0x108;
	s8 =	sld [smem:$0x3FB6]  }
0x2e: {  	s3 =	simm.s32 @!p0 $0x1082;
	s9 =	sld [smem:$0x3FB7]  }
0x2f: {  	lr =	sadd.s32 s0, s3;
	s0 =	sld [smem:$0x3FAE]  }
0x30: {  	s3 =	sld [smem:$0x3FB1]  }
0x31: {  	[smem:$0x3FBA] =	sst s10  }
0x32: {  	s10 =	sld [smem:$0x3FB8];
	_ =	sdelay $0x3  }
0x33: {  	p0 =	seq.s32 s10, $0x1;
	s10 =	sld [smem:$0x3FBA];
	_ =	sdelay $0x3  }
0x34: {  	[smem:$0x3FBA] =	sst s10  }
0x35: {  	s10 =	sld [smem:$0x3FB9];
	_ =	sdelay $0x3  }
0x36: {  	p1 =	seq.s32 s10, $0x1;
	s10 =	sld [smem:$0x3FBA];
	_ =	sdelay $0x3  }
0x37: {  	[smem:$0x3FBA] =	sst s10  }
0x38: {  	s10 =	sld [smem:$0x3FBB]  }
0x39: {  	_ = 	snop;
	(pc) =	sbr.ind lr, $3  }
0x3a: {  	_ = 	snop  }
0x3b: {  	_ = 	snop  }
0x3c: {  	p2 =	seq.s32 s10, $0x1;
	s10 =	sld [smem:$0x3FBA]  }
0x3d: {  	_ =	shalt  }
0x3e: {  	_ =	shalt  }
0x3f: {  	_ =	shalt  }
0x40: {  	_ =	shalt  }
0x41: {  	_ =	shalt  }
0x42: {  	_ =	shalt  }
0x43: {  	_ =	shalt  }
0x44: {  	_ =	shalt  }
0x45: {  	_ =	shalt  }
0x46: {  	_ =	shalt  }
0x47: {  	_ =	shalt  }
0x48: {  	_ =	shalt  }
0x49: {  	_ =	shalt  }
0x4a: {  	_ =	shalt  }
0x4b: {  	_ =	shalt  }
0x4c: {  	_ =	shalt  }
0x4d: {  	_ =	shalt  }
0x4e: {  	_ =	shalt  }
0x4f: {  	_ =	shalt  }
0x50: {  	_ =	shalt  }
0x51: {  	_ =	shalt  }
0x52: {  	_ =	shalt  }
0x53: {  	_ =	shalt  }
0x54: {  	_ =	shalt  }
0x55: {  	_ =	shalt  }
0x56: {  	_ =	shalt  }
0x57: {  	_ =	shalt  }
0x58: {  	_ =	shalt  }
0x59: {  	_ =	shalt  }
0x5a: {  	_ =	shalt  }
0x5b: {  	_ =	shalt  }
0x5c: {  	_ =	shalt  }
0x5d: {  	_ =	shalt  }
0x5e: {  	_ =	shalt  }
0x5f: {  	_ =	shalt  }
0x60: {  	_ =	shalt  }
0x61: {  	_ =	shalt  }
0x62: {  	_ =	shalt  }
0x63: {  	_ =	shalt  }
0x64: {  	_ =	shalt  }
0x65: {  	_ =	shalt  }
0x66: {  	_ =	shalt  }
0x67: {  	_ =	shalt  }
0x68: {  	_ =	shalt  }
0x69: {  	_ =	shalt  }
0x6a: {  	_ =	shalt  }
0x6b: {  	_ =	shalt  }
0x6c: {  	_ =	shalt  }
0x6d: {  	_ =	shalt  }
0x6e: {  	_ =	shalt  }
0x6f: {  	_ =	shalt  }
0x70: {  	_ =	shalt  }
0x71: {  	_ =	shalt  }
0x72: {  	_ =	shalt  }
0x73: {  	_ =	shalt  }
0x74: {  	_ =	shalt  }
0x75: {  	_ =	shalt  }
0x76: {  	_ =	shalt  }
0x77: {  	_ =	shalt  }
0x78: {  	_ =	shalt  }
0x79: {  	_ =	shalt  }
0x7a: {  	_ =	shalt  }
0x7b: {  	_ =	shalt  }
0x7c: {  	_ =	shalt  }
0x7d: {  	_ =	shalt  }
0x7e: {  	_ =	shalt  }
0x7f: {  	_ =	shalt  }
0x80: {  	_ =	shalt  }
0x81: {  	_ =	shalt  }
0x82: {  	_ =	shalt  }
0x83: {  	_ =	shalt  }
0x84: {  	_ =	shalt  }
0x85: {  	_ =	shalt  }
0x86: {  	_ =	shalt  }
0x87: {  	_ =	shalt  }
.Lfunc_end0:
.L_simem_size_0:
called_computation.2_lowered:
.L_overlay_start_0:
0x88: {  	s2 =	sld [smem:$0x3FD9]  }
0x89: {  	s3 =	sld [smem:$0x3FFE];
	_ =	sdelay $0x1  }
0x8a: {  	s1 =	srdreg.scid  }
0x8b: {  	s0 =	sand.u32 $0x1, s1  }
0x8c: {  	s17 =	sshll.u32 s0, $0xA;
	s2 =	sadd.s32 s3, s2  }
0x8d: {  	s2 =	sadd.s32 s2, s17  }
0x8e: {  	[smem:$0x3FC6] =	sst s2  }
0x8f: {  	_ = 	snop  }
0x90: {  	s2 =	sld [smem:$0x3FD0];
	(tm) =	ssettm $0x1  }
0x91: {  	s18 =	sld [smem:$0x3FFB];
	_ =	sdelay $0x3  }
0x92: {  	_ =	strace s18  }
0x93: {  	s3 =	sld [smem:$0x3FFC];
	_ =	sdelay $0x3  }
0x94: {  	_ =	strace s3  }
0x95: {  	s3 =	sld [smem:$0x3FFD];
	_ =	sdelay $0x3  }
0x96: {  	_ =	strace s3  }
0x97: {  	_ =	strace $0x8FFFFFFF  }
0x98: {  	s19 =	sld [smem:$0x3FDB];
	_ =	sdelay $0x1  }
0x99: {  	s4 =	simm.s32 $_scs_section_size  }
0x9a: {  	s5 =	simm.s32 $_size__tile_overlayer_lowered;
	s6 =	simm.s32 $_tile_overlayer_lowered  }
0x9b: {  	s22 =	simm.s32 $0x1BFF;
	s21 =	sshll.u32 s6, $0x1;
	s3 =	sadd.s32 s4, s19  }
0x9c: {  	s7 =	simm.s32 $0x0;
	s20 =	sshll.u32 s5, $0x1;
	s5 =	sadd.s32 s21, s3  }
0x9d: {  	[timem:s7], [sflag:s22] =	dma.local [hbm:s5], s20  }
0x9e: {  	_ =	swait.ge [sflag:s22], s20  }
0x9f: {  	s4 =	ssub.s32 $0x0, s20;
	[sflag:s22] =	ssyncset.done $0x0  }
0xa0: {  	[sflag:s22] =	ssyncadd.s32 s4;
	_ =	sdelay $0x1  }
0xa1: {  	s23 =	simm.s32 $0x1B8B  }
0xa2: {  	_ =	swait.ge [sflag:s23], $0x1  }
0xa3: {  	[sflag:s23] =	ssyncset.done $0x0  }
0xa4: {  	s25 =	simm.s32 $0x1B8E;
	s24 =	sld [smem:$0x3FFE];
	[sflag:s23] =	ssyncadd.s32 $0xFFFFFFFF  }
0xa5: {  	s26 =	simm.s32 $execute0_lowered;
	[smem:$0x3FD2] =	sst s25  }
0xa6: {  	s5 =	sshll.u32 s26, $0x1;
	_ =	strace $0x80000049;
	[dreg:$0x1] =	wrdreg $0xFFFFFFFF  }
0xa7: {  	s28 =	simm.s32 $_size_execute0_lowered;
	s3 =	sadd.s32 s3, s5;
	[dreg:$0x0] =	wrdreg $0x0  }
0xa8: {  	s5 =	sshll.u32 s28, $0x1;
	[dreg:$0x2] =	wrdreg s3  }
0xa9: {  	[dreg:$0x3] =	wrdreg s5  }
0xaa: {  	[dreg:$0x4] =	wrdreg $0xC0  }
0xab: {  	_ =	task [dreg:s7], $0x5FFFF  }
0xac: {  	[dreg:$0x1] =	wrdreg $0xFFFFFFFF  }
0xad: {  	[dreg:$0x0] =	wrdreg $0x60  }
0xae: {  	[dreg:$0x2] =	wrdreg s24  }
0xaf: {  	[dreg:$0x3] =	wrdreg s2  }
0xb0: {  	[dreg:$0x4] =	wrdreg $0x9  }
0xb1: {  	_ =	task.clear_ibuf [dreg:s7], $0x5FFFF;
	_ =	strace $0x90000049  }
0xb2: {  	s29 =	simm.s32 $0x9;
	_ =	strace $0x8000004B  }
0xb3: {  	_ =	swait.ge [sflag:s29], $0x1  }
0xb4: {  	[sflag:s29] =	ssyncadd.s32 $0xFFFFFFFF  }
0xb5: {  	_ =	strace $0x9000004B  }
0xb6: {  	_ =	sfence  }
0xb7: {  	s30 =	sld [smem:$0x0];
	_ =	sdelay $0x2  }
0xb8: {  	s31 =	sshll.u32 s1, $0xD;
	s1 =	sshrl.u32 s1, $0x2  }
0xb9: {  	s3 =	sand.u32 $0x4000, s31;
	s1 =	sadd.s32 s1, s30  }
0xba: {  	s0 =	sor.u32 s3, s0;
	s1 =	sshll.u32 s1, $0x11  }
0xbb: {  	s0 =	sor.u32 s1, s0  }
0xbc: {  	s0 =	sadd.s32 $0x8F2B, s0  }
0xbd: {  	[sflag:s0] =	ssyncadd.remote.s32 $0x1  }
0xbe: {  	_ =	sfence.sel $0xFFFF  }
0xbf: {  	[dreg:$0x0] =	wrdreg $0xFFFFFFFF;
	(pc) =	sbr.abs _section_cstart, $3  }
0xc0: {  	[dreg:$0x1] =	wrdreg $0xFFFFFFFF  }
0xc1: {  	_ =	task.clear_ibuf [dreg:s7], $0x2FFFF;
	_ =	strace $0x9FFFFFFF  }
0xc2: {  	(tm) =	ssettm $0x7FFFFFFF  }
0xc3: {  	_ =	shalt  }
tec
execute0_lowered:
.L_overlay_start_1:
0x0: {  	(tag) =	ssettag $0x1  }
0x1: {  	s0 =	rddreg [dreg:$0x0];
	s7 =	stileid.u32  }
0x2: {  	s1 =	srdreg.scid;
	s4 =	rddreg [dreg:$0x1]  }
0x3: {  	s2 =	simm.s32 $0x0;
	s17 =	simm.s32 $0x38;
	s18 =	simm.s32 $0x9C0  }
0x4: {  	s19 =	simm.s32 $0x70;
	s20 =	simm.s32 $0x1000;
	s22 =	simm.s32 $0xA8  }
0x5: {  	s23 =	simm.s32 $0x1640;
	s24 =	simm.s32 $0xE0;
	s25 =	simm.s32 $0x1C80  }
0x6: {  	s26 =	simm.s32 $0x118;
	s31 =	simm.s32 $0x22C0;
	[smem:$0x7FF] =	sst s2  }
0x7: {  	s8 =	simm.s32 $0x380;
	_ =	strace $0x8000004A;
	[dreg:$0x4] =	wrdreg s17  }
0x8: {  	s9 =	simm.s32 $0x150;
	s10 =	simm.s32 $0x2900;
	[dreg:$0x5] =	wrdreg s18  }
0x9: {  	s11 =	simm.s32 $0x188;
	s12 =	simm.s32 $0x2F40;
	[dreg:$0x6] =	wrdreg s19  }
0xa: {  	s13 =	simm.s32 $0x1C0;
	s14 =	simm.s32 $0x3580;
	[dreg:$0x7] =	wrdreg s20  }
0xb: {  	s28 =	simm.s32 $0x348;
	s29 =	simm.s32 $0x6140;
	[dreg:$0x8] =	wrdreg s22  }
0xc: {  	s30 =	simm.s32 $0x1;
	s3 =	smul.u32 $0x1C00, s7;
	[dreg:$0x9] =	wrdreg s23  }
0xd: {  	s1 =	sand.u32 $0x1, s1;
	s21 =	smul.u32 $0x32000, s7;
	[dreg:$0xa] =	wrdreg s24  }
0xe: {  	s7 =	simm.s32 $0x32;
	s5 =	smul.u32 $0xE00, s1;
	[dreg:$0xb] =	wrdreg s25  }
0xf: {  	s16 =	ssub.s32 $0x2, s1;
	s1 =	smul.u32 $0x19000, s1;
	[dreg:$0xc] =	wrdreg s26  }
0x10: {  	[dreg:$0xd] =	wrdreg s31;
	s17 =	simm.s32 $0x230;
	s18 =	simm.s32 $0x4200  }
0x11: {  	s19 =	simm.s32 $0x268;
	s20 =	simm.s32 $0x4840;
	s22 =	simm.s32 $0x4E80  }
0x12: {  	s23 =	simm.s32 $0x2D8;
	s24 =	simm.s32 $0x54C0;
	s25 =	simm.s32 $0x310  }
0x13: {  	s26 =	simm.s32 $0x5B00;
	s3 =	sadd.s32 s3, s0;
	s6 =	sshrl.u32 s16, $0x1  }
0x14: {  	s4 =	sadd.s32 s21, s4;
	s21 =	simm.s32 $0x2A0;
	s5 =	sadd.s32 s5, s3  }
0x15: {  	s3 =	sadd.s32 $0xE00, s0;
	s1 =	sadd.s32 s1, s4;
	s15 =	sadd.s32 $0x3D1800, s5  }
0x16: {  	s5 =	ssub.s32 s16, s6;
	[dreg:$0xf] =	wrdreg s1;
	s6 =	simm.s32 $0x2  }
0x17: {  	s16 =	simm.s32 $0x3BC0;
	[dreg:$0x3] =	wrdreg s15;
	s5 =	smax.u32 s5, $0x1  }
0x18: {  	s1 =	simm.s32 $0x0;
	s15 =	simm.s32 $0x1F8;
	[dreg:$0xe] =	wrdreg s5  }
.LBB2_1:
0x19: {  	s0 =	rddreg [dreg:$0x3]  }
0x1a: {  	[dreg:$0x10] =	wrdreg s1;
	s0 =	sadd.s32 $0x0, s0  }
0x1b: {  	[tilespmem:s2], [sflag:$0x2] =	stream.linear.gather [hbm4b:s0+s2], $0x380, $0x38;
	[tilespmem:$0x6780] =	vst v63  }
0x1c: {  	_ =	swait.ge [sflag:s6], $0x380  }
0x1d: {  	s0 =	rddreg [dreg:$0x6]  }
0x1e: {  	[sflag:s6] =	ssyncset.done $0x0;
	s31 =	rddreg [dreg:$0x4]  }
0x1f: {  	s5 =	rddreg [dreg:$0x5];
	[sflag:s6] =	ssyncadd.s32 $0xFFFFFC80  }
0x20: {  	[tilespmem:s8], [sflag:$0x1] =	stream.indirect.gather [hbm4b:s3+s7], $0x20, s2, s7, $0xb8;
	[tilespmem:$0x6780] =	vst v63  }
0x21: {  	s4 =	rddreg [dreg:$0x7]  }
0x22: {  	[tilespmem:s5], [sflag:$0x1] =	stream.indirect.gather [hbm4b:s3+s7], $0x20, s31, s7, $0xb8;
	[tilespmem:$0x6780] =	vst v63  }
0x23: {  	s5 =	rddreg [dreg:$0x8]  }
0x24: {  	s31 =	rddreg [dreg:$0x9]  }
0x25: {  	[tilespmem:s4], [sflag:$0x1] =	stream.indirect.gather [hbm4b:s3+s7], $0x20, s0, s7, $0xb8;
	[tilespmem:$0x6780] =	vst v63  }
0x26: {  	s0 =	rddreg [dreg:$0xb]  }
0x27: {  	s4 =	rddreg [dreg:$0xa]  }
0x28: {  	[tilespmem:s31], [sflag:$0x1] =	stream.indirect.gather [hbm4b:s3+s7], $0x20, s5, s7, $0xb8;
	[tilespmem:$0x6780] =	vst v63  }
0x29: {  	s5 =	rddreg [dreg:$0xd]  }
0x2a: {  	[tilespmem:s0], [sflag:$0x1] =	stream.indirect.gather [hbm4b:s3+s7], $0x20, s4, s7, $0xb8;
	[tilespmem:$0x6780] =	vst v63  }
0x2b: {  	s31 =	rddreg [dreg:$0xc]  }
0x2c: {  	[tilespmem:s5], [sflag:$0x1] =	stream.indirect.gather [hbm4b:s3+s7], $0x20, s31, s7, $0xb8;
	[tilespmem:$0x6780] =	vst v63  }
0x2d: {  	_ = 	snop  }
0x2e: {  	[tilespmem:s10], [sflag:$0x1] =	stream.indirect.gather [hbm4b:s3+s7], $0x20, s9, s7, $0xb8;
	[tilespmem:$0x6780] =	vst v63  }
0x2f: {  	_ = 	snop  }
0x30: {  	[tilespmem:s12], [sflag:$0x1] =	stream.indirect.gather [hbm4b:s3+s7], $0x20, s11, s7, $0xb8;
	[tilespmem:$0x6780] =	vst v63  }
0x31: {  	_ = 	snop  }
0x32: {  	[tilespmem:s14], [sflag:$0x1] =	stream.indirect.gather [hbm4b:s3+s7], $0x20, s13, s7, $0xb8;
	[tilespmem:$0x6780] =	vst v63  }
0x33: {  	_ = 	snop  }
0x34: {  	[tilespmem:s16], [sflag:$0x1] =	stream.indirect.gather [hbm4b:s3+s7], $0x20, s15, s7, $0xb8;
	[tilespmem:$0x6780] =	vst v63  }
0x35: {  	_ = 	snop  }
0x36: {  	[tilespmem:s18], [sflag:$0x1] =	stream.indirect.gather [hbm4b:s3+s7], $0x20, s17, s7, $0xb8;
	[tilespmem:$0x6780] =	vst v63  }
0x37: {  	_ = 	snop  }
0x38: {  	[tilespmem:s20], [sflag:$0x1] =	stream.indirect.gather [hbm4b:s3+s7], $0x20, s19, s7, $0xb8;
	[tilespmem:$0x6780] =	vst v63  }
0x39: {  	_ = 	snop  }
0x3a: {  	[tilespmem:s22], [sflag:$0x1] =	stream.indirect.gather [hbm4b:s3+s7], $0x20, s21, s7, $0xb8;
	[tilespmem:$0x6780] =	vst v63  }
0x3b: {  	_ = 	snop  }
0x3c: {  	[tilespmem:s24], [sflag:$0x1] =	stream.indirect.gather [hbm4b:s3+s7], $0x20, s23, s7, $0xb8;
	[tilespmem:$0x6780] =	vst v63  }
0x3d: {  	_ = 	snop  }
0x3e: {  	[tilespmem:s26], [sflag:$0x1] =	stream.indirect.gather [hbm4b:s3+s7], $0x20, s25, s7, $0xb8;
	[tilespmem:$0x6780] =	vst v63  }
0x3f: {  	_ = 	snop  }
0x40: {  	[tilespmem:s29], [sflag:$0x1] =	stream.indirect.gather [hbm4b:s3+s7], $0x20, s28, s7, $0xb8;
	[tilespmem:$0x6780] =	vst v63  }
0x41: {  	_ =	swait.ge [sflag:s30], $0x640  }
0x42: {  	[sflag:s30] =	ssyncset.done $0x0  }
0x43: {  	[sflag:s30] =	ssyncadd.s32 $0xFFFFF9C0  }
0x44: {  	_ =	swait.ge [sflag:s30], $0x640  }
0x45: {  	[sflag:s30] =	ssyncset.done $0x0  }
0x46: {  	[sflag:s30] =	ssyncadd.s32 $0xFFFFF9C0  }
0x47: {  	_ =	swait.ge [sflag:s30], $0x640  }
0x48: {  	[sflag:s30] =	ssyncset.done $0x0  }
0x49: {  	[sflag:s30] =	ssyncadd.s32 $0xFFFFF9C0  }
0x4a: {  	_ =	swait.ge [sflag:s30], $0x640  }
0x4b: {  	[sflag:s30] =	ssyncset.done $0x0  }
0x4c: {  	[sflag:s30] =	ssyncadd.s32 $0xFFFFF9C0  }
0x4d: {  	_ =	swait.ge [sflag:s30], $0x640  }
0x4e: {  	[sflag:s30] =	ssyncset.done $0x0  }
0x4f: {  	[sflag:s30] =	ssyncadd.s32 $0xFFFFF9C0  }
0x50: {  	_ =	swait.ge [sflag:s30], $0x640  }
0x51: {  	[sflag:s30] =	ssyncset.done $0x0  }
0x52: {  	[sflag:s30] =	ssyncadd.s32 $0xFFFFF9C0  }
0x53: {  	_ =	swait.ge [sflag:s30], $0x640  }
0x54: {  	[sflag:s30] =	ssyncset.done $0x0  }
0x55: {  	[sflag:s30] =	ssyncadd.s32 $0xFFFFF9C0  }
0x56: {  	_ =	swait.ge [sflag:s30], $0x640  }
0x57: {  	[sflag:s30] =	ssyncset.done $0x0  }
0x58: {  	[sflag:s30] =	ssyncadd.s32 $0xFFFFF9C0  }
0x59: {  	_ =	swait.ge [sflag:s30], $0x640  }
0x5a: {  	[sflag:s30] =	ssyncset.done $0x0  }
0x5b: {  	[sflag:s30] =	ssyncadd.s32 $0xFFFFF9C0  }
0x5c: {  	_ =	swait.ge [sflag:s30], $0x640  }
0x5d: {  	[sflag:s30] =	ssyncset.done $0x0  }
0x5e: {  	[sflag:s30] =	ssyncadd.s32 $0xFFFFF9C0  }
0x5f: {  	_ =	swait.ge [sflag:s30], $0x640  }
0x60: {  	[sflag:s30] =	ssyncset.done $0x0  }
0x61: {  	[sflag:s30] =	ssyncadd.s32 $0xFFFFF9C0  }
0x62: {  	_ =	swait.ge [sflag:s30], $0x640  }
0x63: {  	[sflag:s30] =	ssyncset.done $0x0  }
0x64: {  	[sflag:s30] =	ssyncadd.s32 $0xFFFFF9C0  }
0x65: {  	_ =	swait.ge [sflag:s30], $0x640  }
0x66: {  	[sflag:s30] =	ssyncset.done $0x0  }
0x67: {  	[sflag:s30] =	ssyncadd.s32 $0xFFFFF9C0  }
0x68: {  	_ =	swait.ge [sflag:s30], $0x640  }
0x69: {  	[sflag:s30] =	ssyncset.done $0x0  }
0x6a: {  	[sflag:s30] =	ssyncadd.s32 $0xFFFFF9C0  }
0x6b: {  	_ =	swait.ge [sflag:s30], $0x640  }
0x6c: {  	[sflag:s30] =	ssyncset.done $0x0  }
0x6d: {  	[sflag:s30] =	ssyncadd.s32 $0xFFFFF9C0  }
0x6e: {  	_ =	swait.ge [sflag:s30], $0x640  }
0x6f: {  	s0 =	rddreg [dreg:$0xf]  }
0x70: {  	s1 =	simm.s32 $0x70;
	[sflag:s30] =	ssyncset.done $0x0;
	s5 =	smov.u32 s0  }
.LBB2_2:
0x71: {  	[sflag:s30] =	ssyncadd.s32 $0xFFFFF9C0  }
0x72: {  	[hbm4b:s0+s2] =	stream.linear.scatter [tilespmem:s8], [sflag:$0x2], $0x6400, $0x38;
	[tilespmem:$0x6780] =	vst v63  }
0x73: {  	_ =	swait.ge [sflag:s6], $0x6400  }
0x74: {  	s4 =	smov.u32 s1;
	s31 =	rddreg [dreg:$0x3];
	[sflag:s6] =	ssyncset.done $0x0  }
0x75: {  	[sflag:s6] =	ssyncadd.s32 $0xFFFF9C00;
	s4 =	sadd.s32 s4, s31  }
0x76: {  	[tilespmem:s2], [sflag:$0x2] =	stream.linear.gather [hbm4b:s4+s2], $0x380, $0x38;
	[tilespmem:$0x6780] =	vst v63  }
0x77: {  	_ =	swait.ge [sflag:s6], $0x380  }
0x78: {  	s4 =	rddreg [dreg:$0xd]  }
0x79: {  	s31 =	rddreg [dreg:$0xb]  }
0x7a: {  	s9 =	rddreg [dreg:$0x8]  }
0x7b: {  	[sflag:s6] =	ssyncset.done $0x0;
	s10 =	rddreg [dreg:$0x6]  }
0x7c: {  	s11 =	rddreg [dreg:$0x4];
	[sflag:s6] =	ssyncadd.s32 $0xFFFFFC80  }
0x7d: {  	[tilespmem:s8], [sflag:$0x1] =	stream.indirect.gather [hbm4b:s3+s7], $0x20, s2, s7, $0xb8;
	[tilespmem:$0x6780] =	vst v63  }
0x7e: {  	s12 =	rddreg [dreg:$0x5]  }
0x7f: {  	[tilespmem:s12], [sflag:$0x1] =	stream.indirect.gather [hbm4b:s3+s7], $0x20, s11, s7, $0xb8;
	[tilespmem:$0x6780] =	vst v63  }
0x80: {  	s13 =	rddreg [dreg:$0x7]  }
0x81: {  	[tilespmem:s13], [sflag:$0x1] =	stream.indirect.gather [hbm4b:s3+s7], $0x20, s10, s7, $0xb8;
	[tilespmem:$0x6780] =	vst v63  }
0x82: {  	s11 =	rddreg [dreg:$0x9]  }
0x83: {  	[tilespmem:s11], [sflag:$0x1] =	stream.indirect.gather [hbm4b:s3+s7], $0x20, s9, s7, $0xb8;
	[tilespmem:$0x6780] =	vst v63  }
0x84: {  	s10 =	rddreg [dreg:$0xa]  }
0x85: {  	[tilespmem:s31], [sflag:$0x1] =	stream.indirect.gather [hbm4b:s3+s7], $0x20, s10, s7, $0xb8;
	[tilespmem:$0x6780] =	vst v63  }
0x86: {  	s9 =	rddreg [dreg:$0xc]  }
0x87: {  	[tilespmem:s4], [sflag:$0x1] =	stream.indirect.gather [hbm4b:s3+s7], $0x20, s9, s7, $0xb8;
	[tilespmem:$0x6780] =	vst v63  }
0x88: {  	s10 =	simm.s32 $0x2900;
	s9 =	simm.s32 $0x150  }
0x89: {  	[tilespmem:s10], [sflag:$0x1] =	stream.indirect.gather [hbm4b:s3+s7], $0x20, s9, s7, $0xb8;
	[tilespmem:$0x6780] =	vst v63  }
0x8a: {  	s12 =	simm.s32 $0x2F40;
	s11 =	simm.s32 $0x188  }
0x8b: {  	[tilespmem:s12], [sflag:$0x1] =	stream.indirect.gather [hbm4b:s3+s7], $0x20, s11, s7, $0xb8;
	[tilespmem:$0x6780] =	vst v63  }
0x8c: {  	s13 =	simm.s32 $0x1C0  }
0x8d: {  	[tilespmem:s14], [sflag:$0x1] =	stream.indirect.gather [hbm4b:s3+s7], $0x20, s13, s7, $0xb8;
	[tilespmem:$0x6780] =	vst v63  }
0x8e: {  	_ = 	snop  }
0x8f: {  	[tilespmem:s16], [sflag:$0x1] =	stream.indirect.gather [hbm4b:s3+s7], $0x20, s15, s7, $0xb8;
	[tilespmem:$0x6780] =	vst v63  }
0x90: {  	_ = 	snop  }
0x91: {  	[tilespmem:s18], [sflag:$0x1] =	stream.indirect.gather [hbm4b:s3+s7], $0x20, s17, s7, $0xb8;
	[tilespmem:$0x6780] =	vst v63  }
0x92: {  	_ = 	snop  }
0x93: {  	[tilespmem:s20], [sflag:$0x1] =	stream.indirect.gather [hbm4b:s3+s7], $0x20, s19, s7, $0xb8;
	[tilespmem:$0x6780] =	vst v63  }
0x94: {  	_ = 	snop  }
0x95: {  	[tilespmem:s22], [sflag:$0x1] =	stream.indirect.gather [hbm4b:s3+s7], $0x20, s21, s7, $0xb8;
	[tilespmem:$0x6780] =	vst v63  }
0x96: {  	_ = 	snop  }
0x97: {  	[tilespmem:s24], [sflag:$0x1] =	stream.indirect.gather [hbm4b:s3+s7], $0x20, s23, s7, $0xb8;
	[tilespmem:$0x6780] =	vst v63  }
0x98: {  	_ = 	snop  }
0x99: {  	[tilespmem:s26], [sflag:$0x1] =	stream.indirect.gather [hbm4b:s3+s7], $0x20, s25, s7, $0xb8;
	[tilespmem:$0x6780] =	vst v63  }
0x9a: {  	_ = 	snop  }
0x9b: {  	[tilespmem:s29], [sflag:$0x1] =	stream.indirect.gather [hbm4b:s3+s7], $0x20, s28, s7, $0xb8;
	[tilespmem:$0x6780] =	vst v63  }
0x9c: {  	_ =	swait.ge [sflag:s30], $0x640  }
0x9d: {  	[sflag:s30] =	ssyncset.done $0x0  }
0x9e: {  	[sflag:s30] =	ssyncadd.s32 $0xFFFFF9C0  }
0x9f: {  	_ =	swait.ge [sflag:s30], $0x640  }
0xa0: {  	[sflag:s30] =	ssyncset.done $0x0  }
0xa1: {  	[sflag:s30] =	ssyncadd.s32 $0xFFFFF9C0  }
0xa2: {  	_ =	swait.ge [sflag:s30], $0x640  }
0xa3: {  	[sflag:s30] =	ssyncset.done $0x0  }
0xa4: {  	[sflag:s30] =	ssyncadd.s32 $0xFFFFF9C0  }
0xa5: {  	_ =	swait.ge [sflag:s30], $0x640  }
0xa6: {  	[sflag:s30] =	ssyncset.done $0x0  }
0xa7: {  	[sflag:s30] =	ssyncadd.s32 $0xFFFFF9C0  }
0xa8: {  	_ =	swait.ge [sflag:s30], $0x640  }
0xa9: {  	[sflag:s30] =	ssyncset.done $0x0  }
0xaa: {  	[sflag:s30] =	ssyncadd.s32 $0xFFFFF9C0  }
0xab: {  	_ =	swait.ge [sflag:s30], $0x640  }
0xac: {  	[sflag:s30] =	ssyncset.done $0x0  }
0xad: {  	[sflag:s30] =	ssyncadd.s32 $0xFFFFF9C0  }
0xae: {  	_ =	swait.ge [sflag:s30], $0x640  }
0xaf: {  	[sflag:s30] =	ssyncset.done $0x0  }
0xb0: {  	[sflag:s30] =	ssyncadd.s32 $0xFFFFF9C0  }
0xb1: {  	_ =	swait.ge [sflag:s30], $0x640  }
0xb2: {  	[sflag:s30] =	ssyncset.done $0x0  }
0xb3: {  	[sflag:s30] =	ssyncadd.s32 $0xFFFFF9C0  }
0xb4: {  	_ =	swait.ge [sflag:s30], $0x640  }
0xb5: {  	[sflag:s30] =	ssyncset.done $0x0  }
0xb6: {  	[sflag:s30] =	ssyncadd.s32 $0xFFFFF9C0  }
0xb7: {  	_ =	swait.ge [sflag:s30], $0x640  }
0xb8: {  	[sflag:s30] =	ssyncset.done $0x0  }
0xb9: {  	[sflag:s30] =	ssyncadd.s32 $0xFFFFF9C0  }
0xba: {  	_ =	swait.ge [sflag:s30], $0x640  }
0xbb: {  	[sflag:s30] =	ssyncset.done $0x0  }
0xbc: {  	[sflag:s30] =	ssyncadd.s32 $0xFFFFF9C0  }
0xbd: {  	_ =	swait.ge [sflag:s30], $0x640  }
0xbe: {  	[sflag:s30] =	ssyncset.done $0x0  }
0xbf: {  	[sflag:s30] =	ssyncadd.s32 $0xFFFFF9C0  }
0xc0: {  	_ =	swait.ge [sflag:s30], $0x640  }
0xc1: {  	[sflag:s30] =	ssyncset.done $0x0  }
0xc2: {  	[sflag:s30] =	ssyncadd.s32 $0xFFFFF9C0  }
0xc3: {  	_ =	swait.ge [sflag:s30], $0x640  }
0xc4: {  	[sflag:s30] =	ssyncset.done $0x0  }
0xc5: {  	p0 =	sne.s32 s1, $0xD90;
	[sflag:s30] =	ssyncadd.s32 $0xFFFFF9C0  }
.Ltmp0:
0xc6: {  	_ =	swait.ge [sflag:s30], $0x640;
	(pc) =	sbr.rel @p0 .LBB2_2-.Ltmp0, $4  }
0xc7: {  	[sflag:s30] =	ssyncset.done $0x0  }
0xc8: {  	[sflag:s30] =	ssyncadd.s32 $0xFFFFF9C0  }
0xc9: {  	s5 =	sadd.s32 $0xC80, s5;
	_ =	swait.ge [sflag:s30], $0x640  }
0xca: {  	s1 =	sadd.s32 $0x70, s1;
	s0 =	smov.u32 s5;
	[sflag:s30] =	ssyncset.done $0x0  }
0xcb: {  	[sflag:s30] =	ssyncadd.s32 $0xFFFFF9C0  }
0xcc: {  	[hbm4b:s0+s2] =	stream.linear.scatter [tilespmem:s8], [sflag:$0x2], $0x6400, $0x38;
	[tilespmem:$0x6780] =	vst v63  }
0xcd: {  	_ =	swait.ge [sflag:s6], $0x6400  }
0xce: {  	s1 =	rddreg [dreg:$0x10]  }
0xcf: {  	s31 =	rddreg [dreg:$0xe];
	s1 =	sadd.s32 $0x1, s1  }
0xd0: {  	p0 =	sne.s32 s1, s31  }
.Ltmp1:
0xd1: {  	_ = 	snop;
	(pc) =	sbr.rel @p0 .LBB2_1-.Ltmp1, $3  }
0xd2: {  	_ =	sdelay $0x1  }
0xd3: {  	[sflag:s6] =	ssyncset.done $0x0  }
0xd4: {  	[sflag:s6] =	ssyncadd.s32 $0xFFFF9C00  }
0xd5: {  	_ =	sfence.sel $0x180000  }
0xd6: {  	[bflag:$0x0] =	sbarrier.arrive $0xFFFF  }
0xd7: {  	_ =	strace $0x9000004A  }
0xd8: {  	s0 =	stileid.u32;
	[bflag:$0x2] =	sbarrier.arrive $0xFFFF  }
0xd9: {  	p0 =	sne.s32 s0, $0x0;
	s0 =	rddreg [dreg:$0x2]  }
0xda: {  	s0 =	sadd.s32 @!p0 $0x100000, s0  }
0xdb: {  	[sflag:s0] =	ssyncadd.tile.s32 @!p0 $0x1;
	_ =	shalt  }
.Lfunc_end2:
_tile_overlayer_lowered:
.L_overlay_start_2:
0xdc: {  	(tag) =	ssettag $0x2  }
0xdd: {  	s0 =	rddreg [dreg:$0x0];
	s2 =	stileid.u32  }
0xde: {  	s1 =	rddreg [dreg:$0x1];
	p0 =	sne.s32 s2, $0x0  }
0xdf: {  	s3 =	rddreg [dreg:$0x2];
	[bflag:$0x3] =	sbarrier.arrive $0xFFFF;
	s2 =	simm.s32 @!p0 $0x1C02  }
0xe0: {  	[timem:s3], [sflag:s2] =	dma.local @!p0 [hbm:s0], s1  }
0xe1: {  	s0 =	simm.s32 @!p0 $0x2  }
0xe2: {  	_ =	swait.ge @!p0 [sflag:s0], s1  }
0xe3: {  	s1 =	ssub.s32 @!p0 $0x0, s1;
	[sflag:s0] =	ssyncset.done @!p0 $0x0  }
0xe4: {  	[sflag:s0] =	ssyncadd.s32 @!p0 s1  }
0xe5: {  	[bflag:$0x3] =	sbarrier.arrive $0xFFFF  }
0xe6: {  	_ =	shalt  }

// kernel: sparse-core-data-format-call.cloned.1.call-start
scs
called_computation_lowered:
.L_overlay_start_0:
0x0: {  	s2 =	sld [smem:$0x3FD9]  }
0x1: {  	s3 =	sld [smem:$0x3FFE];
	_ =	sdelay $0x1  }
0x2: {  	s1 =	srdreg.scid  }
0x3: {  	s0 =	sand.u32 $0x1, s1  }
0x4: {  	s18 =	sshll.u32 s0, $0xA;
	s2 =	sadd.s32 s3, s2  }
0x5: {  	s2 =	sadd.s32 s2, s18  }
0x6: {  	[smem:$0x3FC6] =	sst s2  }
0x7: {  	_ = 	snop  }
0x8: {  	s2 =	sld [smem:$0x3FD0];
	(tm) =	ssettm $0x1  }
0x9: {  	s19 =	sld [smem:$0x3FFB];
	_ =	sdelay $0x3  }
0xa: {  	_ =	strace s19  }
0xb: {  	s3 =	sld [smem:$0x3FFC];
	_ =	sdelay $0x3  }
0xc: {  	_ =	strace s3  }
0xd: {  	s3 =	sld [smem:$0x3FFD];
	_ =	sdelay $0x3  }
0xe: {  	_ =	strace s3  }
0xf: {  	_ =	strace $0x8FFFFFFF  }
0x10: {  	s20 =	sld [smem:$0x3FDB];
	_ =	sdelay $0x1  }
0x11: {  	s4 =	simm.s32 $_scs_section_size  }
0x12: {  	s5 =	simm.s32 $_size__tile_overlayer_lowered;
	s6 =	simm.s32 $_tile_overlayer_lowered  }
0x13: {  	s23 =	simm.s32 $0x1BFF;
	s22 =	sshll.u32 s6, $0x1;
	s3 =	sadd.s32 s4, s20  }
0x14: {  	s7 =	simm.s32 $0x0;
	s21 =	sshll.u32 s5, $0x1;
	s5 =	sadd.s32 s22, s3  }
0x15: {  	[timem:s7], [sflag:s23] =	dma.local [hbm:s5], s21  }
0x16: {  	_ =	swait.ge [sflag:s23], s21  }
0x17: {  	s4 =	ssub.s32 $0x0, s21;
	[sflag:s23] =	ssyncset.done $0x0  }
0x18: {  	[sflag:s23] =	ssyncadd.s32 s4;
	_ =	sdelay $0x1  }
0x19: {  	s24 =	simm.s32 $0x1B8B  }
0x1a: {  	_ =	swait.ge [sflag:s24], $0x1  }
0x1b: {  	[sflag:s24] =	ssyncset.done $0x0  }
0x1c: {  	s26 =	simm.s32 $0x1B8E;
	s25 =	sld [smem:$0x3FFE];
	[sflag:s24] =	ssyncadd.s32 $0xFFFFFFFF  }
0x1d: {  	s27 =	simm.s32 $execute0_lowered;
	[smem:$0x3FD2] =	sst s26  }
0x1e: {  	s5 =	sshll.u32 s27, $0x1;
	_ =	strace $0x8000004C;
	[dreg:$0x1] =	wrdreg $0xFFFFFFFF  }
0x1f: {  	s28 =	simm.s32 $_size_execute0_lowered;
	s3 =	sadd.s32 s3, s5;
	[dreg:$0x0] =	wrdreg $0x0  }
0x20: {  	s5 =	sshll.u32 s28, $0x1;
	[dreg:$0x2] =	wrdreg s3  }
0x21: {  	[dreg:$0x3] =	wrdreg s5  }
0x22: {  	[dreg:$0x4] =	wrdreg $0xC0  }
0x23: {  	_ =	task [dreg:s7], $0x5FFFF  }
0x24: {  	[dreg:$0x1] =	wrdreg $0xFFFFFFFF  }
0x25: {  	[dreg:$0x0] =	wrdreg $0x60  }
0x26: {  	[dreg:$0x2] =	wrdreg s25  }
0x27: {  	[dreg:$0x3] =	wrdreg s2  }
0x28: {  	[dreg:$0x4] =	wrdreg $0x9  }
0x29: {  	_ =	task.clear_ibuf [dreg:s7], $0x5FFFF;
	_ =	strace $0x9000004C  }
0x2a: {  	s29 =	simm.s32 $0x9;
	_ =	strace $0x8000004E  }
0x2b: {  	_ =	swait.ge [sflag:s29], $0x1  }
0x2c: {  	[sflag:s29] =	ssyncadd.s32 $0xFFFFFFFF  }
0x2d: {  	_ =	strace $0x9000004E  }
0x2e: {  	_ =	sfence  }
0x2f: {  	s30 =	sld [smem:$0x0];
	_ =	sdelay $0x2  }
0x30: {  	s31 =	sshll.u32 s1, $0xD;
	s1 =	sshrl.u32 s1, $0x2  }
0x31: {  	s3 =	sand.u32 $0x4000, s31;
	s1 =	sadd.s32 s1, s30  }
0x32: {  	s0 =	sor.u32 s3, s0;
	s1 =	sshll.u32 s1, $0x11  }
0x33: {  	s0 =	sor.u32 s1, s0  }
0x34: {  	s0 =	sadd.s32 $0x8F2B, s0  }
0x35: {  	[sflag:s0] =	ssyncadd.remote.s32 $0x1  }
0x36: {  	_ =	sfence.sel $0xFFFF  }
0x37: {  	[dreg:$0x0] =	wrdreg $0xFFFFFFFF;
	(pc) =	sbr.abs _section_cstart, $3  }
0x38: {  	[dreg:$0x1] =	wrdreg $0xFFFFFFFF  }
0x39: {  	_ =	task.clear_ibuf [dreg:s7], $0x2FFFF;
	_ =	strace $0x9FFFFFFF  }
0x3a: {  	(tm) =	ssettm $0x7FFFFFFF  }
0x3b: {  	_ =	shalt  }
tec
execute0_lowered:
.L_overlay_start_1:
0x0: {  	(tag) =	ssettag $0x1  }
0x1: {  	s0 =	srdreg.scid  }
0x2: {  	s1 =	sshll.u32 s0, $0x4  }
0x3: {  	s0 =	stileid.u32;
	s1 =	sand.u32 $0x10, s1  }
0x4: {  	s1 =	sor.u32 s0, s1  }
0x5: {  	s6 =	rddreg [dreg:$0x0];
	s4 =	simm.s32 $0x1;
	s2 =	sshll.u32 s1, $0x7  }
0x6: {  	s7 =	simm.s32 $0x2;
	s12 =	simm.s32 $0x0;
	s1 =	ssub.s32 $0x4000, s2  }
0x7: {  	s8 =	simm.s32 $0x20000;
	s13 =	simm.s32 $0x0;
	s3 =	sand.u32 $0xF80, s1  }
0x8: {  	s9 =	simm.s32 $0x0;
	s5 =	sshrl.u32 s1, $0xC;
	p0 =	sne.s32 s3, $0x0  }
.Ltmp0:
0x9: {  	s1 =	rddreg [dreg:$0x2];
	s4 =	simm.s32 @!p0 $0x0;
	(pc) =	sbr.rel .LBB1_1-.Ltmp0, $4  }
0xa: {  	s11 =	simm.s32 $0x0;
	s3 =	rddreg [dreg:$0x1];
	s5 =	sadd.s32 s4, s5  }
0xb: {  	_ =	strace $0x8000004D;
	s4 =	simm.s32 $0x1;
	s5 =	smul.u32 $0x32, s5  }
0xc: {  	s6 =	sadd.s32 $0xE00, s6;
	s10 =	smov.u32 s2;
	[sflag:s4] =	ssyncpa.u1 $0x0  }
0xd: {  	p0 =	por $0x0, $0x0;
	[sflag:s7] =	ssyncpa.u1 $0x0;
	s7 =	sor.u32 $0x1, s5  }
.LBB1_4:
0xe: {  	s16 =	sshll.u32 s13, $0x3;
	s17 =	sand.u32 $0x78, s13  }
0xf: {  	s30 =	sand.u32 $0xF800, s13;
	s12 =	sshll.u32 s12, $0x10;
	s16 =	sand.u32 $0x3C00, s16  }
0x10: {  	s31 =	sand.u32 $0x7, s13;
	s16 =	sor.u32 s17, s16;
	s17 =	sadd.s32 s3, s30  }
0x11: {  	s13 =	sshll.u32 s31, $0x12;
	s16 =	sshrl.u32 s16, $0x3;
	s12 =	sadd.s32 s12, s17  }
0x12: {  	[tilespmem:s15+$0x0 ss:$0x81] =	vst.msk $0xffff, v0;
	s13 =	sor.u32 $0x400, s13;
	s12 =	sadd.s32 s16, s12  }
0x13: {  	[hbm4b:s12+s13] =	stream.strided.scatter [tilespmem:s14], [sflag:$0x2], $0x1000, s8, s13, $0x20;
	[tilespmem:$0x4040] =	vst v63  }
.LBB1_5:
0x14: {  	s14 =	sadd.s32 $0x1, s9  }
0x15: {  	s12 =	sadd.s32 $0x1000, s10;
	s16 =	smov.u32 s10;
	p2 =	sgt.s32 s14, $0x31  }
0x16: {  	s16 =	smov.u32 @p2 s12  }
0x17: {  	s14 =	simm.s32 @p2 $0x0;
	p2 =	sgt.s32 s16, $0x3FFF  }
0x18: {  	s16 =	smov.u32 @p2 s2;
	p2 =	sne.s32 s11, s7  }
.Ltmp1:
0x19: {  	p1 =	slt.u32 s11, $0x2;
	(pc) =	sbr.rel @!p2 .LBB1_6-.Ltmp1, $4  }
0x1a: {  	s15 =	simm.s32 @!p1 $0x2  }
0x1b: {  	s13 =	smov.u32 s10;
	p0 =	por !p0, !p0;
	_ =	swait.ge @!p1 [sflag:s15], $0x1000  }
0x1c: {  	s12 =	smov.u32 s9;
	[sflag:s15] =	ssyncset.done @!p1 $0x0;
	s9 =	smov.u32 s14  }
0x1d: {  	s11 =	sadd.s32 $0x1, s11;
	[sflag:s15] =	ssyncadd.s32 @!p1 $0xFFFFF000;
	s10 =	smov.u32 s16  }
.LBB1_1:
0x1e: {  	p1 =	sge.u32 s11, s5  }
0x1f: {  	s14 =	sand.u32 @!p1 $0x1FFFFFF, s9  }
0x20: {  	s15 =	smulhi.u32 @!p1 $0x4924925, s14;
	_ =	sdelay $0x1  }
0x21: {  	s15 =	smul.u32 @!p1 $0x38, s15  }
0x22: {  	s16 =	sxor.u32 @!p1 $0xFFFFFFFF, s11;
	s17 =	smul.u32 @!p1 $0x380, s10  }
0x23: {  	s31 =	sadd.s32 $0xFFFFFFFF, s11;
	s16 =	sshll.u32 @!p1 s16, $0xC;
	s14 =	ssub.s32 @!p1 s14, s15  }
0x24: {  	s15 =	sand.u32 @!p1 $0x1000, s16;
	s16 =	sadd.s32 @!p1 s6, s17;
	s14 =	sshll.u32 @!p1 s14, $0x4  }
0x25: {  	s17 =	simm.s32 @!p1 $0x1C00;
	s14 =	sadd.s32 @!p1 s14, s16;
	s16 =	simm.s32 @!p1 $0x20  }
0x26: {  	[tilespmem:s15], [sflag:$0x1] =	stream.strided.gather @!p1 [hbm4b:s14+s16], $0x1000, s17, s16, $0x38;
	[tilespmem:$0x4040] =	vst v63  }
0x27: {  	p1 =	sge.u32 s31, s5  }
.Ltmp2:
0x28: {  	_ = 	snop;
	(pc) =	sbr.rel @p1 .LBB1_5-.Ltmp2, $1  }
0x29: {  	_ =	sdelay $0x3  }
0x2a: {  	s14 =	simm.s32 $0x1  }
0x2b: {  	_ =	swait.ge [sflag:s4], $0x1000;
	s14 =	simm.s32 @!p0 $0x0  }
0x2c: {  	[sflag:s4] =	ssyncset.done $0x0;
	s15 =	sshll.u32 s14, $0xC  }
0x2d: {  	[sflag:s4] =	ssyncadd.s32 $0xFFFFF000;
	s18 =	sor.u32 $0x10, s15  }
0x2e: {  	s14 =	smul.u32 $0x4080, s14;
	v1 =	vld [tilespmem:s18+$0x0]  }
0x2f: {  	s30 =	sand.u32 $0x1, s11;
	v0 =	vld [tilespmem:s18+$0xFFFFFFF0]  }
0x30: {  	s15 =	smul.u32 $0x4080, s30;
	s14 =	sshrl.u32 s14, $0x2  }
0x31: {  	s16 =	sor.u32 $0x2000, s14  }
0x32: {  	s31 =	sshrl.u32 s15, $0x2;
	s15 =	sadd.s32 $0x0, s16  }
0x33: {  	s17 =	simm.s32 $0x4;
	s18 =	sadd.s32 $0x20, s18;
	s14 =	sor.u32 $0x2000, s31;
	[tilespmem:s15+$0x810 ss:$0x81] =	vst.msk $0xffff, v1  }
.LBB1_3:
0x34: {  	v1 =	vld [tilespmem:s18+$0x0];
	p1 =	sne.s32 s17, $0x1FC;
	[tilespmem:s15+$0x0 ss:$0x81] =	vst.msk $0xffff, v0;
	s15 =	smov.u32 s17;
	s17 =	sadd.s32 $0x4, s17  }
.Ltmp3:
0x35: {  	v0 =	vld [tilespmem:s18+$0xFFFFFFF0];
	(pc) =	sbr.rel @p1 .LBB1_3-.Ltmp3, $4  }
0x36: {  	_ = 	snop  }
0x37: {  	s15 =	sshra.s32 s15, $0x2  }
0x38: {  	s15 =	sadd.s32 s15, s16  }
0x39: {  	s18 =	sadd.s32 $0x20, s18;
	[tilespmem:s15+$0x810 ss:$0x81] =	vst.msk $0xffff, v1  }
.Ltmp4:
0x3a: {  	_ = 	snop;
	(pc) =	sbr.rel .LBB1_4-.Ltmp4, $1  }
0x3b: {  	_ =	sdelay $0x3  }
.LBB1_6:
0x3c: {  	_ =	sfence.sel $0x180000  }
0x3d: {  	s2 =	simm.s32 $0x1;
	[bflag:$0x0] =	sbarrier.arrive $0xFFFF  }
0x3e: {  	s31 =	simm.s32 $0x2;
	[sflag:s2] =	ssyncpa.u1 $0x1  }
0x3f: {  	[sflag:s31] =	ssyncpa.u1 $0x1  }
0x40: {  	p0 =	sne.s32 s0, $0x0;
	_ =	strace $0x9000004D  }
0x41: {  	s0 =	sadd.s32 @!p0 $0x100000, s1;
	[bflag:$0x2] =	sbarrier.arrive $0xFFFF  }
0x42: {  	[sflag:s0] =	ssyncadd.tile.s32 @!p0 $0x1;
	_ =	shalt  }
.Lfunc_end1:
_tile_overlayer_lowered:
.L_overlay_start_2:
0x43: {  	(tag) =	ssettag $0x2  }
0x44: {  	s0 =	rddreg [dreg:$0x0];
	s2 =	stileid.u32  }
0x45: {  	s1 =	rddreg [dreg:$0x1];
	p0 =	sne.s32 s2, $0x0  }
0x46: {  	s3 =	rddreg [dreg:$0x2];
	[bflag:$0x3] =	sbarrier.arrive $0xFFFF;
	s2 =	simm.s32 @!p0 $0x1C01  }
0x47: {  	[timem:s3], [sflag:s2] =	dma.local @!p0 [hbm:s0], s1  }
0x48: {  	s0 =	simm.s32 @!p0 $0x1  }
0x49: {  	_ =	swait.ge @!p0 [sflag:s0], s1  }
0x4a: {  	s1 =	ssub.s32 @!p0 $0x0, s1;
	[sflag:s0] =	ssyncset.done @!p0 $0x0  }
0x4b: {  	[sflag:s0] =	ssyncadd.s32 @!p0 s1  }
0x4c: {  	[bflag:$0x3] =	sbarrier.arrive $0xFFFF  }
0x4d: {  	_ =	shalt  }

</sc_bundles>
